<compile_context>
chip_gen: v7x
topology: tpu7x:2x2x1
jax: 0.10.2.dev20260603
libtpu: 0.0.44.dev20260713+nightly
codegen_flags: <defaults>
</compile_context>

<pallas_src>
import functools

import jax
import jax.numpy as jnp
from jax import lax
from jax.experimental import pallas as pl
from jax.experimental.pallas import tpu as pltpu
from jax.experimental.pallas import tpu_sc as plsc

T = 2048
N = 4096
L = 16
NV = N // L
TOPK = 6
NC = 2
NS = 16
NW = NC * NS
ROWS = T // NW
NB = 4
NQ = ROWS // NB
EPS = 1e-7
NEG = -jnp.inf


def _sortd(v):
    return plsc.sort_key_val(v, v, descending=True)[0]


def _merge16(a, b):
    return _sortd(jnp.maximum(a, jnp.flip(b)))


def _topk_stats(sorted_cands):
    m = sorted_cands[0]
    for t in sorted_cands[1:]:
        m = _merge16(m, t)
    delta = m[TOPK - 1]
    sumv = jnp.maximum(m - delta, 0.0)
    s = jnp.sum(sumv) + EPS
    return delta, s


def _sc_body(x_hbm, out_hbm, *bufs):
    xv = list(bufs[0:NB])
    wv = list(bufs[NB:2 * NB])
    si = list(bufs[2 * NB:3 * NB])
    so = list(bufs[3 * NB:4 * NB])
    wid = lax.axis_index("s") * NC + lax.axis_index("c")
    base = wid * ROWS

    for j in range(NB):
        pltpu.async_copy(x_hbm.at[base + j], xv[j], si[j])

    def p1_top3(bslot):
        def body(i, carry):
            t0, t1, t2 = carry
            v = xv[bslot][pl.ds(i * L, L)]
            n0 = jnp.maximum(t0, v); v = jnp.minimum(t0, v)
            n1 = jnp.maximum(t1, v); v = jnp.minimum(t1, v)
            n2 = jnp.maximum(t2, v)
            return (n0, n1, n2)

        neg = jnp.full((L,), NEG, jnp.float32)
        return lax.fori_loop(0, NV, body, (neg,) * 3, unroll=16)

    def p1_top6(bslot):
        def body(i, carry):
            t0, t1, t2, t3, t4, t5 = carry
            v = xv[bslot][pl.ds(i * L, L)]
            n0 = jnp.maximum(t0, v); v = jnp.minimum(t0, v)
            n1 = jnp.maximum(t1, v); v = jnp.minimum(t1, v)
            n2 = jnp.maximum(t2, v); v = jnp.minimum(t2, v)
            n3 = jnp.maximum(t3, v); v = jnp.minimum(t3, v)
            n4 = jnp.maximum(t4, v); v = jnp.minimum(t4, v)
            n5 = jnp.maximum(t5, v)
            return (n0, n1, n2, n3, n4, n5)

        neg = jnp.full((L,), NEG, jnp.float32)
        return lax.fori_loop(0, NV, body, (neg,) * 6, unroll=8)

    def quad(q, _):
        row0 = base + NB * q

        for j in range(NB):
            pltpu.make_async_copy(x_hbm.at[row0 + j], xv[j],
                                  si[j]).wait()

            sc3 = [_sortd(c) for c in p1_top3(j)]
            stats3 = _topk_stats(sc3)
            safe = sc3[2][0] <= stats3[0]

            def slow(j=j):
                return _topk_stats([_sortd(c) for c in p1_top6(j)])

            delta, s = lax.cond(safe, lambda: stats3, slow)
            inv = jnp.ones((L,), jnp.float32) / jnp.full((L,), s,
                                                         jnp.float32)

            @pl.when(q > 0)
            def _():
                pltpu.make_async_copy(wv[j], out_hbm.at[row0 + j - NB],
                                      so[j]).wait()

            @plsc.parallel_loop(0, NV, step=1, unroll=8)
            def p4(i):
                v = xv[j][pl.ds(i * L, L)]
                wv[j][pl.ds(i * L, L)] = jnp.maximum(v - delta, 0.0) * inv

            pltpu.async_copy(wv[j], out_hbm.at[row0 + j], so[j])

            @pl.when(q < NQ - 1)
            def _():
                pltpu.async_copy(x_hbm.at[row0 + j + NB], xv[j],
                                 si[j])

        return 0

    lax.fori_loop(0, NQ, quad, 0)
    for j in range(NB):
        pltpu.make_async_copy(wv[j], out_hbm.at[base + ROWS - NB + j],
                              so[j]).wait()


@jax.jit
def kernel(attn_s):
    x = attn_s.reshape(T, N)
    mesh = plsc.VectorSubcoreMesh(core_axis_name="c", subcore_axis_name="s")
    f = pl.kernel(
        _sc_body,
        out_type=jax.ShapeDtypeStruct((T, N), jnp.float32),
        mesh=mesh,
        scratch_types=(
            [pltpu.VMEM((N,), jnp.float32)] * (2 * NB)
            + [pltpu.SemaphoreType.DMA] * (2 * NB)
        ),
        compiler_params=pltpu.CompilerParams(needs_layout_passes=False),
    )
    return f(x)

# --- scband reference (transcript-rebuilt; emitter-appended) ---
"""Pipeline reference for scband-sparse-attention-18124761989667 (READ-ONLY COPY).

The authoritative reference and input builder live on the scoring server;
editing this copy changes nothing except your own understanding.
"""

import jax, jax.numpy as jnp
import numpy as np

TOP_K = 5 + 1  # module does top_k += 1 in __init__

def setup_inputs(seed: int = 0) -> dict:
    key = jax.random.key(seed)
    attn_s = jax.random.normal(key, (1, 2048, 4096), dtype=jnp.float32)
    return {"attn_s": attn_s}

def reference(attn_s):
    eps = 1e-07
    # torch.topk(attn_s, top_k, dim=2)[0][:, :, -1] -> k-th largest value per row, shape [1, T]
    topv, _ = jax.lax.top_k(attn_s, TOP_K)
    delta = topv[:, :, -1]  # [1, T]
    # permute(1,0) then repeat(1,1,N) reconstructs [1, T, N] broadcast of delta
    attn_w = attn_s - delta[:, :, None]
    attn_w = jnp.maximum(attn_w, 0.0)[0]  # clamp(min=0).squeeze(0) -> [T, N]
    attn_w_sum = jnp.sum(attn_w, axis=1, keepdims=True) + eps  # [T, 1]
    attn_w_normalize = attn_w / attn_w_sum
    return attn_w_normalize

if __name__ == "__main__":
    import jax
    _d = setup_inputs()
    print(jax.jit(kernel)(*tuple(_d.values())))

</pallas_src>

<mosaic_0001>
#map = affine_map<(d0, d1) -> (0, 0)>
module attributes {stable_mosaic.version = 14 : i64} {
  func.func @_sc_body(%arg0: i32, %arg1: i32, %arg2: memref<2048x4096xf32, #tpu.memory_space<hbm>>, %arg3: memref<2048x4096xf32, #tpu.memory_space<hbm>>, %arg4: memref<4096xf32, #tpu.memory_space<vmem>>, %arg5: memref<4096xf32, #tpu.memory_space<vmem>>, %arg6: memref<4096xf32, #tpu.memory_space<vmem>>, %arg7: memref<4096xf32, #tpu.memory_space<vmem>>, %arg8: memref<4096xf32, #tpu.memory_space<vmem>>, %arg9: memref<4096xf32, #tpu.memory_space<vmem>>, %arg10: memref<4096xf32, #tpu.memory_space<vmem>>, %arg11: memref<4096xf32, #tpu.memory_space<vmem>>, %arg12: memref<!tpu.dma_semaphore, #tpu.memory_space<semaphore_mem>>, %arg13: memref<!tpu.dma_semaphore, #tpu.memory_space<semaphore_mem>>, %arg14: memref<!tpu.dma_semaphore, #tpu.memory_space<semaphore_mem>>, %arg15: memref<!tpu.dma_semaphore, #tpu.memory_space<semaphore_mem>>, %arg16: memref<!tpu.dma_semaphore, #tpu.memory_space<semaphore_mem>>, %arg17: memref<!tpu.dma_semaphore, #tpu.memory_space<semaphore_mem>>, %arg18: memref<!tpu.dma_semaphore, #tpu.memory_space<semaphore_mem>>, %arg19: memref<!tpu.dma_semaphore, #tpu.memory_space<semaphore_mem>>) attributes {dimension_semantics = [#tpu.dimension_semantics<core_parallel>, #tpu.dimension_semantics<subcore_parallel>], iteration_bounds = array<i64: 2, 16>, scalar_prefetch = 0 : i64, scratch_operands = 16 : i64, tpu.core_type = #tpu.core_type<sc_vector_subcore>, window_params = [{transform_indices = #map}, {transform_indices = #map}]} {
    %mul3A = arith.constant 2 : i32
    %mul3A_0 = arith.muli %arg1, %mul3A : i32
    %add3A = arith.addi %mul3A_0, %arg0 : i32
    %mul3A_1 = arith.constant 64 : i32
    %mul3A_2 = arith.muli %add3A, %mul3A_1 : i32
    %add3A_3 = arith.constant 0 : i32
    %add3A_4 = arith.addi %mul3A_2, %add3A_3 : i32
    %dma_start3A = arith.constant 0 : i32
    %dma_start3A_5 = tpu.memref_slice %arg2[%add3A_4, %dma_start3A] : memref<2048x4096xf32, #tpu.memory_space<hbm>> -> memref<1x4096xf32, #tpu.memory_space<hbm>>
    %dma_start3A_6 = tpu.memref_squeeze %dma_start3A_5 : memref<1x4096xf32, #tpu.memory_space<hbm>> -> memref<4096xf32, #tpu.memory_space<hbm>>
    %dma_start3A_7 = arith.constant 0 : i32
    %dma_start3A_8 = tpu.memref_slice %arg2[%add3A_4, %dma_start3A_7] : memref<2048x4096xf32, #tpu.memory_space<hbm>> -> memref<1x4096xf32, #tpu.memory_space<hbm>>
    %dma_start3A_9 = tpu.memref_squeeze %dma_start3A_8 : memref<1x4096xf32, #tpu.memory_space<hbm>> -> memref<4096xf32, #tpu.memory_space<hbm>>
    tpu.enqueue_dma source(%dma_start3A_9 : memref<4096xf32, #tpu.memory_space<hbm>>) target(%arg4 : memref<4096xf32, #tpu.memory_space<vmem>>) target_semaphore(%arg12 : memref<!tpu.dma_semaphore, #tpu.memory_space<semaphore_mem>>)
    %add3A_10 = arith.constant 1 : i32
    %add3A_11 = arith.addi %mul3A_2, %add3A_10 : i32
    %dma_start3A_12 = arith.constant 0 : i32
    %dma_start3A_13 = tpu.memref_slice %arg2[%add3A_11, %dma_start3A_12] : memref<2048x4096xf32, #tpu.memory_space<hbm>> -> memref<1x4096xf32, #tpu.memory_space<hbm>>
    %dma_start3A_14 = tpu.memref_squeeze %dma_start3A_13 : memref<1x4096xf32, #tpu.memory_space<hbm>> -> memref<4096xf32, #tpu.memory_space<hbm>>
    %dma_start3A_15 = arith.constant 0 : i32
    %dma_start3A_16 = tpu.memref_slice %arg2[%add3A_11, %dma_start3A_15] : memref<2048x4096xf32, #tpu.memory_space<hbm>> -> memref<1x4096xf32, #tpu.memory_space<hbm>>
    %dma_start3A_17 = tpu.memref_squeeze %dma_start3A_16 : memref<1x4096xf32, #tpu.memory_space<hbm>> -> memref<4096xf32, #tpu.memory_space<hbm>>
    tpu.enqueue_dma source(%dma_start3A_17 : memref<4096xf32, #tpu.memory_space<hbm>>) target(%arg5 : memref<4096xf32, #tpu.memory_space<vmem>>) target_semaphore(%arg13 : memref<!tpu.dma_semaphore, #tpu.memory_space<semaphore_mem>>)
    %add3A_18 = arith.constant 2 : i32
    %add3A_19 = arith.addi %mul3A_2, %add3A_18 : i32
    %dma_start3A_20 = arith.constant 0 : i32
    %dma_start3A_21 = tpu.memref_slice %arg2[%add3A_19, %dma_start3A_20] : memref<2048x4096xf32, #tpu.memory_space<hbm>> -> memref<1x4096xf32, #tpu.memory_space<hbm>>
    %dma_start3A_22 = tpu.memref_squeeze %dma_start3A_21 : memref<1x4096xf32, #tpu.memory_space<hbm>> -> memref<4096xf32, #tpu.memory_space<hbm>>
    %dma_start3A_23 = arith.constant 0 : i32
    %dma_start3A_24 = tpu.memref_slice %arg2[%add3A_19, %dma_start3A_23] : memref<2048x4096xf32, #tpu.memory_space<hbm>> -> memref<1x4096xf32, #tpu.memory_space<hbm>>
    %dma_start3A_25 = tpu.memref_squeeze %dma_start3A_24 : memref<1x4096xf32, #tpu.memory_space<hbm>> -> memref<4096xf32, #tpu.memory_space<hbm>>
    tpu.enqueue_dma source(%dma_start3A_25 : memref<4096xf32, #tpu.memory_space<hbm>>) target(%arg6 : memref<4096xf32, #tpu.memory_space<vmem>>) target_semaphore(%arg14 : memref<!tpu.dma_semaphore, #tpu.memory_space<semaphore_mem>>)
    %add3A_26 = arith.constant 3 : i32
    %add3A_27 = arith.addi %mul3A_2, %add3A_26 : i32
    %dma_start3A_28 = arith.constant 0 : i32
    %dma_start3A_29 = tpu.memref_slice %arg2[%add3A_27, %dma_start3A_28] : memref<2048x4096xf32, #tpu.memory_space<hbm>> -> memref<1x4096xf32, #tpu.memory_space<hbm>>
    %dma_start3A_30 = tpu.memref_squeeze %dma_start3A_29 : memref<1x4096xf32, #tpu.memory_space<hbm>> -> memref<4096xf32, #tpu.memory_space<hbm>>
    %dma_start3A_31 = arith.constant 0 : i32
    %dma_start3A_32 = tpu.memref_slice %arg2[%add3A_27, %dma_start3A_31] : memref<2048x4096xf32, #tpu.memory_space<hbm>> -> memref<1x4096xf32, #tpu.memory_space<hbm>>
    %dma_start3A_33 = tpu.memref_squeeze %dma_start3A_32 : memref<1x4096xf32, #tpu.memory_space<hbm>> -> memref<4096xf32, #tpu.memory_space<hbm>>
    tpu.enqueue_dma source(%dma_start3A_33 : memref<4096xf32, #tpu.memory_space<hbm>>) target(%arg7 : memref<4096xf32, #tpu.memory_space<vmem>>) target_semaphore(%arg15 : memref<!tpu.dma_semaphore, #tpu.memory_space<semaphore_mem>>)
    %scan3A = arith.constant 0 : i32
    %scan3A_34 = arith.constant 0 : i32
    %scan3A_35 = arith.constant 16 : i32
    %scan3A_36 = arith.addi %scan3A_34, %scan3A_35 : i32
    %scan3A_37 = arith.constant 1 : i32
    %scan3A_38 = scf.for %scan3A_86 = %scan3A_34 to %scan3A_36 step %scan3A_37 iter_args(%scan3A_87 = %scan3A) -> (i32)  : i32 {
      %mul3A_88 = arith.constant 4 : i32
      %mul3A_89 = arith.muli %mul3A_88, %scan3A_86 : i32
      %add3A_90 = arith.addi %mul3A_2, %mul3A_89 : i32
      %add3A_91 = arith.constant 0 : i32
      %add3A_92 = arith.addi %add3A_90, %add3A_91 : i32
      %dma_wait3A_93 = arith.constant 0 : i32
      %dma_wait3A_94 = tpu.memref_slice %arg2[%add3A_92, %dma_wait3A_93] : memref<2048x4096xf32, #tpu.memory_space<hbm>> -> memref<1x4096xf32, #tpu.memory_space<hbm>>
      %dma_wait3A_95 = tpu.memref_squeeze %dma_wait3A_94 : memref<1x4096xf32, #tpu.memory_space<hbm>> -> memref<4096xf32, #tpu.memory_space<hbm>>
      %dma_wait3A_96 = arith.constant 0 : i32
      %dma_wait3A_97 = tpu.memref_slice %arg2[%add3A_92, %dma_wait3A_96] : memref<2048x4096xf32, #tpu.memory_space<hbm>> -> memref<1x4096xf32, #tpu.memory_space<hbm>>
      %dma_wait3A_98 = tpu.memref_squeeze %dma_wait3A_97 : memref<1x4096xf32, #tpu.memory_space<hbm>> -> memref<4096xf32, #tpu.memory_space<hbm>>
      tpu.wait_dma2 semaphore(%arg12 : memref<!tpu.dma_semaphore, #tpu.memory_space<semaphore_mem>>) src(%dma_wait3A_98 : memref<4096xf32, #tpu.memory_space<hbm>>) dst(%arg4 : memref<4096xf32, #tpu.memory_space<vmem>>)
      %broadcast_in_dim3A = arith.constant 0xFF800000 : f32
      %broadcast_in_dim3A_99 = vector.broadcast %broadcast_in_dim3A : f32 to vector<16xf32>
      %scan3A_100 = arith.constant 0 : i32
      %scan3A_101 = arith.constant 256 : i32
      %scan3A_102 = arith.addi %scan3A_100, %scan3A_101 : i32
      %scan3A_103 = arith.constant 16 : i32
      %scan3A_104:3 = scf.for %scan3A_450 = %scan3A_100 to %scan3A_102 step %scan3A_103 iter_args(%scan3A_451 = %broadcast_in_dim3A_99, %scan3A_452 = %broadcast_in_dim3A_99, %scan3A_453 = %broadcast_in_dim3A_99) -> (vector<16xf32>, vector<16xf32>, vector<16xf32>)  : i32 {
        %mul3A_454 = arith.constant 16 : i32
        %mul3A_455 = arith.muli %scan3A_450, %mul3A_454 : i32
        %get3A = arith.index_cast %mul3A_455 : i32 to index
        %get3A_456 = tpu.vector_load %arg4[%get3A] {strides = array<i32>} : memref<4096xf32, #tpu.memory_space<vmem>>, vector<16xf32>,
        %max3A_457 = arith.maximumf %scan3A_451, %get3A_456 : vector<16xf32>
        %min3A = arith.minimumf %scan3A_451, %get3A_456 : vector<16xf32>
        %max3A_458 = arith.maximumf %scan3A_452, %min3A : vector<16xf32>
        %min3A_459 = arith.minimumf %scan3A_452, %min3A : vector<16xf32>
        %max3A_460 = arith.maximumf %scan3A_453, %min3A_459 : vector<16xf32>
        %scan3A_461 = arith.constant 1 : i32
        %scan3A_462 = arith.addi %scan3A_450, %scan3A_461 : i32
        %mul3A_463 = arith.constant 16 : i32
        %mul3A_464 = arith.muli %scan3A_462, %mul3A_463 : i32
        %get3A_465 = arith.index_cast %mul3A_464 : i32 to index
        %get3A_466 = tpu.vector_load %arg4[%get3A_465] {strides = array<i32>} : memref<4096xf32, #tpu.memory_space<vmem>>, vector<16xf32>,
        %max3A_467 = arith.maximumf %max3A_457, %get3A_466 : vector<16xf32>
        %min3A_468 = arith.minimumf %max3A_457, %get3A_466 : vector<16xf32>
        %max3A_469 = arith.maximumf %max3A_458, %min3A_468 : vector<16xf32>
        %min3A_470 = arith.minimumf %max3A_458, %min3A_468 : vector<16xf32>
        %max3A_471 = arith.maximumf %max3A_460, %min3A_470 : vector<16xf32>
        %scan3A_472 = arith.constant 2 : i32
        %scan3A_473 = arith.addi %scan3A_450, %scan3A_472 : i32
        %mul3A_474 = arith.constant 16 : i32
        %mul3A_475 = arith.muli %scan3A_473, %mul3A_474 : i32
        %get3A_476 = arith.index_cast %mul3A_475 : i32 to index
        %get3A_477 = tpu.vector_load %arg4[%get3A_476] {strides = array<i32>} : memref<4096xf32, #tpu.memory_space<vmem>>, vector<16xf32>,
        %max3A_478 = arith.maximumf %max3A_467, %get3A_477 : vector<16xf32>
        %min3A_479 = arith.minimumf %max3A_467, %get3A_477 : vector<16xf32>
        %max3A_480 = arith.maximumf %max3A_469, %min3A_479 : vector<16xf32>
        %min3A_481 = arith.minimumf %max3A_469, %min3A_479 : vector<16xf32>
        %max3A_482 = arith.maximumf %max3A_471, %min3A_481 : vector<16xf32>
        %scan3A_483 = arith.constant 3 : i32
        %scan3A_484 = arith.addi %scan3A_450, %scan3A_483 : i32
        %mul3A_485 = arith.constant 16 : i32
        %mul3A_486 = arith.muli %scan3A_484, %mul3A_485 : i32
        %get3A_487 = arith.index_cast %mul3A_486 : i32 to index
        %get3A_488 = tpu.vector_load %arg4[%get3A_487] {strides = array<i32>} : memref<4096xf32, #tpu.memory_space<vmem>>, vector<16xf32>,
        %max3A_489 = arith.maximumf %max3A_478, %get3A_488 : vector<16xf32>
        %min3A_490 = arith.minimumf %max3A_478, %get3A_488 : vector<16xf32>
        %max3A_491 = arith.maximumf %max3A_480, %min3A_490 : vector<16xf32>
        %min3A_492 = arith.minimumf %max3A_480, %min3A_490 : vector<16xf32>
        %max3A_493 = arith.maximumf %max3A_482, %min3A_492 : vector<16xf32>
        %scan3A_494 = arith.constant 4 : i32
        %scan3A_495 = arith.addi %scan3A_450, %scan3A_494 : i32
        %mul3A_496 = arith.constant 16 : i32
        %mul3A_497 = arith.muli %scan3A_495, %mul3A_496 : i32
        %get3A_498 = arith.index_cast %mul3A_497 : i32 to index
        %get3A_499 = tpu.vector_load %arg4[%get3A_498] {strides = array<i32>} : memref<4096xf32, #tpu.memory_space<vmem>>, vector<16xf32>,
        %max3A_500 = arith.maximumf %max3A_489, %get3A_499 : vector<16xf32>
        %min3A_501 = arith.minimumf %max3A_489, %get3A_499 : vector<16xf32>
        %max3A_502 = arith.maximumf %max3A_491, %min3A_501 : vector<16xf32>
        %min3A_503 = arith.minimumf %max3A_491, %min3A_501 : vector<16xf32>
        %max3A_504 = arith.maximumf %max3A_493, %min3A_503 : vector<16xf32>
        %scan3A_505 = arith.constant 5 : i32
        %scan3A_506 = arith.addi %scan3A_450, %scan3A_505 : i32
        %mul3A_507 = arith.constant 16 : i32
        %mul3A_508 = arith.muli %scan3A_506, %mul3A_507 : i32
        %get3A_509 = arith.index_cast %mul3A_508 : i32 to index
        %get3A_510 = tpu.vector_load %arg4[%get3A_509] {strides = array<i32>} : memref<4096xf32, #tpu.memory_space<vmem>>, vector<16xf32>,
        %max3A_511 = arith.maximumf %max3A_500, %get3A_510 : vector<16xf32>
        %min3A_512 = arith.minimumf %max3A_500, %get3A_510 : vector<16xf32>
        %max3A_513 = arith.maximumf %max3A_502, %min3A_512 : vector<16xf32>
        %min3A_514 = arith.minimumf %max3A_502, %min3A_512 : vector<16xf32>
        %max3A_515 = arith.maximumf %max3A_504, %min3A_514 : vector<16xf32>
        %scan3A_516 = arith.constant 6 : i32
        %scan3A_517 = arith.addi %scan3A_450, %scan3A_516 : i32
        %mul3A_518 = arith.constant 16 : i32
        %mul3A_519 = arith.muli %scan3A_517, %mul3A_518 : i32
        %get3A_520 = arith.index_cast %mul3A_519 : i32 to index
        %get3A_521 = tpu.vector_load %arg4[%get3A_520] {strides = array<i32>} : memref<4096xf32, #tpu.memory_space<vmem>>, vector<16xf32>,
        %max3A_522 = arith.maximumf %max3A_511, %get3A_521 : vector<16xf32>
        %min3A_523 = arith.minimumf %max3A_511, %get3A_521 : vector<16xf32>
        %max3A_524 = arith.maximumf %max3A_513, %min3A_523 : vector<16xf32>
        %min3A_525 = arith.minimumf %max3A_513, %min3A_523 : vector<16xf32>
        %max3A_526 = arith.maximumf %max3A_515, %min3A_525 : vector<16xf32>
        %scan3A_527 = arith.constant 7 : i32
        %scan3A_528 = arith.addi %scan3A_450, %scan3A_527 : i32
        %mul3A_529 = arith.constant 16 : i32
        %mul3A_530 = arith.muli %scan3A_528, %mul3A_529 : i32
        %get3A_531 = arith.index_cast %mul3A_530 : i32 to index
        %get3A_532 = tpu.vector_load %arg4[%get3A_531] {strides = array<i32>} : memref<4096xf32, #tpu.memory_space<vmem>>, vector<16xf32>,
        %max3A_533 = arith.maximumf %max3A_522, %get3A_532 : vector<16xf32>
        %min3A_534 = arith.minimumf %max3A_522, %get3A_532 : vector<16xf32>
        %max3A_535 = arith.maximumf %max3A_524, %min3A_534 : vector<16xf32>
        %min3A_536 = arith.minimumf %max3A_524, %min3A_534 : vector<16xf32>
        %max3A_537 = arith.maximumf %max3A_526, %min3A_536 : vector<16xf32>
        %scan3A_538 = arith.constant 8 : i32
        %scan3A_539 = arith.addi %scan3A_450, %scan3A_538 : i32
        %mul3A_540 = arith.constant 16 : i32
        %mul3A_541 = arith.muli %scan3A_539, %mul3A_540 : i32
        %get3A_542 = arith.index_cast %mul3A_541 : i32 to index
        %get3A_543 = tpu.vector_load %arg4[%get3A_542] {strides = array<i32>} : memref<4096xf32, #tpu.memory_space<vmem>>, vector<16xf32>,
        %max3A_544 = arith.maximumf %max3A_533, %get3A_543 : vector<16xf32>
        %min3A_545 = arith.minimumf %max3A_533, %get3A_543 : vector<16xf32>
        %max3A_546 = arith.maximumf %max3A_535, %min3A_545 : vector<16xf32>
        %min3A_547 = arith.minimumf %max3A_535, %min3A_545 : vector<16xf32>
        %max3A_548 = arith.maximumf %max3A_537, %min3A_547 : vector<16xf32>
        %scan3A_549 = arith.constant 9 : i32
        %scan3A_550 = arith.addi %scan3A_450, %scan3A_549 : i32
        %mul3A_551 = arith.constant 16 : i32
        %mul3A_552 = arith.muli %scan3A_550, %mul3A_551 : i32
        %get3A_553 = arith.index_cast %mul3A_552 : i32 to index
        %get3A_554 = tpu.vector_load %arg4[%get3A_553] {strides = array<i32>} : memref<4096xf32, #tpu.memory_space<vmem>>, vector<16xf32>,
        %max3A_555 = arith.maximumf %max3A_544, %get3A_554 : vector<16xf32>
        %min3A_556 = arith.minimumf %max3A_544, %get3A_554 : vector<16xf32>
        %max3A_557 = arith.maximumf %max3A_546, %min3A_556 : vector<16xf32>
        %min3A_558 = arith.minimumf %max3A_546, %min3A_556 : vector<16xf32>
        %max3A_559 = arith.maximumf %max3A_548, %min3A_558 : vector<16xf32>
        %scan3A_560 = arith.constant 10 : i32
        %scan3A_561 = arith.addi %scan3A_450, %scan3A_560 : i32
        %mul3A_562 = arith.constant 16 : i32
        %mul3A_563 = arith.muli %scan3A_561, %mul3A_562 : i32
        %get3A_564 = arith.index_cast %mul3A_563 : i32 to index
        %get3A_565 = tpu.vector_load %arg4[%get3A_564] {strides = array<i32>} : memref<4096xf32, #tpu.memory_space<vmem>>, vector<16xf32>,
        %max3A_566 = arith.maximumf %max3A_555, %get3A_565 : vector<16xf32>
        %min3A_567 = arith.minimumf %max3A_555, %get3A_565 : vector<16xf32>
        %max3A_568 = arith.maximumf %max3A_557, %min3A_567 : vector<16xf32>
        %min3A_569 = arith.minimumf %max3A_557, %min3A_567 : vector<16xf32>
        %max3A_570 = arith.maximumf %max3A_559, %min3A_569 : vector<16xf32>
        %scan3A_571 = arith.constant 11 : i32
        %scan3A_572 = arith.addi %scan3A_450, %scan3A_571 : i32
        %mul3A_573 = arith.constant 16 : i32
        %mul3A_574 = arith.muli %scan3A_572, %mul3A_573 : i32
        %get3A_575 = arith.index_cast %mul3A_574 : i32 to index
        %get3A_576 = tpu.vector_load %arg4[%get3A_575] {strides = array<i32>} : memref<4096xf32, #tpu.memory_space<vmem>>, vector<16xf32>,
        %max3A_577 = arith.maximumf %max3A_566, %get3A_576 : vector<16xf32>
        %min3A_578 = arith.minimumf %max3A_566, %get3A_576 : vector<16xf32>
        %max3A_579 = arith.maximumf %max3A_568, %min3A_578 : vector<16xf32>
        %min3A_580 = arith.minimumf %max3A_568, %min3A_578 : vector<16xf32>
        %max3A_581 = arith.maximumf %max3A_570, %min3A_580 : vector<16xf32>
        %scan3A_582 = arith.constant 12 : i32
        %scan3A_583 = arith.addi %scan3A_450, %scan3A_582 : i32
        %mul3A_584 = arith.constant 16 : i32
        %mul3A_585 = arith.muli %scan3A_583, %mul3A_584 : i32
        %get3A_586 = arith.index_cast %mul3A_585 : i32 to index
        %get3A_587 = tpu.vector_load %arg4[%get3A_586] {strides = array<i32>} : memref<4096xf32, #tpu.memory_space<vmem>>, vector<16xf32>,
        %max3A_588 = arith.maximumf %max3A_577, %get3A_587 : vector<16xf32>
        %min3A_589 = arith.minimumf %max3A_577, %get3A_587 : vector<16xf32>
        %max3A_590 = arith.maximumf %max3A_579, %min3A_589 : vector<16xf32>
        %min3A_591 = arith.minimumf %max3A_579, %min3A_589 : vector<16xf32>
        %max3A_592 = arith.maximumf %max3A_581, %min3A_591 : vector<16xf32>
        %scan3A_593 = arith.constant 13 : i32
        %scan3A_594 = arith.addi %scan3A_450, %scan3A_593 : i32
        %mul3A_595 = arith.constant 16 : i32
        %mul3A_596 = arith.muli %scan3A_594, %mul3A_595 : i32
        %get3A_597 = arith.index_cast %mul3A_596 : i32 to index
        %get3A_598 = tpu.vector_load %arg4[%get3A_597] {strides = array<i32>} : memref<4096xf32, #tpu.memory_space<vmem>>, vector<16xf32>,
        %max3A_599 = arith.maximumf %max3A_588, %get3A_598 : vector<16xf32>
        %min3A_600 = arith.minimumf %max3A_588, %get3A_598 : vector<16xf32>
        %max3A_601 = arith.maximumf %max3A_590, %min3A_600 : vector<16xf32>
        %min3A_602 = arith.minimumf %max3A_590, %min3A_600 : vector<16xf32>
        %max3A_603 = arith.maximumf %max3A_592, %min3A_602 : vector<16xf32>
        %scan3A_604 = arith.constant 14 : i32
        %scan3A_605 = arith.addi %scan3A_450, %scan3A_604 : i32
        %mul3A_606 = arith.constant 16 : i32
        %mul3A_607 = arith.muli %scan3A_605, %mul3A_606 : i32
        %get3A_608 = arith.index_cast %mul3A_607 : i32 to index
        %get3A_609 = tpu.vector_load %arg4[%get3A_608] {strides = array<i32>} : memref<4096xf32, #tpu.memory_space<vmem>>, vector<16xf32>,
        %max3A_610 = arith.maximumf %max3A_599, %get3A_609 : vector<16xf32>
        %min3A_611 = arith.minimumf %max3A_599, %get3A_609 : vector<16xf32>
        %max3A_612 = arith.maximumf %max3A_601, %min3A_611 : vector<16xf32>
        %min3A_613 = arith.minimumf %max3A_601, %min3A_611 : vector<16xf32>
        %max3A_614 = arith.maximumf %max3A_603, %min3A_613 : vector<16xf32>
        %scan3A_615 = arith.constant 15 : i32
        %scan3A_616 = arith.addi %scan3A_450, %scan3A_615 : i32
        %mul3A_617 = arith.constant 16 : i32
        %mul3A_618 = arith.muli %scan3A_616, %mul3A_617 : i32
        %get3A_619 = arith.index_cast %mul3A_618 : i32 to index
        %get3A_620 = tpu.vector_load %arg4[%get3A_619] {strides = array<i32>} : memref<4096xf32, #tpu.memory_space<vmem>>, vector<16xf32>,
        %max3A_621 = arith.maximumf %max3A_610, %get3A_620 : vector<16xf32>
        %min3A_622 = arith.minimumf %max3A_610, %get3A_620 : vector<16xf32>
        %max3A_623 = arith.maximumf %max3A_612, %min3A_622 : vector<16xf32>
        %min3A_624 = arith.minimumf %max3A_612, %min3A_622 : vector<16xf32>
        %max3A_625 = arith.maximumf %max3A_614, %min3A_624 : vector<16xf32>
        scf.yield %max3A_621, %max3A_623, %max3A_625 : vector<16xf32>, vector<16xf32>, vector<16xf32>
      }
      %scan3A_105 = arith.constant 256 : i32
      %masked_sort3A = arith.constant dense<true> : vector<16xi1>
      %masked_sort3A_106, %masked_sort3A_107, %masked_sort3A_108 = tpu.sort %scan3A_104#0, %scan3A_104#0 masked %masked_sort3A {descending = true} : (vector<16xf32>, vector<16xf32>, vector<16xi1>) -> (vector<16xi1>, vector<16xf32>, vector<16xf32>)
      %masked_sort3A_109 = arith.constant dense<true> : vector<16xi1>
      %masked_sort3A_110, %masked_sort3A_111, %masked_sort3A_112 = tpu.sort %scan3A_104#1, %scan3A_104#1 masked %masked_sort3A_109 {descending = true} : (vector<16xf32>, vector<16xf32>, vector<16xi1>) -> (vector<16xi1>, vector<16xf32>, vector<16xf32>)
      %masked_sort3A_113 = arith.constant dense<true> : vector<16xi1>
      %masked_sort3A_114, %masked_sort3A_115, %masked_sort3A_116 = tpu.sort %scan3A_104#2, %scan3A_104#2 masked %masked_sort3A_113 {descending = true} : (vector<16xf32>, vector<16xf32>, vector<16xi1>) -> (vector<16xi1>, vector<16xf32>, vector<16xf32>)
      %rev3A = arith.constant 15 : i32
      %rev3A_117 = vector.broadcast %rev3A : i32 to vector<16xi32>
      %rev3A_118 = tpu.iota {dimensions = array<i32: 0>} : vector<16xi32>
      %rev3A_119 = arith.subi %rev3A_117, %rev3A_118 : vector<16xi32>
      %rev3A_120 = tpu.dynamic_gather %masked_sort3A_111[%rev3A_119] in [0] : vector<16xf32>, vector<16xi32> -> vector<16xf32>
      %max3A = arith.maximumf %masked_sort3A_107, %rev3A_120 : vector<16xf32>
      %masked_sort3A_121 = arith.constant dense<true> : vector<16xi1>
      %masked_sort3A_122, %masked_sort3A_123, %masked_sort3A_124 = tpu.sort %max3A, %max3A masked %masked_sort3A_121 {descending = true} : (vector<16xf32>, vector<16xf32>, vector<16xi1>) -> (vector<16xi1>, vector<16xf32>, vector<16xf32>)
      %rev3A_125 = arith.constant 15 : i32
      %rev3A_126 = vector.broadcast %rev3A_125 : i32 to vector<16xi32>
      %rev3A_127 = tpu.iota {dimensions = array<i32: 0>} : vector<16xi32>
      %rev3A_128 = arith.subi %rev3A_126, %rev3A_127 : vector<16xi32>
      %rev3A_129 = tpu.dynamic_gather %masked_sort3A_115[%rev3A_128] in [0] : vector<16xf32>, vector<16xi32> -> vector<16xf32>
      %max3A_130 = arith.maximumf %masked_sort3A_123, %rev3A_129 : vector<16xf32>
      %masked_sort3A_131 = arith.constant dense<true> : vector<16xi1>
      %masked_sort3A_132, %masked_sort3A_133, %masked_sort3A_134 = tpu.sort %max3A_130, %max3A_130 masked %masked_sort3A_131 {descending = true} : (vector<16xf32>, vector<16xf32>, vector<16xi1>) -> (vector<16xi1>, vector<16xf32>, vector<16xf32>)
      %slice3A = vector.extract_strided_slice %masked_sort3A_133 {offsets = [5], sizes = [1], strides = [1]} : vector<16xf32> to vector<1xf32>
      %squeeze3A = vector.extract %slice3A[0] : f32 from vector<1xf32>
      %sub3A_135 = vector.broadcast %squeeze3A : f32 to vector<16xf32>
      %sub3A_136 = arith.subf %masked_sort3A_133, %sub3A_135 : vector<16xf32>
      %max3A_137 = arith.constant 0.000000e+00 : f32
      %max3A_138 = vector.broadcast %max3A_137 : f32 to vector<16xf32>
      %max3A_139 = arith.maximumf %sub3A_136, %max3A_138 : vector<16xf32>
      %reduce_sum3A = arith.constant true
      %reduce_sum3A_140 = vector.broadcast %reduce_sum3A : i1 to vector<16xi1>
      %reduce_sum3A_141 = tpu.scan <sum>, %max3A_139 masked %reduce_sum3A_140 : vector<16xf32>, vector<16xi1> -> vector<16xf32>
      %reduce_sum3A_142 = vector.extract %reduce_sum3A_141[15] : f32 from vector<16xf32>
      %add3A_143 = arith.constant 1.000000e-07 : f32
      %add3A_144 = arith.addf %reduce_sum3A_142, %add3A_143 : f32
      %slice3A_145 = vector.extract_strided_slice %masked_sort3A_115 {offsets = [0], sizes = [1], strides = [1]} : vector<16xf32> to vector<1xf32>
      %squeeze3A_146 = vector.extract %slice3A_145[0] : f32 from vector<1xf32>
      %le3A = arith.cmpf ole, %squeeze3A_146, %squeeze3A : f32
      %convert_element_type3A = arith.extui %le3A : i1 to i32
      %cond3A = arith.constant 0 : i32
      %cond3A_147 = arith.cmpi ne, %convert_element_type3A, %cond3A : i32
      %cond3A_148:2 = scf.if %cond3A_147 -> (f32, f32) {
        scf.yield %squeeze3A, %add3A_144 : f32, f32
      } else {
        %broadcast_in_dim3A_450 = arith.constant 0xFF800000 : f32
        %broadcast_in_dim3A_451 = vector.broadcast %broadcast_in_dim3A_450 : f32 to vector<16xf32>
        %scan3A_452 = arith.constant 0 : i32
        %scan3A_453 = arith.constant 256 : i32
        %scan3A_454 = arith.addi %scan3A_452, %scan3A_453 : i32
        %scan3A_455 = arith.constant 8 : i32
        %scan3A_456:6 = scf.for %scan3A_545 = %scan3A_452 to %scan3A_454 step %scan3A_455 iter_args(%scan3A_546 = %broadcast_in_dim3A_451, %scan3A_547 = %broadcast_in_dim3A_451, %scan3A_548 = %broadcast_in_dim3A_451, %scan3A_549 = %broadcast_in_dim3A_451, %scan3A_550 = %broadcast_in_dim3A_451, %scan3A_551 = %broadcast_in_dim3A_451) -> (vector<16xf32>, vector<16xf32>, vector<16xf32>, vector<16xf32>, vector<16xf32>, vector<16xf32>)  : i32 {
          %mul3A_552 = arith.constant 16 : i32
          %mul3A_553 = arith.muli %scan3A_545, %mul3A_552 : i32
          %get3A = arith.index_cast %mul3A_553 : i32 to index
          %get3A_554 = tpu.vector_load %arg4[%get3A] {strides = array<i32>} : memref<4096xf32, #tpu.memory_space<vmem>>, vector<16xf32>,
          %max3A_555 = arith.maximumf %scan3A_546, %get3A_554 : vector<16xf32>
          %min3A = arith.minimumf %scan3A_546, %get3A_554 : vector<16xf32>
          %max3A_556 = arith.maximumf %scan3A_547, %min3A : vector<16xf32>
          %min3A_557 = arith.minimumf %scan3A_547, %min3A : vector<16xf32>
          %max3A_558 = arith.maximumf %scan3A_548, %min3A_557 : vector<16xf32>
          %min3A_559 = arith.minimumf %scan3A_548, %min3A_557 : vector<16xf32>
          %max3A_560 = arith.maximumf %scan3A_549, %min3A_559 : vector<16xf32>
          %min3A_561 = arith.minimumf %scan3A_549, %min3A_559 : vector<16xf32>
          %max3A_562 = arith.maximumf %scan3A_550, %min3A_561 : vector<16xf32>
          %min3A_563 = arith.minimumf %scan3A_550, %min3A_561 : vector<16xf32>
          %max3A_564 = arith.maximumf %scan3A_551, %min3A_563 : vector<16xf32>
          %scan3A_565 = arith.constant 1 : i32
          %scan3A_566 = arith.addi %scan3A_545, %scan3A_565 : i32
          %mul3A_567 = arith.constant 16 : i32
          %mul3A_568 = arith.muli %scan3A_566, %mul3A_567 : i32
          %get3A_569 = arith.index_cast %mul3A_568 : i32 to index
          %get3A_570 = tpu.vector_load %arg4[%get3A_569] {strides = array<i32>} : memref<4096xf32, #tpu.memory_space<vmem>>, vector<16xf32>,
          %max3A_571 = arith.maximumf %max3A_555, %get3A_570 : vector<16xf32>
          %min3A_572 = arith.minimumf %max3A_555, %get3A_570 : vector<16xf32>
          %max3A_573 = arith.maximumf %max3A_556, %min3A_572 : vector<16xf32>
          %min3A_574 = arith.minimumf %max3A_556, %min3A_572 : vector<16xf32>
          %max3A_575 = arith.maximumf %max3A_558, %min3A_574 : vector<16xf32>
          %min3A_576 = arith.minimumf %max3A_558, %min3A_574 : vector<16xf32>
          %max3A_577 = arith.maximumf %max3A_560, %min3A_576 : vector<16xf32>
          %min3A_578 = arith.minimumf %max3A_560, %min3A_576 : vector<16xf32>
          %max3A_579 = arith.maximumf %max3A_562, %min3A_578 : vector<16xf32>
          %min3A_580 = arith.minimumf %max3A_562, %min3A_578 : vector<16xf32>
          %max3A_581 = arith.maximumf %max3A_564, %min3A_580 : vector<16xf32>
          %scan3A_582 = arith.constant 2 : i32
          %scan3A_583 = arith.addi %scan3A_545, %scan3A_582 : i32
          %mul3A_584 = arith.constant 16 : i32
          %mul3A_585 = arith.muli %scan3A_583, %mul3A_584 : i32
          %get3A_586 = arith.index_cast %mul3A_585 : i32 to index
          %get3A_587 = tpu.vector_load %arg4[%get3A_586] {strides = array<i32>} : memref<4096xf32, #tpu.memory_space<vmem>>, vector<16xf32>,
          %max3A_588 = arith.maximumf %max3A_571, %get3A_587 : vector<16xf32>
          %min3A_589 = arith.minimumf %max3A_571, %get3A_587 : vector<16xf32>
          %max3A_590 = arith.maximumf %max3A_573, %min3A_589 : vector<16xf32>
          %min3A_591 = arith.minimumf %max3A_573, %min3A_589 : vector<16xf32>
          %max3A_592 = arith.maximumf %max3A_575, %min3A_591 : vector<16xf32>
          %min3A_593 = arith.minimumf %max3A_575, %min3A_591 : vector<16xf32>
          %max3A_594 = arith.maximumf %max3A_577, %min3A_593 : vector<16xf32>
          %min3A_595 = arith.minimumf %max3A_577, %min3A_593 : vector<16xf32>
          %max3A_596 = arith.maximumf %max3A_579, %min3A_595 : vector<16xf32>
          %min3A_597 = arith.minimumf %max3A_579, %min3A_595 : vector<16xf32>
          %max3A_598 = arith.maximumf %max3A_581, %min3A_597 : vector<16xf32>
          %scan3A_599 = arith.constant 3 : i32
          %scan3A_600 = arith.addi %scan3A_545, %scan3A_599 : i32
          %mul3A_601 = arith.constant 16 : i32
          %mul3A_602 = arith.muli %scan3A_600, %mul3A_601 : i32
          %get3A_603 = arith.index_cast %mul3A_602 : i32 to index
          %get3A_604 = tpu.vector_load %arg4[%get3A_603] {strides = array<i32>} : memref<4096xf32, #tpu.memory_space<vmem>>, vector<16xf32>,
          %max3A_605 = arith.maximumf %max3A_588, %get3A_604 : vector<16xf32>
          %min3A_606 = arith.minimumf %max3A_588, %get3A_604 : vector<16xf32>
          %max3A_607 = arith.maximumf %max3A_590, %min3A_606 : vector<16xf32>
          %min3A_608 = arith.minimumf %max3A_590, %min3A_606 : vector<16xf32>
          %max3A_609 = arith.maximumf %max3A_592, %min3A_608 : vector<16xf32>
          %min3A_610 = arith.minimumf %max3A_592, %min3A_608 : vector<16xf32>
          %max3A_611 = arith.maximumf %max3A_594, %min3A_610 : vector<16xf32>
          %min3A_612 = arith.minimumf %max3A_594, %min3A_610 : vector<16xf32>
          %max3A_613 = arith.maximumf %max3A_596, %min3A_612 : vector<16xf32>
          %min3A_614 = arith.minimumf %max3A_596, %min3A_612 : vector<16xf32>
          %max3A_615 = arith.maximumf %max3A_598, %min3A_614 : vector<16xf32>
          %scan3A_616 = arith.constant 4 : i32
          %scan3A_617 = arith.addi %scan3A_545, %scan3A_616 : i32
          %mul3A_618 = arith.constant 16 : i32
          %mul3A_619 = arith.muli %scan3A_617, %mul3A_618 : i32
          %get3A_620 = arith.index_cast %mul3A_619 : i32 to index
          %get3A_621 = tpu.vector_load %arg4[%get3A_620] {strides = array<i32>} : memref<4096xf32, #tpu.memory_space<vmem>>, vector<16xf32>,
          %max3A_622 = arith.maximumf %max3A_605, %get3A_621 : vector<16xf32>
          %min3A_623 = arith.minimumf %max3A_605, %get3A_621 : vector<16xf32>
          %max3A_624 = arith.maximumf %max3A_607, %min3A_623 : vector<16xf32>
          %min3A_625 = arith.minimumf %max3A_607, %min3A_623 : vector<16xf32>
          %max3A_626 = arith.maximumf %max3A_609, %min3A_625 : vector<16xf32>
          %min3A_627 = arith.minimumf %max3A_609, %min3A_625 : vector<16xf32>
          %max3A_628 = arith.maximumf %max3A_611, %min3A_627 : vector<16xf32>
          %min3A_629 = arith.minimumf %max3A_611, %min3A_627 : vector<16xf32>
          %max3A_630 = arith.maximumf %max3A_613, %min3A_629 : vector<16xf32>
          %min3A_631 = arith.minimumf %max3A_613, %min3A_629 : vector<16xf32>
          %max3A_632 = arith.maximumf %max3A_615, %min3A_631 : vector<16xf32>
          %scan3A_633 = arith.constant 5 : i32
          %scan3A_634 = arith.addi %scan3A_545, %scan3A_633 : i32
          %mul3A_635 = arith.constant 16 : i32
          %mul3A_636 = arith.muli %scan3A_634, %mul3A_635 : i32
          %get3A_637 = arith.index_cast %mul3A_636 : i32 to index
          %get3A_638 = tpu.vector_load %arg4[%get3A_637] {strides = array<i32>} : memref<4096xf32, #tpu.memory_space<vmem>>, vector<16xf32>,
          %max3A_639 = arith.maximumf %max3A_622, %get3A_638 : vector<16xf32>
          %min3A_640 = arith.minimumf %max3A_622, %get3A_638 : vector<16xf32>
          %max3A_641 = arith.maximumf %max3A_624, %min3A_640 : vector<16xf32>
          %min3A_642 = arith.minimumf %max3A_624, %min3A_640 : vector<16xf32>
          %max3A_643 = arith.maximumf %max3A_626, %min3A_642 : vector<16xf32>
          %min3A_644 = arith.minimumf %max3A_626, %min3A_642 : vector<16xf32>
          %max3A_645 = arith.maximumf %max3A_628, %min3A_644 : vector<16xf32>
          %min3A_646 = arith.minimumf %max3A_628, %min3A_644 : vector<16xf32>
          %max3A_647 = arith.maximumf %max3A_630, %min3A_646 : vector<16xf32>
          %min3A_648 = arith.minimumf %max3A_630, %min3A_646 : vector<16xf32>
          %max3A_649 = arith.maximumf %max3A_632, %min3A_648 : vector<16xf32>
          %scan3A_650 = arith.constant 6 : i32
          %scan3A_651 = arith.addi %scan3A_545, %scan3A_650 : i32
          %mul3A_652 = arith.constant 16 : i32
          %mul3A_653 = arith.muli %scan3A_651, %mul3A_652 : i32
          %get3A_654 = arith.index_cast %mul3A_653 : i32 to index
          %get3A_655 = tpu.vector_load %arg4[%get3A_654] {strides = array<i32>} : memref<4096xf32, #tpu.memory_space<vmem>>, vector<16xf32>,
          %max3A_656 = arith.maximumf %max3A_639, %get3A_655 : vector<16xf32>
          %min3A_657 = arith.minimumf %max3A_639, %get3A_655 : vector<16xf32>
          %max3A_658 = arith.maximumf %max3A_641, %min3A_657 : vector<16xf32>
          %min3A_659 = arith.minimumf %max3A_641, %min3A_657 : vector<16xf32>
          %max3A_660 = arith.maximumf %max3A_643, %min3A_659 : vector<16xf32>
          %min3A_661 = arith.minimumf %max3A_643, %min3A_659 : vector<16xf32>
          %max3A_662 = arith.maximumf %max3A_645, %min3A_661 : vector<16xf32>
          %min3A_663 = arith.minimumf %max3A_645, %min3A_661 : vector<16xf32>
          %max3A_664 = arith.maximumf %max3A_647, %min3A_663 : vector<16xf32>
          %min3A_665 = arith.minimumf %max3A_647, %min3A_663 : vector<16xf32>
          %max3A_666 = arith.maximumf %max3A_649, %min3A_665 : vector<16xf32>
          %scan3A_667 = arith.constant 7 : i32
          %scan3A_668 = arith.addi %scan3A_545, %scan3A_667 : i32
          %mul3A_669 = arith.constant 16 : i32
          %mul3A_670 = arith.muli %scan3A_668, %mul3A_669 : i32
          %get3A_671 = arith.index_cast %mul3A_670 : i32 to index
          %get3A_672 = tpu.vector_load %arg4[%get3A_671] {strides = array<i32>} : memref<4096xf32, #tpu.memory_space<vmem>>, vector<16xf32>,
          %max3A_673 = arith.maximumf %max3A_656, %get3A_672 : vector<16xf32>
          %min3A_674 = arith.minimumf %max3A_656, %get3A_672 : vector<16xf32>
          %max3A_675 = arith.maximumf %max3A_658, %min3A_674 : vector<16xf32>
          %min3A_676 = arith.minimumf %max3A_658, %min3A_674 : vector<16xf32>
          %max3A_677 = arith.maximumf %max3A_660, %min3A_676 : vector<16xf32>
          %min3A_678 = arith.minimumf %max3A_660, %min3A_676 : vector<16xf32>
          %max3A_679 = arith.maximumf %max3A_662, %min3A_678 : vector<16xf32>
          %min3A_680 = arith.minimumf %max3A_662, %min3A_678 : vector<16xf32>
          %max3A_681 = arith.maximumf %max3A_664, %min3A_680 : vector<16xf32>
          %min3A_682 = arith.minimumf %max3A_664, %min3A_680 : vector<16xf32>
          %max3A_683 = arith.maximumf %max3A_666, %min3A_682 : vector<16xf32>
          scf.yield %max3A_673, %max3A_675, %max3A_677, %max3A_679, %max3A_681, %max3A_683 : vector<16xf32>, vector<16xf32>, vector<16xf32>, vector<16xf32>, vector<16xf32>, vector<16xf32>
        }
        %scan3A_457 = arith.constant 256 : i32
        %masked_sort3A_458 = arith.constant dense<true> : vector<16xi1>
        %masked_sort3A_459, %masked_sort3A_460, %masked_sort3A_461 = tpu.sort %scan3A_456#0, %scan3A_456#0 masked %masked_sort3A_458 {descending = true} : (vector<16xf32>, vector<16xf32>, vector<16xi1>) -> (vector<16xi1>, vector<16xf32>, vector<16xf32>)
        %masked_sort3A_462 = arith.constant dense<true> : vector<16xi1>
        %masked_sort3A_463, %masked_sort3A_464, %masked_sort3A_465 = tpu.sort %scan3A_456#1, %scan3A_456#1 masked %masked_sort3A_462 {descending = true} : (vector<16xf32>, vector<16xf32>, vector<16xi1>) -> (vector<16xi1>, vector<16xf32>, vector<16xf32>)
        %masked_sort3A_466 = arith.constant dense<true> : vector<16xi1>
        %masked_sort3A_467, %masked_sort3A_468, %masked_sort3A_469 = tpu.sort %scan3A_456#2, %scan3A_456#2 masked %masked_sort3A_466 {descending = true} : (vector<16xf32>, vector<16xf32>, vector<16xi1>) -> (vector<16xi1>, vector<16xf32>, vector<16xf32>)
        %masked_sort3A_470 = arith.constant dense<true> : vector<16xi1>
        %masked_sort3A_471, %masked_sort3A_472, %masked_sort3A_473 = tpu.sort %scan3A_456#3, %scan3A_456#3 masked %masked_sort3A_470 {descending = true} : (vector<16xf32>, vector<16xf32>, vector<16xi1>) -> (vector<16xi1>, vector<16xf32>, vector<16xf32>)
        %masked_sort3A_474 = arith.constant dense<true> : vector<16xi1>
        %masked_sort3A_475, %masked_sort3A_476, %masked_sort3A_477 = tpu.sort %scan3A_456#4, %scan3A_456#4 masked %masked_sort3A_474 {descending = true} : (vector<16xf32>, vector<16xf32>, vector<16xi1>) -> (vector<16xi1>, vector<16xf32>, vector<16xf32>)
        %masked_sort3A_478 = arith.constant dense<true> : vector<16xi1>
        %masked_sort3A_479, %masked_sort3A_480, %masked_sort3A_481 = tpu.sort %scan3A_456#5, %scan3A_456#5 masked %masked_sort3A_478 {descending = true} : (vector<16xf32>, vector<16xf32>, vector<16xi1>) -> (vector<16xi1>, vector<16xf32>, vector<16xf32>)
        %rev3A_482 = arith.constant 15 : i32
        %rev3A_483 = vector.broadcast %rev3A_482 : i32 to vector<16xi32>
        %rev3A_484 = tpu.iota {dimensions = array<i32: 0>} : vector<16xi32>
        %rev3A_485 = arith.subi %rev3A_483, %rev3A_484 : vector<16xi32>
        %rev3A_486 = tpu.dynamic_gather %masked_sort3A_464[%rev3A_485] in [0] : vector<16xf32>, vector<16xi32> -> vector<16xf32>
        %max3A_487 = arith.maximumf %masked_sort3A_460, %rev3A_486 : vector<16xf32>
        %masked_sort3A_488 = arith.constant dense<true> : vector<16xi1>
        %masked_sort3A_489, %masked_sort3A_490, %masked_sort3A_491 = tpu.sort %max3A_487, %max3A_487 masked %masked_sort3A_488 {descending = true} : (vector<16xf32>, vector<16xf32>, vector<16xi1>) -> (vector<16xi1>, vector<16xf32>, vector<16xf32>)
        %rev3A_492 = arith.constant 15 : i32
        %rev3A_493 = vector.broadcast %rev3A_492 : i32 to vector<16xi32>
        %rev3A_494 = tpu.iota {dimensions = array<i32: 0>} : vector<16xi32>
        %rev3A_495 = arith.subi %rev3A_493, %rev3A_494 : vector<16xi32>
        %rev3A_496 = tpu.dynamic_gather %masked_sort3A_468[%rev3A_495] in [0] : vector<16xf32>, vector<16xi32> -> vector<16xf32>
        %max3A_497 = arith.maximumf %masked_sort3A_490, %rev3A_496 : vector<16xf32>
        %masked_sort3A_498 = arith.constant dense<true> : vector<16xi1>
        %masked_sort3A_499, %masked_sort3A_500, %masked_sort3A_501 = tpu.sort %max3A_497, %max3A_497 masked %masked_sort3A_498 {descending = true} : (vector<16xf32>, vector<16xf32>, vector<16xi1>) -> (vector<16xi1>, vector<16xf32>, vector<16xf32>)
        %rev3A_502 = arith.constant 15 : i32
        %rev3A_503 = vector.broadcast %rev3A_502 : i32 to vector<16xi32>
        %rev3A_504 = tpu.iota {dimensions = array<i32: 0>} : vector<16xi32>
        %rev3A_505 = arith.subi %rev3A_503, %rev3A_504 : vector<16xi32>
        %rev3A_506 = tpu.dynamic_gather %masked_sort3A_472[%rev3A_505] in [0] : vector<16xf32>, vector<16xi32> -> vector<16xf32>
        %max3A_507 = arith.maximumf %masked_sort3A_500, %rev3A_506 : vector<16xf32>
        %masked_sort3A_508 = arith.constant dense<true> : vector<16xi1>
        %masked_sort3A_509, %masked_sort3A_510, %masked_sort3A_511 = tpu.sort %max3A_507, %max3A_507 masked %masked_sort3A_508 {descending = true} : (vector<16xf32>, vector<16xf32>, vector<16xi1>) -> (vector<16xi1>, vector<16xf32>, vector<16xf32>)
        %rev3A_512 = arith.constant 15 : i32
        %rev3A_513 = vector.broadcast %rev3A_512 : i32 to vector<16xi32>
        %rev3A_514 = tpu.iota {dimensions = array<i32: 0>} : vector<16xi32>
        %rev3A_515 = arith.subi %rev3A_513, %rev3A_514 : vector<16xi32>
        %rev3A_516 = tpu.dynamic_gather %masked_sort3A_476[%rev3A_515] in [0] : vector<16xf32>, vector<16xi32> -> vector<16xf32>
        %max3A_517 = arith.maximumf %masked_sort3A_510, %rev3A_516 : vector<16xf32>
        %masked_sort3A_518 = arith.constant dense<true> : vector<16xi1>
        %masked_sort3A_519, %masked_sort3A_520, %masked_sort3A_521 = tpu.sort %max3A_517, %max3A_517 masked %masked_sort3A_518 {descending = true} : (vector<16xf32>, vector<16xf32>, vector<16xi1>) -> (vector<16xi1>, vector<16xf32>, vector<16xf32>)
        %rev3A_522 = arith.constant 15 : i32
        %rev3A_523 = vector.broadcast %rev3A_522 : i32 to vector<16xi32>
        %rev3A_524 = tpu.iota {dimensions = array<i32: 0>} : vector<16xi32>
        %rev3A_525 = arith.subi %rev3A_523, %rev3A_524 : vector<16xi32>
        %rev3A_526 = tpu.dynamic_gather %masked_sort3A_480[%rev3A_525] in [0] : vector<16xf32>, vector<16xi32> -> vector<16xf32>
        %max3A_527 = arith.maximumf %masked_sort3A_520, %rev3A_526 : vector<16xf32>
        %masked_sort3A_528 = arith.constant dense<true> : vector<16xi1>
        %masked_sort3A_529, %masked_sort3A_530, %masked_sort3A_531 = tpu.sort %max3A_527, %max3A_527 masked %masked_sort3A_528 {descending = true} : (vector<16xf32>, vector<16xf32>, vector<16xi1>) -> (vector<16xi1>, vector<16xf32>, vector<16xf32>)
        %slice3A_532 = vector.extract_strided_slice %masked_sort3A_530 {offsets = [5], sizes = [1], strides = [1]} : vector<16xf32> to vector<1xf32>
        %squeeze3A_533 = vector.extract %slice3A_532[0] : f32 from vector<1xf32>
        %sub3A_534 = vector.broadcast %squeeze3A_533 : f32 to vector<16xf32>
        %sub3A_535 = arith.subf %masked_sort3A_530, %sub3A_534 : vector<16xf32>
        %max3A_536 = arith.constant 0.000000e+00 : f32
        %max3A_537 = vector.broadcast %max3A_536 : f32 to vector<16xf32>
        %max3A_538 = arith.maximumf %sub3A_535, %max3A_537 : vector<16xf32>
        %reduce_sum3A_539 = arith.constant true
        %reduce_sum3A_540 = vector.broadcast %reduce_sum3A_539 : i1 to vector<16xi1>
        %reduce_sum3A_541 = tpu.scan <sum>, %max3A_538 masked %reduce_sum3A_540 : vector<16xf32>, vector<16xi1> -> vector<16xf32>
        %reduce_sum3A_542 = vector.extract %reduce_sum3A_541[15] : f32 from vector<16xf32>
        %add3A_543 = arith.constant 1.000000e-07 : f32
        %add3A_544 = arith.addf %reduce_sum3A_542, %add3A_543 : f32
        scf.yield %squeeze3A_533, %add3A_544 : f32, f32
      }
      %broadcast_in_dim3A_149 = arith.constant 1.000000e+00 : f32
      %broadcast_in_dim3A_150 = vector.broadcast %broadcast_in_dim3A_149 : f32 to vector<16xf32>
      %broadcast_in_dim3A_151 = vector.broadcast %cond3A_148#1 : f32 to vector<16xf32>
      %div3A = arith.divf %broadcast_in_dim3A_150, %broadcast_in_dim3A_151 : vector<16xf32>
      %gt3A = arith.constant 0 : i32
      %gt3A_152 = arith.cmpi sgt, %scan3A_86, %gt3A : i32
      %convert_element_type3A_153 = arith.extui %gt3A_152 : i1 to i32
      %cond3A_154 = arith.constant 0 : i32
      %cond3A_155 = arith.cmpi ne, %convert_element_type3A_153, %cond3A_154 : i32
      scf.if %cond3A_155 {
        %add3A_450 = arith.constant 0 : i32
        %add3A_451 = arith.addi %add3A_90, %add3A_450 : i32
        %sub3A_452 = arith.constant 4 : i32
        %sub3A_453 = arith.subi %add3A_451, %sub3A_452 : i32
        %dma_wait3A_454 = arith.constant 0 : i32
        %dma_wait3A_455 = tpu.memref_slice %arg3[%sub3A_453, %dma_wait3A_454] : memref<2048x4096xf32, #tpu.memory_space<hbm>> -> memref<1x4096xf32, #tpu.memory_space<hbm>>
        %dma_wait3A_456 = tpu.memref_squeeze %dma_wait3A_455 : memref<1x4096xf32, #tpu.memory_space<hbm>> -> memref<4096xf32, #tpu.memory_space<hbm>>
        %dma_wait3A_457 = arith.constant 0 : i32
        %dma_wait3A_458 = tpu.memref_slice %arg3[%sub3A_453, %dma_wait3A_457] : memref<2048x4096xf32, #tpu.memory_space<hbm>> -> memref<1x4096xf32, #tpu.memory_space<hbm>>
        %dma_wait3A_459 = tpu.memref_squeeze %dma_wait3A_458 : memref<1x4096xf32, #tpu.memory_space<hbm>> -> memref<4096xf32, #tpu.memory_space<hbm>>
        tpu.wait_dma2 semaphore(%arg16 : memref<!tpu.dma_semaphore, #tpu.memory_space<semaphore_mem>>) src(%arg8 : memref<4096xf32, #tpu.memory_space<vmem>>) dst(%dma_wait3A_459 : memref<4096xf32, #tpu.memory_space<hbm>>)
      } else {
      }
      %parallel_loop3A = arith.constant 0 : i32
      %parallel_loop3A_156 = arith.constant 256 : i32
      %parallel_loop3A_157 = arith.constant 1 : i32
      scf.for %parallel_loop3A_450 = %parallel_loop3A to %parallel_loop3A_156 step %parallel_loop3A_157  : i32 {
        %parallel_loop3A_451 = arith.constant 16 : i32
        %parallel_loop3A_452 = arith.muli %parallel_loop3A_450, %parallel_loop3A_451 : i32
        %parallel_loop3A_453 = arith.index_cast %parallel_loop3A_452 : i32 to index
        %parallel_loop3A_454 = tpu.vector_load %arg4[%parallel_loop3A_453] {strides = array<i32>} : memref<4096xf32, #tpu.memory_space<vmem>>, vector<16xf32>,
        %parallel_loop3A_455 = vector.broadcast %cond3A_148#0 : f32 to vector<16xf32>
        %parallel_loop3A_456 = arith.subf %parallel_loop3A_454, %parallel_loop3A_455 : vector<16xf32>
        %parallel_loop3A_457 = arith.constant 0.000000e+00 : f32
        %parallel_loop3A_458 = vector.broadcast %parallel_loop3A_457 : f32 to vector<16xf32>
        %parallel_loop3A_459 = arith.maximumf %parallel_loop3A_456, %parallel_loop3A_458 : vector<16xf32>
        %parallel_loop3A_460 = arith.mulf %parallel_loop3A_459, %div3A : vector<16xf32>
        %parallel_loop3A_461 = arith.constant 16 : i32
        %parallel_loop3A_462 = arith.muli %parallel_loop3A_450, %parallel_loop3A_461 : i32
        %parallel_loop3A_463 = arith.index_cast %parallel_loop3A_462 : i32 to index
        %parallel_loop3A_464 = tpu.vector_load %arg8[%parallel_loop3A_463] {strides = array<i32>} : memref<4096xf32, #tpu.memory_space<vmem>>, vector<16xf32>,
        tpu.vector_store %arg8[%parallel_loop3A_463], %parallel_loop3A_460 {strides = array<i32>} : memref<4096xf32, #tpu.memory_space<vmem>>, vector<16xf32>,
      } {sc.loop_unroll_factor = 8 : i64, sc.parallel_access}
      %add3A_158 = arith.constant 0 : i32
      %add3A_159 = arith.addi %add3A_90, %add3A_158 : i32
      %dma_start3A_160 = arith.constant 0 : i32
      %dma_start3A_161 = tpu.memref_slice %arg3[%add3A_159, %dma_start3A_160] : memref<2048x4096xf32, #tpu.memory_space<hbm>> -> memref<1x4096xf32, #tpu.memory_space<hbm>>
      %dma_start3A_162 = tpu.memref_squeeze %dma_start3A_161 : memref<1x4096xf32, #tpu.memory_space<hbm>> -> memref<4096xf32, #tpu.memory_space<hbm>>
      %dma_start3A_163 = arith.constant 0 : i32
      %dma_start3A_164 = tpu.memref_slice %arg3[%add3A_159, %dma_start3A_163] : memref<2048x4096xf32, #tpu.memory_space<hbm>> -> memref<1x4096xf32, #tpu.memory_space<hbm>>
      %dma_start3A_165 = tpu.memref_squeeze %dma_start3A_164 : memref<1x4096xf32, #tpu.memory_space<hbm>> -> memref<4096xf32, #tpu.memory_space<hbm>>
      tpu.enqueue_dma source(%arg8 : memref<4096xf32, #tpu.memory_space<vmem>>) target(%dma_start3A_165 : memref<4096xf32, #tpu.memory_space<hbm>>) target_semaphore(%arg16 : memref<!tpu.dma_semaphore, #tpu.memory_space<semaphore_mem>>)
      %lt3A = arith.constant 15 : i32
      %lt3A_166 = arith.cmpi slt, %scan3A_86, %lt3A : i32
      %convert_element_type3A_167 = arith.extui %lt3A_166 : i1 to i32
      %cond3A_168 = arith.constant 0 : i32
      %cond3A_169 = arith.cmpi ne, %convert_element_type3A_167, %cond3A_168 : i32
      scf.if %cond3A_169 {
        %add3A_450 = arith.constant 0 : i32
        %add3A_451 = arith.addi %add3A_90, %add3A_450 : i32
        %add3A_452 = arith.constant 4 : i32
        %add3A_453 = arith.addi %add3A_451, %add3A_452 : i32
        %dma_start3A_454 = arith.constant 0 : i32
        %dma_start3A_455 = tpu.memref_slice %arg2[%add3A_453, %dma_start3A_454] : memref<2048x4096xf32, #tpu.memory_space<hbm>> -> memref<1x4096xf32, #tpu.memory_space<hbm>>
        %dma_start3A_456 = tpu.memref_squeeze %dma_start3A_455 : memref<1x4096xf32, #tpu.memory_space<hbm>> -> memref<4096xf32, #tpu.memory_space<hbm>>
        %dma_start3A_457 = arith.constant 0 : i32
        %dma_start3A_458 = tpu.memref_slice %arg2[%add3A_453, %dma_start3A_457] : memref<2048x4096xf32, #tpu.memory_space<hbm>> -> memref<1x4096xf32, #tpu.memory_space<hbm>>
        %dma_start3A_459 = tpu.memref_squeeze %dma_start3A_458 : memref<1x4096xf32, #tpu.memory_space<hbm>> -> memref<4096xf32, #tpu.memory_space<hbm>>
        tpu.enqueue_dma source(%dma_start3A_459 : memref<4096xf32, #tpu.memory_space<hbm>>) target(%arg4 : memref<4096xf32, #tpu.memory_space<vmem>>) target_semaphore(%arg12 : memref<!tpu.dma_semaphore, #tpu.memory_space<semaphore_mem>>)
      } else {
      }
      %add3A_170 = arith.constant 1 : i32
      %add3A_171 = arith.addi %add3A_90, %add3A_170 : i32
      %dma_wait3A_172 = arith.constant 0 : i32
      %dma_wait3A_173 = tpu.memref_slice %arg2[%add3A_171, %dma_wait3A_172] : memref<2048x4096xf32, #tpu.memory_space<hbm>> -> memref<1x4096xf32, #tpu.memory_space<hbm>>
      %dma_wait3A_174 = tpu.memref_squeeze %dma_wait3A_173 : memref<1x4096xf32, #tpu.memory_space<hbm>> -> memref<4096xf32, #tpu.memory_space<hbm>>
      %dma_wait3A_175 = arith.constant 0 : i32
      %dma_wait3A_176 = tpu.memref_slice %arg2[%add3A_171, %dma_wait3A_175] : memref<2048x4096xf32, #tpu.memory_space<hbm>> -> memref<1x4096xf32, #tpu.memory_space<hbm>>
      %dma_wait3A_177 = tpu.memref_squeeze %dma_wait3A_176 : memref<1x4096xf32, #tpu.memory_space<hbm>> -> memref<4096xf32, #tpu.memory_space<hbm>>
      tpu.wait_dma2 semaphore(%arg13 : memref<!tpu.dma_semaphore, #tpu.memory_space<semaphore_mem>>) src(%dma_wait3A_177 : memref<4096xf32, #tpu.memory_space<hbm>>) dst(%arg5 : memref<4096xf32, #tpu.memory_space<vmem>>)
      %broadcast_in_dim3A_178 = arith.constant 0xFF800000 : f32
      %broadcast_in_dim3A_179 = vector.broadcast %broadcast_in_dim3A_178 : f32 to vector<16xf32>
      %scan3A_180 = arith.constant 0 : i32
      %scan3A_181 = arith.constant 256 : i32
      %scan3A_182 = arith.addi %scan3A_180, %scan3A_181 : i32
      %scan3A_183 = arith.constant 16 : i32
      %scan3A_184:3 = scf.for %scan3A_450 = %scan3A_180 to %scan3A_182 step %scan3A_183 iter_args(%scan3A_451 = %broadcast_in_dim3A_179, %scan3A_452 = %broadcast_in_dim3A_179, %scan3A_453 = %broadcast_in_dim3A_179) -> (vector<16xf32>, vector<16xf32>, vector<16xf32>)  : i32 {
        %mul3A_454 = arith.constant 16 : i32
        %mul3A_455 = arith.muli %scan3A_450, %mul3A_454 : i32
        %get3A = arith.index_cast %mul3A_455 : i32 to index
        %get3A_456 = tpu.vector_load %arg5[%get3A] {strides = array<i32>} : memref<4096xf32, #tpu.memory_space<vmem>>, vector<16xf32>,
        %max3A_457 = arith.maximumf %scan3A_451, %get3A_456 : vector<16xf32>
        %min3A = arith.minimumf %scan3A_451, %get3A_456 : vector<16xf32>
        %max3A_458 = arith.maximumf %scan3A_452, %min3A : vector<16xf32>
        %min3A_459 = arith.minimumf %scan3A_452, %min3A : vector<16xf32>
        %max3A_460 = arith.maximumf %scan3A_453, %min3A_459 : vector<16xf32>
        %scan3A_461 = arith.constant 1 : i32
        %scan3A_462 = arith.addi %scan3A_450, %scan3A_461 : i32
        %mul3A_463 = arith.constant 16 : i32
        %mul3A_464 = arith.muli %scan3A_462, %mul3A_463 : i32
        %get3A_465 = arith.index_cast %mul3A_464 : i32 to index
        %get3A_466 = tpu.vector_load %arg5[%get3A_465] {strides = array<i32>} : memref<4096xf32, #tpu.memory_space<vmem>>, vector<16xf32>,
        %max3A_467 = arith.maximumf %max3A_457, %get3A_466 : vector<16xf32>
        %min3A_468 = arith.minimumf %max3A_457, %get3A_466 : vector<16xf32>
        %max3A_469 = arith.maximumf %max3A_458, %min3A_468 : vector<16xf32>
        %min3A_470 = arith.minimumf %max3A_458, %min3A_468 : vector<16xf32>
        %max3A_471 = arith.maximumf %max3A_460, %min3A_470 : vector<16xf32>
        %scan3A_472 = arith.constant 2 : i32
        %scan3A_473 = arith.addi %scan3A_450, %scan3A_472 : i32
        %mul3A_474 = arith.constant 16 : i32
        %mul3A_475 = arith.muli %scan3A_473, %mul3A_474 : i32
        %get3A_476 = arith.index_cast %mul3A_475 : i32 to index
        %get3A_477 = tpu.vector_load %arg5[%get3A_476] {strides = array<i32>} : memref<4096xf32, #tpu.memory_space<vmem>>, vector<16xf32>,
        %max3A_478 = arith.maximumf %max3A_467, %get3A_477 : vector<16xf32>
        %min3A_479 = arith.minimumf %max3A_467, %get3A_477 : vector<16xf32>
        %max3A_480 = arith.maximumf %max3A_469, %min3A_479 : vector<16xf32>
        %min3A_481 = arith.minimumf %max3A_469, %min3A_479 : vector<16xf32>
        %max3A_482 = arith.maximumf %max3A_471, %min3A_481 : vector<16xf32>
        %scan3A_483 = arith.constant 3 : i32
        %scan3A_484 = arith.addi %scan3A_450, %scan3A_483 : i32
        %mul3A_485 = arith.constant 16 : i32
        %mul3A_486 = arith.muli %scan3A_484, %mul3A_485 : i32
        %get3A_487 = arith.index_cast %mul3A_486 : i32 to index
        %get3A_488 = tpu.vector_load %arg5[%get3A_487] {strides = array<i32>} : memref<4096xf32, #tpu.memory_space<vmem>>, vector<16xf32>,
        %max3A_489 = arith.maximumf %max3A_478, %get3A_488 : vector<16xf32>
        %min3A_490 = arith.minimumf %max3A_478, %get3A_488 : vector<16xf32>
        %max3A_491 = arith.maximumf %max3A_480, %min3A_490 : vector<16xf32>
        %min3A_492 = arith.minimumf %max3A_480, %min3A_490 : vector<16xf32>
        %max3A_493 = arith.maximumf %max3A_482, %min3A_492 : vector<16xf32>
        %scan3A_494 = arith.constant 4 : i32
        %scan3A_495 = arith.addi %scan3A_450, %scan3A_494 : i32
        %mul3A_496 = arith.constant 16 : i32
        %mul3A_497 = arith.muli %scan3A_495, %mul3A_496 : i32
        %get3A_498 = arith.index_cast %mul3A_497 : i32 to index
        %get3A_499 = tpu.vector_load %arg5[%get3A_498] {strides = array<i32>} : memref<4096xf32, #tpu.memory_space<vmem>>, vector<16xf32>,
        %max3A_500 = arith.maximumf %max3A_489, %get3A_499 : vector<16xf32>
        %min3A_501 = arith.minimumf %max3A_489, %get3A_499 : vector<16xf32>
        %max3A_502 = arith.maximumf %max3A_491, %min3A_501 : vector<16xf32>
        %min3A_503 = arith.minimumf %max3A_491, %min3A_501 : vector<16xf32>
        %max3A_504 = arith.maximumf %max3A_493, %min3A_503 : vector<16xf32>
        %scan3A_505 = arith.constant 5 : i32
        %scan3A_506 = arith.addi %scan3A_450, %scan3A_505 : i32
        %mul3A_507 = arith.constant 16 : i32
        %mul3A_508 = arith.muli %scan3A_506, %mul3A_507 : i32
        %get3A_509 = arith.index_cast %mul3A_508 : i32 to index
        %get3A_510 = tpu.vector_load %arg5[%get3A_509] {strides = array<i32>} : memref<4096xf32, #tpu.memory_space<vmem>>, vector<16xf32>,
        %max3A_511 = arith.maximumf %max3A_500, %get3A_510 : vector<16xf32>
        %min3A_512 = arith.minimumf %max3A_500, %get3A_510 : vector<16xf32>
        %max3A_513 = arith.maximumf %max3A_502, %min3A_512 : vector<16xf32>
        %min3A_514 = arith.minimumf %max3A_502, %min3A_512 : vector<16xf32>
        %max3A_515 = arith.maximumf %max3A_504, %min3A_514 : vector<16xf32>
        %scan3A_516 = arith.constant 6 : i32
        %scan3A_517 = arith.addi %scan3A_450, %scan3A_516 : i32
        %mul3A_518 = arith.constant 16 : i32
        %mul3A_519 = arith.muli %scan3A_517, %mul3A_518 : i32
        %get3A_520 = arith.index_cast %mul3A_519 : i32 to index
        %get3A_521 = tpu.vector_load %arg5[%get3A_520] {strides = array<i32>} : memref<4096xf32, #tpu.memory_space<vmem>>, vector<16xf32>,
        %max3A_522 = arith.maximumf %max3A_511, %get3A_521 : vector<16xf32>
        %min3A_523 = arith.minimumf %max3A_511, %get3A_521 : vector<16xf32>
        %max3A_524 = arith.maximumf %max3A_513, %min3A_523 : vector<16xf32>
        %min3A_525 = arith.minimumf %max3A_513, %min3A_523 : vector<16xf32>
        %max3A_526 = arith.maximumf %max3A_515, %min3A_525 : vector<16xf32>
        %scan3A_527 = arith.constant 7 : i32
        %scan3A_528 = arith.addi %scan3A_450, %scan3A_527 : i32
        %mul3A_529 = arith.constant 16 : i32
        %mul3A_530 = arith.muli %scan3A_528, %mul3A_529 : i32
        %get3A_531 = arith.index_cast %mul3A_530 : i32 to index
        %get3A_532 = tpu.vector_load %arg5[%get3A_531] {strides = array<i32>} : memref<4096xf32, #tpu.memory_space<vmem>>, vector<16xf32>,
        %max3A_533 = arith.maximumf %max3A_522, %get3A_532 : vector<16xf32>
        %min3A_534 = arith.minimumf %max3A_522, %get3A_532 : vector<16xf32>
        %max3A_535 = arith.maximumf %max3A_524, %min3A_534 : vector<16xf32>
        %min3A_536 = arith.minimumf %max3A_524, %min3A_534 : vector<16xf32>
        %max3A_537 = arith.maximumf %max3A_526, %min3A_536 : vector<16xf32>
        %scan3A_538 = arith.constant 8 : i32
        %scan3A_539 = arith.addi %scan3A_450, %scan3A_538 : i32
        %mul3A_540 = arith.constant 16 : i32
        %mul3A_541 = arith.muli %scan3A_539, %mul3A_540 : i32
        %get3A_542 = arith.index_cast %mul3A_541 : i32 to index
        %get3A_543 = tpu.vector_load %arg5[%get3A_542] {strides = array<i32>} : memref<4096xf32, #tpu.memory_space<vmem>>, vector<16xf32>,
        %max3A_544 = arith.maximumf %max3A_533, %get3A_543 : vector<16xf32>
        %min3A_545 = arith.minimumf %max3A_533, %get3A_543 : vector<16xf32>
        %max3A_546 = arith.maximumf %max3A_535, %min3A_545 : vector<16xf32>
        %min3A_547 = arith.minimumf %max3A_535, %min3A_545 : vector<16xf32>
        %max3A_548 = arith.maximumf %max3A_537, %min3A_547 : vector<16xf32>
        %scan3A_549 = arith.constant 9 : i32
        %scan3A_550 = arith.addi %scan3A_450, %scan3A_549 : i32
        %mul3A_551 = arith.constant 16 : i32
        %mul3A_552 = arith.muli %scan3A_550, %mul3A_551 : i32
        %get3A_553 = arith.index_cast %mul3A_552 : i32 to index
        %get3A_554 = tpu.vector_load %arg5[%get3A_553] {strides = array<i32>} : memref<4096xf32, #tpu.memory_space<vmem>>, vector<16xf32>,
        %max3A_555 = arith.maximumf %max3A_544, %get3A_554 : vector<16xf32>
        %min3A_556 = arith.minimumf %max3A_544, %get3A_554 : vector<16xf32>
        %max3A_557 = arith.maximumf %max3A_546, %min3A_556 : vector<16xf32>
        %min3A_558 = arith.minimumf %max3A_546, %min3A_556 : vector<16xf32>
        %max3A_559 = arith.maximumf %max3A_548, %min3A_558 : vector<16xf32>
        %scan3A_560 = arith.constant 10 : i32
        %scan3A_561 = arith.addi %scan3A_450, %scan3A_560 : i32
        %mul3A_562 = arith.constant 16 : i32
        %mul3A_563 = arith.muli %scan3A_561, %mul3A_562 : i32
        %get3A_564 = arith.index_cast %mul3A_563 : i32 to index
        %get3A_565 = tpu.vector_load %arg5[%get3A_564] {strides = array<i32>} : memref<4096xf32, #tpu.memory_space<vmem>>, vector<16xf32>,
        %max3A_566 = arith.maximumf %max3A_555, %get3A_565 : vector<16xf32>
        %min3A_567 = arith.minimumf %max3A_555, %get3A_565 : vector<16xf32>
        %max3A_568 = arith.maximumf %max3A_557, %min3A_567 : vector<16xf32>
        %min3A_569 = arith.minimumf %max3A_557, %min3A_567 : vector<16xf32>
        %max3A_570 = arith.maximumf %max3A_559, %min3A_569 : vector<16xf32>
        %scan3A_571 = arith.constant 11 : i32
        %scan3A_572 = arith.addi %scan3A_450, %scan3A_571 : i32
        %mul3A_573 = arith.constant 16 : i32
        %mul3A_574 = arith.muli %scan3A_572, %mul3A_573 : i32
        %get3A_575 = arith.index_cast %mul3A_574 : i32 to index
        %get3A_576 = tpu.vector_load %arg5[%get3A_575] {strides = array<i32>} : memref<4096xf32, #tpu.memory_space<vmem>>, vector<16xf32>,
        %max3A_577 = arith.maximumf %max3A_566, %get3A_576 : vector<16xf32>
        %min3A_578 = arith.minimumf %max3A_566, %get3A_576 : vector<16xf32>
        %max3A_579 = arith.maximumf %max3A_568, %min3A_578 : vector<16xf32>
        %min3A_580 = arith.minimumf %max3A_568, %min3A_578 : vector<16xf32>
        %max3A_581 = arith.maximumf %max3A_570, %min3A_580 : vector<16xf32>
        %scan3A_582 = arith.constant 12 : i32
        %scan3A_583 = arith.addi %scan3A_450, %scan3A_582 : i32
        %mul3A_584 = arith.constant 16 : i32
        %mul3A_585 = arith.muli %scan3A_583, %mul3A_584 : i32
        %get3A_586 = arith.index_cast %mul3A_585 : i32 to index
        %get3A_587 = tpu.vector_load %arg5[%get3A_586] {strides = array<i32>} : memref<4096xf32, #tpu.memory_space<vmem>>, vector<16xf32>,
        %max3A_588 = arith.maximumf %max3A_577, %get3A_587 : vector<16xf32>
        %min3A_589 = arith.minimumf %max3A_577, %get3A_587 : vector<16xf32>
        %max3A_590 = arith.maximumf %max3A_579, %min3A_589 : vector<16xf32>
        %min3A_591 = arith.minimumf %max3A_579, %min3A_589 : vector<16xf32>
        %max3A_592 = arith.maximumf %max3A_581, %min3A_591 : vector<16xf32>
        %scan3A_593 = arith.constant 13 : i32
        %scan3A_594 = arith.addi %scan3A_450, %scan3A_593 : i32
        %mul3A_595 = arith.constant 16 : i32
        %mul3A_596 = arith.muli %scan3A_594, %mul3A_595 : i32
        %get3A_597 = arith.index_cast %mul3A_596 : i32 to index
        %get3A_598 = tpu.vector_load %arg5[%get3A_597] {strides = array<i32>} : memref<4096xf32, #tpu.memory_space<vmem>>, vector<16xf32>,
        %max3A_599 = arith.maximumf %max3A_588, %get3A_598 : vector<16xf32>
        %min3A_600 = arith.minimumf %max3A_588, %get3A_598 : vector<16xf32>
        %max3A_601 = arith.maximumf %max3A_590, %min3A_600 : vector<16xf32>
        %min3A_602 = arith.minimumf %max3A_590, %min3A_600 : vector<16xf32>
        %max3A_603 = arith.maximumf %max3A_592, %min3A_602 : vector<16xf32>
        %scan3A_604 = arith.constant 14 : i32
        %scan3A_605 = arith.addi %scan3A_450, %scan3A_604 : i32
        %mul3A_606 = arith.constant 16 : i32
        %mul3A_607 = arith.muli %scan3A_605, %mul3A_606 : i32
        %get3A_608 = arith.index_cast %mul3A_607 : i32 to index
        %get3A_609 = tpu.vector_load %arg5[%get3A_608] {strides = array<i32>} : memref<4096xf32, #tpu.memory_space<vmem>>, vector<16xf32>,
        %max3A_610 = arith.maximumf %max3A_599, %get3A_609 : vector<16xf32>
        %min3A_611 = arith.minimumf %max3A_599, %get3A_609 : vector<16xf32>
        %max3A_612 = arith.maximumf %max3A_601, %min3A_611 : vector<16xf32>
        %min3A_613 = arith.minimumf %max3A_601, %min3A_611 : vector<16xf32>
        %max3A_614 = arith.maximumf %max3A_603, %min3A_613 : vector<16xf32>
        %scan3A_615 = arith.constant 15 : i32
        %scan3A_616 = arith.addi %scan3A_450, %scan3A_615 : i32
        %mul3A_617 = arith.constant 16 : i32
        %mul3A_618 = arith.muli %scan3A_616, %mul3A_617 : i32
        %get3A_619 = arith.index_cast %mul3A_618 : i32 to index
        %get3A_620 = tpu.vector_load %arg5[%get3A_619] {strides = array<i32>} : memref<4096xf32, #tpu.memory_space<vmem>>, vector<16xf32>,
        %max3A_621 = arith.maximumf %max3A_610, %get3A_620 : vector<16xf32>
        %min3A_622 = arith.minimumf %max3A_610, %get3A_620 : vector<16xf32>
        %max3A_623 = arith.maximumf %max3A_612, %min3A_622 : vector<16xf32>
        %min3A_624 = arith.minimumf %max3A_612, %min3A_622 : vector<16xf32>
        %max3A_625 = arith.maximumf %max3A_614, %min3A_624 : vector<16xf32>
        scf.yield %max3A_621, %max3A_623, %max3A_625 : vector<16xf32>, vector<16xf32>, vector<16xf32>
      }
      %scan3A_185 = arith.constant 256 : i32
      %masked_sort3A_186 = arith.constant dense<true> : vector<16xi1>
      %masked_sort3A_187, %masked_sort3A_188, %masked_sort3A_189 = tpu.sort %scan3A_184#0, %scan3A_184#0 masked %masked_sort3A_186 {descending = true} : (vector<16xf32>, vector<16xf32>, vector<16xi1>) -> (vector<16xi1>, vector<16xf32>, vector<16xf32>)
      %masked_sort3A_190 = arith.constant dense<true> : vector<16xi1>
      %masked_sort3A_191, %masked_sort3A_192, %masked_sort3A_193 = tpu.sort %scan3A_184#1, %scan3A_184#1 masked %masked_sort3A_190 {descending = true} : (vector<16xf32>, vector<16xf32>, vector<16xi1>) -> (vector<16xi1>, vector<16xf32>, vector<16xf32>)
      %masked_sort3A_194 = arith.constant dense<true> : vector<16xi1>
      %masked_sort3A_195, %masked_sort3A_196, %masked_sort3A_197 = tpu.sort %scan3A_184#2, %scan3A_184#2 masked %masked_sort3A_194 {descending = true} : (vector<16xf32>, vector<16xf32>, vector<16xi1>) -> (vector<16xi1>, vector<16xf32>, vector<16xf32>)
      %rev3A_198 = arith.constant 15 : i32
      %rev3A_199 = vector.broadcast %rev3A_198 : i32 to vector<16xi32>
      %rev3A_200 = tpu.iota {dimensions = array<i32: 0>} : vector<16xi32>
      %rev3A_201 = arith.subi %rev3A_199, %rev3A_200 : vector<16xi32>
      %rev3A_202 = tpu.dynamic_gather %masked_sort3A_192[%rev3A_201] in [0] : vector<16xf32>, vector<16xi32> -> vector<16xf32>
      %max3A_203 = arith.maximumf %masked_sort3A_188, %rev3A_202 : vector<16xf32>
      %masked_sort3A_204 = arith.constant dense<true> : vector<16xi1>
      %masked_sort3A_205, %masked_sort3A_206, %masked_sort3A_207 = tpu.sort %max3A_203, %max3A_203 masked %masked_sort3A_204 {descending = true} : (vector<16xf32>, vector<16xf32>, vector<16xi1>) -> (vector<16xi1>, vector<16xf32>, vector<16xf32>)
      %rev3A_208 = arith.constant 15 : i32
      %rev3A_209 = vector.broadcast %rev3A_208 : i32 to vector<16xi32>
      %rev3A_210 = tpu.iota {dimensions = array<i32: 0>} : vector<16xi32>
      %rev3A_211 = arith.subi %rev3A_209, %rev3A_210 : vector<16xi32>
      %rev3A_212 = tpu.dynamic_gather %masked_sort3A_196[%rev3A_211] in [0] : vector<16xf32>, vector<16xi32> -> vector<16xf32>
      %max3A_213 = arith.maximumf %masked_sort3A_206, %rev3A_212 : vector<16xf32>
      %masked_sort3A_214 = arith.constant dense<true> : vector<16xi1>
      %masked_sort3A_215, %masked_sort3A_216, %masked_sort3A_217 = tpu.sort %max3A_213, %max3A_213 masked %masked_sort3A_214 {descending = true} : (vector<16xf32>, vector<16xf32>, vector<16xi1>) -> (vector<16xi1>, vector<16xf32>, vector<16xf32>)
      %slice3A_218 = vector.extract_strided_slice %masked_sort3A_216 {offsets = [5], sizes = [1], strides = [1]} : vector<16xf32> to vector<1xf32>
      %squeeze3A_219 = vector.extract %slice3A_218[0] : f32 from vector<1xf32>
      %sub3A_220 = vector.broadcast %squeeze3A_219 : f32 to vector<16xf32>
      %sub3A_221 = arith.subf %masked_sort3A_216, %sub3A_220 : vector<16xf32>
      %max3A_222 = arith.constant 0.000000e+00 : f32
      %max3A_223 = vector.broadcast %max3A_222 : f32 to vector<16xf32>
      %max3A_224 = arith.maximumf %sub3A_221, %max3A_223 : vector<16xf32>
      %reduce_sum3A_225 = arith.constant true
      %reduce_sum3A_226 = vector.broadcast %reduce_sum3A_225 : i1 to vector<16xi1>
      %reduce_sum3A_227 = tpu.scan <sum>, %max3A_224 masked %reduce_sum3A_226 : vector<16xf32>, vector<16xi1> -> vector<16xf32>
      %reduce_sum3A_228 = vector.extract %reduce_sum3A_227[15] : f32 from vector<16xf32>
      %add3A_229 = arith.constant 1.000000e-07 : f32
      %add3A_230 = arith.addf %reduce_sum3A_228, %add3A_229 : f32
      %slice3A_231 = vector.extract_strided_slice %masked_sort3A_196 {offsets = [0], sizes = [1], strides = [1]} : vector<16xf32> to vector<1xf32>
      %squeeze3A_232 = vector.extract %slice3A_231[0] : f32 from vector<1xf32>
      %le3A_233 = arith.cmpf ole, %squeeze3A_232, %squeeze3A_219 : f32
      %convert_element_type3A_234 = arith.extui %le3A_233 : i1 to i32
      %cond3A_235 = arith.constant 0 : i32
      %cond3A_236 = arith.cmpi ne, %convert_element_type3A_234, %cond3A_235 : i32
      %cond3A_237:2 = scf.if %cond3A_236 -> (f32, f32) {
        scf.yield %squeeze3A_219, %add3A_230 : f32, f32
      } else {
        %broadcast_in_dim3A_450 = arith.constant 0xFF800000 : f32
        %broadcast_in_dim3A_451 = vector.broadcast %broadcast_in_dim3A_450 : f32 to vector<16xf32>
        %scan3A_452 = arith.constant 0 : i32
        %scan3A_453 = arith.constant 256 : i32
        %scan3A_454 = arith.addi %scan3A_452, %scan3A_453 : i32
        %scan3A_455 = arith.constant 8 : i32
        %scan3A_456:6 = scf.for %scan3A_545 = %scan3A_452 to %scan3A_454 step %scan3A_455 iter_args(%scan3A_546 = %broadcast_in_dim3A_451, %scan3A_547 = %broadcast_in_dim3A_451, %scan3A_548 = %broadcast_in_dim3A_451, %scan3A_549 = %broadcast_in_dim3A_451, %scan3A_550 = %broadcast_in_dim3A_451, %scan3A_551 = %broadcast_in_dim3A_451) -> (vector<16xf32>, vector<16xf32>, vector<16xf32>, vector<16xf32>, vector<16xf32>, vector<16xf32>)  : i32 {
          %mul3A_552 = arith.constant 16 : i32
          %mul3A_553 = arith.muli %scan3A_545, %mul3A_552 : i32
          %get3A = arith.index_cast %mul3A_553 : i32 to index
          %get3A_554 = tpu.vector_load %arg5[%get3A] {strides = array<i32>} : memref<4096xf32, #tpu.memory_space<vmem>>, vector<16xf32>,
          %max3A_555 = arith.maximumf %scan3A_546, %get3A_554 : vector<16xf32>
          %min3A = arith.minimumf %scan3A_546, %get3A_554 : vector<16xf32>
          %max3A_556 = arith.maximumf %scan3A_547, %min3A : vector<16xf32>
          %min3A_557 = arith.minimumf %scan3A_547, %min3A : vector<16xf32>
          %max3A_558 = arith.maximumf %scan3A_548, %min3A_557 : vector<16xf32>
          %min3A_559 = arith.minimumf %scan3A_548, %min3A_557 : vector<16xf32>
          %max3A_560 = arith.maximumf %scan3A_549, %min3A_559 : vector<16xf32>
          %min3A_561 = arith.minimumf %scan3A_549, %min3A_559 : vector<16xf32>
          %max3A_562 = arith.maximumf %scan3A_550, %min3A_561 : vector<16xf32>
          %min3A_563 = arith.minimumf %scan3A_550, %min3A_561 : vector<16xf32>
          %max3A_564 = arith.maximumf %scan3A_551, %min3A_563 : vector<16xf32>
          %scan3A_565 = arith.constant 1 : i32
          %scan3A_566 = arith.addi %scan3A_545, %scan3A_565 : i32
          %mul3A_567 = arith.constant 16 : i32
          %mul3A_568 = arith.muli %scan3A_566, %mul3A_567 : i32
          %get3A_569 = arith.index_cast %mul3A_568 : i32 to index
          %get3A_570 = tpu.vector_load %arg5[%get3A_569] {strides = array<i32>} : memref<4096xf32, #tpu.memory_space<vmem>>, vector<16xf32>,
          %max3A_571 = arith.maximumf %max3A_555, %get3A_570 : vector<16xf32>
          %min3A_572 = arith.minimumf %max3A_555, %get3A_570 : vector<16xf32>
          %max3A_573 = arith.maximumf %max3A_556, %min3A_572 : vector<16xf32>
          %min3A_574 = arith.minimumf %max3A_556, %min3A_572 : vector<16xf32>
          %max3A_575 = arith.maximumf %max3A_558, %min3A_574 : vector<16xf32>
          %min3A_576 = arith.minimumf %max3A_558, %min3A_574 : vector<16xf32>
          %max3A_577 = arith.maximumf %max3A_560, %min3A_576 : vector<16xf32>
          %min3A_578 = arith.minimumf %max3A_560, %min3A_576 : vector<16xf32>
          %max3A_579 = arith.maximumf %max3A_562, %min3A_578 : vector<16xf32>
          %min3A_580 = arith.minimumf %max3A_562, %min3A_578 : vector<16xf32>
          %max3A_581 = arith.maximumf %max3A_564, %min3A_580 : vector<16xf32>
          %scan3A_582 = arith.constant 2 : i32
          %scan3A_583 = arith.addi %scan3A_545, %scan3A_582 : i32
          %mul3A_584 = arith.constant 16 : i32
          %mul3A_585 = arith.muli %scan3A_583, %mul3A_584 : i32
          %get3A_586 = arith.index_cast %mul3A_585 : i32 to index
          %get3A_587 = tpu.vector_load %arg5[%get3A_586] {strides = array<i32>} : memref<4096xf32, #tpu.memory_space<vmem>>, vector<16xf32>,
          %max3A_588 = arith.maximumf %max3A_571, %get3A_587 : vector<16xf32>
          %min3A_589 = arith.minimumf %max3A_571, %get3A_587 : vector<16xf32>
          %max3A_590 = arith.maximumf %max3A_573, %min3A_589 : vector<16xf32>
          %min3A_591 = arith.minimumf %max3A_573, %min3A_589 : vector<16xf32>
          %max3A_592 = arith.maximumf %max3A_575, %min3A_591 : vector<16xf32>
          %min3A_593 = arith.minimumf %max3A_575, %min3A_591 : vector<16xf32>
          %max3A_594 = arith.maximumf %max3A_577, %min3A_593 : vector<16xf32>
          %min3A_595 = arith.minimumf %max3A_577, %min3A_593 : vector<16xf32>
          %max3A_596 = arith.maximumf %max3A_579, %min3A_595 : vector<16xf32>
          %min3A_597 = arith.minimumf %max3A_579, %min3A_595 : vector<16xf32>
          %max3A_598 = arith.maximumf %max3A_581, %min3A_597 : vector<16xf32>
          %scan3A_599 = arith.constant 3 : i32
          %scan3A_600 = arith.addi %scan3A_545, %scan3A_599 : i32
          %mul3A_601 = arith.constant 16 : i32
          %mul3A_602 = arith.muli %scan3A_600, %mul3A_601 : i32
          %get3A_603 = arith.index_cast %mul3A_602 : i32 to index
          %get3A_604 = tpu.vector_load %arg5[%get3A_603] {strides = array<i32>} : memref<4096xf32, #tpu.memory_space<vmem>>, vector<16xf32>,
          %max3A_605 = arith.maximumf %max3A_588, %get3A_604 : vector<16xf32>
          %min3A_606 = arith.minimumf %max3A_588, %get3A_604 : vector<16xf32>
          %max3A_607 = arith.maximumf %max3A_590, %min3A_606 : vector<16xf32>
          %min3A_608 = arith.minimumf %max3A_590, %min3A_606 : vector<16xf32>
          %max3A_609 = arith.maximumf %max3A_592, %min3A_608 : vector<16xf32>
          %min3A_610 = arith.minimumf %max3A_592, %min3A_608 : vector<16xf32>
          %max3A_611 = arith.maximumf %max3A_594, %min3A_610 : vector<16xf32>
          %min3A_612 = arith.minimumf %max3A_594, %min3A_610 : vector<16xf32>
          %max3A_613 = arith.maximumf %max3A_596, %min3A_612 : vector<16xf32>
          %min3A_614 = arith.minimumf %max3A_596, %min3A_612 : vector<16xf32>
          %max3A_615 = arith.maximumf %max3A_598, %min3A_614 : vector<16xf32>
          %scan3A_616 = arith.constant 4 : i32
          %scan3A_617 = arith.addi %scan3A_545, %scan3A_616 : i32
          %mul3A_618 = arith.constant 16 : i32
          %mul3A_619 = arith.muli %scan3A_617, %mul3A_618 : i32
          %get3A_620 = arith.index_cast %mul3A_619 : i32 to index
          %get3A_621 = tpu.vector_load %arg5[%get3A_620] {strides = array<i32>} : memref<4096xf32, #tpu.memory_space<vmem>>, vector<16xf32>,
          %max3A_622 = arith.maximumf %max3A_605, %get3A_621 : vector<16xf32>
          %min3A_623 = arith.minimumf %max3A_605, %get3A_621 : vector<16xf32>
          %max3A_624 = arith.maximumf %max3A_607, %min3A_623 : vector<16xf32>
          %min3A_625 = arith.minimumf %max3A_607, %min3A_623 : vector<16xf32>
          %max3A_626 = arith.maximumf %max3A_609, %min3A_625 : vector<16xf32>
          %min3A_627 = arith.minimumf %max3A_609, %min3A_625 : vector<16xf32>
          %max3A_628 = arith.maximumf %max3A_611, %min3A_627 : vector<16xf32>
          %min3A_629 = arith.minimumf %max3A_611, %min3A_627 : vector<16xf32>
          %max3A_630 = arith.maximumf %max3A_613, %min3A_629 : vector<16xf32>
          %min3A_631 = arith.minimumf %max3A_613, %min3A_629 : vector<16xf32>
          %max3A_632 = arith.maximumf %max3A_615, %min3A_631 : vector<16xf32>
          %scan3A_633 = arith.constant 5 : i32
          %scan3A_634 = arith.addi %scan3A_545, %scan3A_633 : i32
          %mul3A_635 = arith.constant 16 : i32
          %mul3A_636 = arith.muli %scan3A_634, %mul3A_635 : i32
          %get3A_637 = arith.index_cast %mul3A_636 : i32 to index
          %get3A_638 = tpu.vector_load %arg5[%get3A_637] {strides = array<i32>} : memref<4096xf32, #tpu.memory_space<vmem>>, vector<16xf32>,
          %max3A_639 = arith.maximumf %max3A_622, %get3A_638 : vector<16xf32>
          %min3A_640 = arith.minimumf %max3A_622, %get3A_638 : vector<16xf32>
          %max3A_641 = arith.maximumf %max3A_624, %min3A_640 : vector<16xf32>
          %min3A_642 = arith.minimumf %max3A_624, %min3A_640 : vector<16xf32>
          %max3A_643 = arith.maximumf %max3A_626, %min3A_642 : vector<16xf32>
          %min3A_644 = arith.minimumf %max3A_626, %min3A_642 : vector<16xf32>
          %max3A_645 = arith.maximumf %max3A_628, %min3A_644 : vector<16xf32>
          %min3A_646 = arith.minimumf %max3A_628, %min3A_644 : vector<16xf32>
          %max3A_647 = arith.maximumf %max3A_630, %min3A_646 : vector<16xf32>
          %min3A_648 = arith.minimumf %max3A_630, %min3A_646 : vector<16xf32>
          %max3A_649 = arith.maximumf %max3A_632, %min3A_648 : vector<16xf32>
          %scan3A_650 = arith.constant 6 : i32
          %scan3A_651 = arith.addi %scan3A_545, %scan3A_650 : i32
          %mul3A_652 = arith.constant 16 : i32
          %mul3A_653 = arith.muli %scan3A_651, %mul3A_652 : i32
          %get3A_654 = arith.index_cast %mul3A_653 : i32 to index
          %get3A_655 = tpu.vector_load %arg5[%get3A_654] {strides = array<i32>} : memref<4096xf32, #tpu.memory_space<vmem>>, vector<16xf32>,
          %max3A_656 = arith.maximumf %max3A_639, %get3A_655 : vector<16xf32>
          %min3A_657 = arith.minimumf %max3A_639, %get3A_655 : vector<16xf32>
          %max3A_658 = arith.maximumf %max3A_641, %min3A_657 : vector<16xf32>
          %min3A_659 = arith.minimumf %max3A_641, %min3A_657 : vector<16xf32>
          %max3A_660 = arith.maximumf %max3A_643, %min3A_659 : vector<16xf32>
          %min3A_661 = arith.minimumf %max3A_643, %min3A_659 : vector<16xf32>
          %max3A_662 = arith.maximumf %max3A_645, %min3A_661 : vector<16xf32>
          %min3A_663 = arith.minimumf %max3A_645, %min3A_661 : vector<16xf32>
          %max3A_664 = arith.maximumf %max3A_647, %min3A_663 : vector<16xf32>
          %min3A_665 = arith.minimumf %max3A_647, %min3A_663 : vector<16xf32>
          %max3A_666 = arith.maximumf %max3A_649, %min3A_665 : vector<16xf32>
          %scan3A_667 = arith.constant 7 : i32
          %scan3A_668 = arith.addi %scan3A_545, %scan3A_667 : i32
          %mul3A_669 = arith.constant 16 : i32
          %mul3A_670 = arith.muli %scan3A_668, %mul3A_669 : i32
          %get3A_671 = arith.index_cast %mul3A_670 : i32 to index
          %get3A_672 = tpu.vector_load %arg5[%get3A_671] {strides = array<i32>} : memref<4096xf32, #tpu.memory_space<vmem>>, vector<16xf32>,
          %max3A_673 = arith.maximumf %max3A_656, %get3A_672 : vector<16xf32>
          %min3A_674 = arith.minimumf %max3A_656, %get3A_672 : vector<16xf32>
          %max3A_675 = arith.maximumf %max3A_658, %min3A_674 : vector<16xf32>
          %min3A_676 = arith.minimumf %max3A_658, %min3A_674 : vector<16xf32>
          %max3A_677 = arith.maximumf %max3A_660, %min3A_676 : vector<16xf32>
          %min3A_678 = arith.minimumf %max3A_660, %min3A_676 : vector<16xf32>
          %max3A_679 = arith.maximumf %max3A_662, %min3A_678 : vector<16xf32>
          %min3A_680 = arith.minimumf %max3A_662, %min3A_678 : vector<16xf32>
          %max3A_681 = arith.maximumf %max3A_664, %min3A_680 : vector<16xf32>
          %min3A_682 = arith.minimumf %max3A_664, %min3A_680 : vector<16xf32>
          %max3A_683 = arith.maximumf %max3A_666, %min3A_682 : vector<16xf32>
          scf.yield %max3A_673, %max3A_675, %max3A_677, %max3A_679, %max3A_681, %max3A_683 : vector<16xf32>, vector<16xf32>, vector<16xf32>, vector<16xf32>, vector<16xf32>, vector<16xf32>
        }
        %scan3A_457 = arith.constant 256 : i32
        %masked_sort3A_458 = arith.constant dense<true> : vector<16xi1>
        %masked_sort3A_459, %masked_sort3A_460, %masked_sort3A_461 = tpu.sort %scan3A_456#0, %scan3A_456#0 masked %masked_sort3A_458 {descending = true} : (vector<16xf32>, vector<16xf32>, vector<16xi1>) -> (vector<16xi1>, vector<16xf32>, vector<16xf32>)
        %masked_sort3A_462 = arith.constant dense<true> : vector<16xi1>
        %masked_sort3A_463, %masked_sort3A_464, %masked_sort3A_465 = tpu.sort %scan3A_456#1, %scan3A_456#1 masked %masked_sort3A_462 {descending = true} : (vector<16xf32>, vector<16xf32>, vector<16xi1>) -> (vector<16xi1>, vector<16xf32>, vector<16xf32>)
        %masked_sort3A_466 = arith.constant dense<true> : vector<16xi1>
        %masked_sort3A_467, %masked_sort3A_468, %masked_sort3A_469 = tpu.sort %scan3A_456#2, %scan3A_456#2 masked %masked_sort3A_466 {descending = true} : (vector<16xf32>, vector<16xf32>, vector<16xi1>) -> (vector<16xi1>, vector<16xf32>, vector<16xf32>)
        %masked_sort3A_470 = arith.constant dense<true> : vector<16xi1>
        %masked_sort3A_471, %masked_sort3A_472, %masked_sort3A_473 = tpu.sort %scan3A_456#3, %scan3A_456#3 masked %masked_sort3A_470 {descending = true} : (vector<16xf32>, vector<16xf32>, vector<16xi1>) -> (vector<16xi1>, vector<16xf32>, vector<16xf32>)
        %masked_sort3A_474 = arith.constant dense<true> : vector<16xi1>
        %masked_sort3A_475, %masked_sort3A_476, %masked_sort3A_477 = tpu.sort %scan3A_456#4, %scan3A_456#4 masked %masked_sort3A_474 {descending = true} : (vector<16xf32>, vector<16xf32>, vector<16xi1>) -> (vector<16xi1>, vector<16xf32>, vector<16xf32>)
        %masked_sort3A_478 = arith.constant dense<true> : vector<16xi1>
        %masked_sort3A_479, %masked_sort3A_480, %masked_sort3A_481 = tpu.sort %scan3A_456#5, %scan3A_456#5 masked %masked_sort3A_478 {descending = true} : (vector<16xf32>, vector<16xf32>, vector<16xi1>) -> (vector<16xi1>, vector<16xf32>, vector<16xf32>)
        %rev3A_482 = arith.constant 15 : i32
        %rev3A_483 = vector.broadcast %rev3A_482 : i32 to vector<16xi32>
        %rev3A_484 = tpu.iota {dimensions = array<i32: 0>} : vector<16xi32>
        %rev3A_485 = arith.subi %rev3A_483, %rev3A_484 : vector<16xi32>
        %rev3A_486 = tpu.dynamic_gather %masked_sort3A_464[%rev3A_485] in [0] : vector<16xf32>, vector<16xi32> -> vector<16xf32>
        %max3A_487 = arith.maximumf %masked_sort3A_460, %rev3A_486 : vector<16xf32>
        %masked_sort3A_488 = arith.constant dense<true> : vector<16xi1>
        %masked_sort3A_489, %masked_sort3A_490, %masked_sort3A_491 = tpu.sort %max3A_487, %max3A_487 masked %masked_sort3A_488 {descending = true} : (vector<16xf32>, vector<16xf32>, vector<16xi1>) -> (vector<16xi1>, vector<16xf32>, vector<16xf32>)
        %rev3A_492 = arith.constant 15 : i32
        %rev3A_493 = vector.broadcast %rev3A_492 : i32 to vector<16xi32>
        %rev3A_494 = tpu.iota {dimensions = array<i32: 0>} : vector<16xi32>
        %rev3A_495 = arith.subi %rev3A_493, %rev3A_494 : vector<16xi32>
        %rev3A_496 = tpu.dynamic_gather %masked_sort3A_468[%rev3A_495] in [0] : vector<16xf32>, vector<16xi32> -> vector<16xf32>
        %max3A_497 = arith.maximumf %masked_sort3A_490, %rev3A_496 : vector<16xf32>
        %masked_sort3A_498 = arith.constant dense<true> : vector<16xi1>
        %masked_sort3A_499, %masked_sort3A_500, %masked_sort3A_501 = tpu.sort %max3A_497, %max3A_497 masked %masked_sort3A_498 {descending = true} : (vector<16xf32>, vector<16xf32>, vector<16xi1>) -> (vector<16xi1>, vector<16xf32>, vector<16xf32>)
        %rev3A_502 = arith.constant 15 : i32
        %rev3A_503 = vector.broadcast %rev3A_502 : i32 to vector<16xi32>
        %rev3A_504 = tpu.iota {dimensions = array<i32: 0>} : vector<16xi32>
        %rev3A_505 = arith.subi %rev3A_503, %rev3A_504 : vector<16xi32>
        %rev3A_506 = tpu.dynamic_gather %masked_sort3A_472[%rev3A_505] in [0] : vector<16xf32>, vector<16xi32> -> vector<16xf32>
        %max3A_507 = arith.maximumf %masked_sort3A_500, %rev3A_506 : vector<16xf32>
        %masked_sort3A_508 = arith.constant dense<true> : vector<16xi1>
        %masked_sort3A_509, %masked_sort3A_510, %masked_sort3A_511 = tpu.sort %max3A_507, %max3A_507 masked %masked_sort3A_508 {descending = true} : (vector<16xf32>, vector<16xf32>, vector<16xi1>) -> (vector<16xi1>, vector<16xf32>, vector<16xf32>)
        %rev3A_512 = arith.constant 15 : i32
        %rev3A_513 = vector.broadcast %rev3A_512 : i32 to vector<16xi32>
        %rev3A_514 = tpu.iota {dimensions = array<i32: 0>} : vector<16xi32>
        %rev3A_515 = arith.subi %rev3A_513, %rev3A_514 : vector<16xi32>
        %rev3A_516 = tpu.dynamic_gather %masked_sort3A_476[%rev3A_515] in [0] : vector<16xf32>, vector<16xi32> -> vector<16xf32>
        %max3A_517 = arith.maximumf %masked_sort3A_510, %rev3A_516 : vector<16xf32>
        %masked_sort3A_518 = arith.constant dense<true> : vector<16xi1>
        %masked_sort3A_519, %masked_sort3A_520, %masked_sort3A_521 = tpu.sort %max3A_517, %max3A_517 masked %masked_sort3A_518 {descending = true} : (vector<16xf32>, vector<16xf32>, vector<16xi1>) -> (vector<16xi1>, vector<16xf32>, vector<16xf32>)
        %rev3A_522 = arith.constant 15 : i32
        %rev3A_523 = vector.broadcast %rev3A_522 : i32 to vector<16xi32>
        %rev3A_524 = tpu.iota {dimensions = array<i32: 0>} : vector<16xi32>
        %rev3A_525 = arith.subi %rev3A_523, %rev3A_524 : vector<16xi32>
        %rev3A_526 = tpu.dynamic_gather %masked_sort3A_480[%rev3A_525] in [0] : vector<16xf32>, vector<16xi32> -> vector<16xf32>
        %max3A_527 = arith.maximumf %masked_sort3A_520, %rev3A_526 : vector<16xf32>
        %masked_sort3A_528 = arith.constant dense<true> : vector<16xi1>
        %masked_sort3A_529, %masked_sort3A_530, %masked_sort3A_531 = tpu.sort %max3A_527, %max3A_527 masked %masked_sort3A_528 {descending = true} : (vector<16xf32>, vector<16xf32>, vector<16xi1>) -> (vector<16xi1>, vector<16xf32>, vector<16xf32>)
        %slice3A_532 = vector.extract_strided_slice %masked_sort3A_530 {offsets = [5], sizes = [1], strides = [1]} : vector<16xf32> to vector<1xf32>
        %squeeze3A_533 = vector.extract %slice3A_532[0] : f32 from vector<1xf32>
        %sub3A_534 = vector.broadcast %squeeze3A_533 : f32 to vector<16xf32>
        %sub3A_535 = arith.subf %masked_sort3A_530, %sub3A_534 : vector<16xf32>
        %max3A_536 = arith.constant 0.000000e+00 : f32
        %max3A_537 = vector.broadcast %max3A_536 : f32 to vector<16xf32>
        %max3A_538 = arith.maximumf %sub3A_535, %max3A_537 : vector<16xf32>
        %reduce_sum3A_539 = arith.constant true
        %reduce_sum3A_540 = vector.broadcast %reduce_sum3A_539 : i1 to vector<16xi1>
        %reduce_sum3A_541 = tpu.scan <sum>, %max3A_538 masked %reduce_sum3A_540 : vector<16xf32>, vector<16xi1> -> vector<16xf32>
        %reduce_sum3A_542 = vector.extract %reduce_sum3A_541[15] : f32 from vector<16xf32>
        %add3A_543 = arith.constant 1.000000e-07 : f32
        %add3A_544 = arith.addf %reduce_sum3A_542, %add3A_543 : f32
        scf.yield %squeeze3A_533, %add3A_544 : f32, f32
      }
      %broadcast_in_dim3A_238 = arith.constant 1.000000e+00 : f32
      %broadcast_in_dim3A_239 = vector.broadcast %broadcast_in_dim3A_238 : f32 to vector<16xf32>
      %broadcast_in_dim3A_240 = vector.broadcast %cond3A_237#1 : f32 to vector<16xf32>
      %div3A_241 = arith.divf %broadcast_in_dim3A_239, %broadcast_in_dim3A_240 : vector<16xf32>
      %gt3A_242 = arith.constant 0 : i32
      %gt3A_243 = arith.cmpi sgt, %scan3A_86, %gt3A_242 : i32
      %convert_element_type3A_244 = arith.extui %gt3A_243 : i1 to i32
      %cond3A_245 = arith.constant 0 : i32
      %cond3A_246 = arith.cmpi ne, %convert_element_type3A_244, %cond3A_245 : i32
      scf.if %cond3A_246 {
        %add3A_450 = arith.constant 1 : i32
        %add3A_451 = arith.addi %add3A_90, %add3A_450 : i32
        %sub3A_452 = arith.constant 4 : i32
        %sub3A_453 = arith.subi %add3A_451, %sub3A_452 : i32
        %dma_wait3A_454 = arith.constant 0 : i32
        %dma_wait3A_455 = tpu.memref_slice %arg3[%sub3A_453, %dma_wait3A_454] : memref<2048x4096xf32, #tpu.memory_space<hbm>> -> memref<1x4096xf32, #tpu.memory_space<hbm>>
        %dma_wait3A_456 = tpu.memref_squeeze %dma_wait3A_455 : memref<1x4096xf32, #tpu.memory_space<hbm>> -> memref<4096xf32, #tpu.memory_space<hbm>>
        %dma_wait3A_457 = arith.constant 0 : i32
        %dma_wait3A_458 = tpu.memref_slice %arg3[%sub3A_453, %dma_wait3A_457] : memref<2048x4096xf32, #tpu.memory_space<hbm>> -> memref<1x4096xf32, #tpu.memory_space<hbm>>
        %dma_wait3A_459 = tpu.memref_squeeze %dma_wait3A_458 : memref<1x4096xf32, #tpu.memory_space<hbm>> -> memref<4096xf32, #tpu.memory_space<hbm>>
        tpu.wait_dma2 semaphore(%arg17 : memref<!tpu.dma_semaphore, #tpu.memory_space<semaphore_mem>>) src(%arg9 : memref<4096xf32, #tpu.memory_space<vmem>>) dst(%dma_wait3A_459 : memref<4096xf32, #tpu.memory_space<hbm>>)
      } else {
      }
      %parallel_loop3A_247 = arith.constant 0 : i32
      %parallel_loop3A_248 = arith.constant 256 : i32
      %parallel_loop3A_249 = arith.constant 1 : i32
      scf.for %parallel_loop3A_450 = %parallel_loop3A_247 to %parallel_loop3A_248 step %parallel_loop3A_249  : i32 {
        %parallel_loop3A_451 = arith.constant 16 : i32
        %parallel_loop3A_452 = arith.muli %parallel_loop3A_450, %parallel_loop3A_451 : i32
        %parallel_loop3A_453 = arith.index_cast %parallel_loop3A_452 : i32 to index
        %parallel_loop3A_454 = tpu.vector_load %arg5[%parallel_loop3A_453] {strides = array<i32>} : memref<4096xf32, #tpu.memory_space<vmem>>, vector<16xf32>,
        %parallel_loop3A_455 = vector.broadcast %cond3A_237#0 : f32 to vector<16xf32>
        %parallel_loop3A_456 = arith.subf %parallel_loop3A_454, %parallel_loop3A_455 : vector<16xf32>
        %parallel_loop3A_457 = arith.constant 0.000000e+00 : f32
        %parallel_loop3A_458 = vector.broadcast %parallel_loop3A_457 : f32 to vector<16xf32>
        %parallel_loop3A_459 = arith.maximumf %parallel_loop3A_456, %parallel_loop3A_458 : vector<16xf32>
        %parallel_loop3A_460 = arith.mulf %parallel_loop3A_459, %div3A_241 : vector<16xf32>
        %parallel_loop3A_461 = arith.constant 16 : i32
        %parallel_loop3A_462 = arith.muli %parallel_loop3A_450, %parallel_loop3A_461 : i32
        %parallel_loop3A_463 = arith.index_cast %parallel_loop3A_462 : i32 to index
        %parallel_loop3A_464 = tpu.vector_load %arg9[%parallel_loop3A_463] {strides = array<i32>} : memref<4096xf32, #tpu.memory_space<vmem>>, vector<16xf32>,
        tpu.vector_store %arg9[%parallel_loop3A_463], %parallel_loop3A_460 {strides = array<i32>} : memref<4096xf32, #tpu.memory_space<vmem>>, vector<16xf32>,
      } {sc.loop_unroll_factor = 8 : i64, sc.parallel_access}
      %add3A_250 = arith.constant 1 : i32
      %add3A_251 = arith.addi %add3A_90, %add3A_250 : i32
      %dma_start3A_252 = arith.constant 0 : i32
      %dma_start3A_253 = tpu.memref_slice %arg3[%add3A_251, %dma_start3A_252] : memref<2048x4096xf32, #tpu.memory_space<hbm>> -> memref<1x4096xf32, #tpu.memory_space<hbm>>
      %dma_start3A_254 = tpu.memref_squeeze %dma_start3A_253 : memref<1x4096xf32, #tpu.memory_space<hbm>> -> memref<4096xf32, #tpu.memory_space<hbm>>
      %dma_start3A_255 = arith.constant 0 : i32
      %dma_start3A_256 = tpu.memref_slice %arg3[%add3A_251, %dma_start3A_255] : memref<2048x4096xf32, #tpu.memory_space<hbm>> -> memref<1x4096xf32, #tpu.memory_space<hbm>>
      %dma_start3A_257 = tpu.memref_squeeze %dma_start3A_256 : memref<1x4096xf32, #tpu.memory_space<hbm>> -> memref<4096xf32, #tpu.memory_space<hbm>>
      tpu.enqueue_dma source(%arg9 : memref<4096xf32, #tpu.memory_space<vmem>>) target(%dma_start3A_257 : memref<4096xf32, #tpu.memory_space<hbm>>) target_semaphore(%arg17 : memref<!tpu.dma_semaphore, #tpu.memory_space<semaphore_mem>>)
      %lt3A_258 = arith.constant 15 : i32
      %lt3A_259 = arith.cmpi slt, %scan3A_86, %lt3A_258 : i32
      %convert_element_type3A_260 = arith.extui %lt3A_259 : i1 to i32
      %cond3A_261 = arith.constant 0 : i32
      %cond3A_262 = arith.cmpi ne, %convert_element_type3A_260, %cond3A_261 : i32
      scf.if %cond3A_262 {
        %add3A_450 = arith.constant 1 : i32
        %add3A_451 = arith.addi %add3A_90, %add3A_450 : i32
        %add3A_452 = arith.constant 4 : i32
        %add3A_453 = arith.addi %add3A_451, %add3A_452 : i32
        %dma_start3A_454 = arith.constant 0 : i32
        %dma_start3A_455 = tpu.memref_slice %arg2[%add3A_453, %dma_start3A_454] : memref<2048x4096xf32, #tpu.memory_space<hbm>> -> memref<1x4096xf32, #tpu.memory_space<hbm>>
        %dma_start3A_456 = tpu.memref_squeeze %dma_start3A_455 : memref<1x4096xf32, #tpu.memory_space<hbm>> -> memref<4096xf32, #tpu.memory_space<hbm>>
        %dma_start3A_457 = arith.constant 0 : i32
        %dma_start3A_458 = tpu.memref_slice %arg2[%add3A_453, %dma_start3A_457] : memref<2048x4096xf32, #tpu.memory_space<hbm>> -> memref<1x4096xf32, #tpu.memory_space<hbm>>
        %dma_start3A_459 = tpu.memref_squeeze %dma_start3A_458 : memref<1x4096xf32, #tpu.memory_space<hbm>> -> memref<4096xf32, #tpu.memory_space<hbm>>
        tpu.enqueue_dma source(%dma_start3A_459 : memref<4096xf32, #tpu.memory_space<hbm>>) target(%arg5 : memref<4096xf32, #tpu.memory_space<vmem>>) target_semaphore(%arg13 : memref<!tpu.dma_semaphore, #tpu.memory_space<semaphore_mem>>)
      } else {
      }
      %add3A_263 = arith.constant 2 : i32
      %add3A_264 = arith.addi %add3A_90, %add3A_263 : i32
      %dma_wait3A_265 = arith.constant 0 : i32
      %dma_wait3A_266 = tpu.memref_slice %arg2[%add3A_264, %dma_wait3A_265] : memref<2048x4096xf32, #tpu.memory_space<hbm>> -> memref<1x4096xf32, #tpu.memory_space<hbm>>
      %dma_wait3A_267 = tpu.memref_squeeze %dma_wait3A_266 : memref<1x4096xf32, #tpu.memory_space<hbm>> -> memref<4096xf32, #tpu.memory_space<hbm>>
      %dma_wait3A_268 = arith.constant 0 : i32
      %dma_wait3A_269 = tpu.memref_slice %arg2[%add3A_264, %dma_wait3A_268] : memref<2048x4096xf32, #tpu.memory_space<hbm>> -> memref<1x4096xf32, #tpu.memory_space<hbm>>
      %dma_wait3A_270 = tpu.memref_squeeze %dma_wait3A_269 : memref<1x4096xf32, #tpu.memory_space<hbm>> -> memref<4096xf32, #tpu.memory_space<hbm>>
      tpu.wait_dma2 semaphore(%arg14 : memref<!tpu.dma_semaphore, #tpu.memory_space<semaphore_mem>>) src(%dma_wait3A_270 : memref<4096xf32, #tpu.memory_space<hbm>>) dst(%arg6 : memref<4096xf32, #tpu.memory_space<vmem>>)
      %broadcast_in_dim3A_271 = arith.constant 0xFF800000 : f32
      %broadcast_in_dim3A_272 = vector.broadcast %broadcast_in_dim3A_271 : f32 to vector<16xf32>
      %scan3A_273 = arith.constant 0 : i32
      %scan3A_274 = arith.constant 256 : i32
      %scan3A_275 = arith.addi %scan3A_273, %scan3A_274 : i32
      %scan3A_276 = arith.constant 16 : i32
      %scan3A_277:3 = scf.for %scan3A_450 = %scan3A_273 to %scan3A_275 step %scan3A_276 iter_args(%scan3A_451 = %broadcast_in_dim3A_272, %scan3A_452 = %broadcast_in_dim3A_272, %scan3A_453 = %broadcast_in_dim3A_272) -> (vector<16xf32>, vector<16xf32>, vector<16xf32>)  : i32 {
        %mul3A_454 = arith.constant 16 : i32
        %mul3A_455 = arith.muli %scan3A_450, %mul3A_454 : i32
        %get3A = arith.index_cast %mul3A_455 : i32 to index
        %get3A_456 = tpu.vector_load %arg6[%get3A] {strides = array<i32>} : memref<4096xf32, #tpu.memory_space<vmem>>, vector<16xf32>,
        %max3A_457 = arith.maximumf %scan3A_451, %get3A_456 : vector<16xf32>
        %min3A = arith.minimumf %scan3A_451, %get3A_456 : vector<16xf32>
        %max3A_458 = arith.maximumf %scan3A_452, %min3A : vector<16xf32>
        %min3A_459 = arith.minimumf %scan3A_452, %min3A : vector<16xf32>
        %max3A_460 = arith.maximumf %scan3A_453, %min3A_459 : vector<16xf32>
        %scan3A_461 = arith.constant 1 : i32
        %scan3A_462 = arith.addi %scan3A_450, %scan3A_461 : i32
        %mul3A_463 = arith.constant 16 : i32
        %mul3A_464 = arith.muli %scan3A_462, %mul3A_463 : i32
        %get3A_465 = arith.index_cast %mul3A_464 : i32 to index
        %get3A_466 = tpu.vector_load %arg6[%get3A_465] {strides = array<i32>} : memref<4096xf32, #tpu.memory_space<vmem>>, vector<16xf32>,
        %max3A_467 = arith.maximumf %max3A_457, %get3A_466 : vector<16xf32>
        %min3A_468 = arith.minimumf %max3A_457, %get3A_466 : vector<16xf32>
        %max3A_469 = arith.maximumf %max3A_458, %min3A_468 : vector<16xf32>
        %min3A_470 = arith.minimumf %max3A_458, %min3A_468 : vector<16xf32>
        %max3A_471 = arith.maximumf %max3A_460, %min3A_470 : vector<16xf32>
        %scan3A_472 = arith.constant 2 : i32
        %scan3A_473 = arith.addi %scan3A_450, %scan3A_472 : i32
        %mul3A_474 = arith.constant 16 : i32
        %mul3A_475 = arith.muli %scan3A_473, %mul3A_474 : i32
        %get3A_476 = arith.index_cast %mul3A_475 : i32 to index
        %get3A_477 = tpu.vector_load %arg6[%get3A_476] {strides = array<i32>} : memref<4096xf32, #tpu.memory_space<vmem>>, vector<16xf32>,
        %max3A_478 = arith.maximumf %max3A_467, %get3A_477 : vector<16xf32>
        %min3A_479 = arith.minimumf %max3A_467, %get3A_477 : vector<16xf32>
        %max3A_480 = arith.maximumf %max3A_469, %min3A_479 : vector<16xf32>
        %min3A_481 = arith.minimumf %max3A_469, %min3A_479 : vector<16xf32>
        %max3A_482 = arith.maximumf %max3A_471, %min3A_481 : vector<16xf32>
        %scan3A_483 = arith.constant 3 : i32
        %scan3A_484 = arith.addi %scan3A_450, %scan3A_483 : i32
        %mul3A_485 = arith.constant 16 : i32
        %mul3A_486 = arith.muli %scan3A_484, %mul3A_485 : i32
        %get3A_487 = arith.index_cast %mul3A_486 : i32 to index
        %get3A_488 = tpu.vector_load %arg6[%get3A_487] {strides = array<i32>} : memref<4096xf32, #tpu.memory_space<vmem>>, vector<16xf32>,
        %max3A_489 = arith.maximumf %max3A_478, %get3A_488 : vector<16xf32>
        %min3A_490 = arith.minimumf %max3A_478, %get3A_488 : vector<16xf32>
        %max3A_491 = arith.maximumf %max3A_480, %min3A_490 : vector<16xf32>
        %min3A_492 = arith.minimumf %max3A_480, %min3A_490 : vector<16xf32>
        %max3A_493 = arith.maximumf %max3A_482, %min3A_492 : vector<16xf32>
        %scan3A_494 = arith.constant 4 : i32
        %scan3A_495 = arith.addi %scan3A_450, %scan3A_494 : i32
        %mul3A_496 = arith.constant 16 : i32
        %mul3A_497 = arith.muli %scan3A_495, %mul3A_496 : i32
        %get3A_498 = arith.index_cast %mul3A_497 : i32 to index
        %get3A_499 = tpu.vector_load %arg6[%get3A_498] {strides = array<i32>} : memref<4096xf32, #tpu.memory_space<vmem>>, vector<16xf32>,
        %max3A_500 = arith.maximumf %max3A_489, %get3A_499 : vector<16xf32>
        %min3A_501 = arith.minimumf %max3A_489, %get3A_499 : vector<16xf32>
        %max3A_502 = arith.maximumf %max3A_491, %min3A_501 : vector<16xf32>
        %min3A_503 = arith.minimumf %max3A_491, %min3A_501 : vector<16xf32>
        %max3A_504 = arith.maximumf %max3A_493, %min3A_503 : vector<16xf32>
        %scan3A_505 = arith.constant 5 : i32
        %scan3A_506 = arith.addi %scan3A_450, %scan3A_505 : i32
        %mul3A_507 = arith.constant 16 : i32
        %mul3A_508 = arith.muli %scan3A_506, %mul3A_507 : i32
        %get3A_509 = arith.index_cast %mul3A_508 : i32 to index
        %get3A_510 = tpu.vector_load %arg6[%get3A_509] {strides = array<i32>} : memref<4096xf32, #tpu.memory_space<vmem>>, vector<16xf32>,
        %max3A_511 = arith.maximumf %max3A_500, %get3A_510 : vector<16xf32>
        %min3A_512 = arith.minimumf %max3A_500, %get3A_510 : vector<16xf32>
        %max3A_513 = arith.maximumf %max3A_502, %min3A_512 : vector<16xf32>
        %min3A_514 = arith.minimumf %max3A_502, %min3A_512 : vector<16xf32>
        %max3A_515 = arith.maximumf %max3A_504, %min3A_514 : vector<16xf32>
        %scan3A_516 = arith.constant 6 : i32
        %scan3A_517 = arith.addi %scan3A_450, %scan3A_516 : i32
        %mul3A_518 = arith.constant 16 : i32
        %mul3A_519 = arith.muli %scan3A_517, %mul3A_518 : i32
        %get3A_520 = arith.index_cast %mul3A_519 : i32 to index
        %get3A_521 = tpu.vector_load %arg6[%get3A_520] {strides = array<i32>} : memref<4096xf32, #tpu.memory_space<vmem>>, vector<16xf32>,
        %max3A_522 = arith.maximumf %max3A_511, %get3A_521 : vector<16xf32>
        %min3A_523 = arith.minimumf %max3A_511, %get3A_521 : vector<16xf32>
        %max3A_524 = arith.maximumf %max3A_513, %min3A_523 : vector<16xf32>
        %min3A_525 = arith.minimumf %max3A_513, %min3A_523 : vector<16xf32>
        %max3A_526 = arith.maximumf %max3A_515, %min3A_525 : vector<16xf32>
        %scan3A_527 = arith.constant 7 : i32
        %scan3A_528 = arith.addi %scan3A_450, %scan3A_527 : i32
        %mul3A_529 = arith.constant 16 : i32
        %mul3A_530 = arith.muli %scan3A_528, %mul3A_529 : i32
        %get3A_531 = arith.index_cast %mul3A_530 : i32 to index
        %get3A_532 = tpu.vector_load %arg6[%get3A_531] {strides = array<i32>} : memref<4096xf32, #tpu.memory_space<vmem>>, vector<16xf32>,
        %max3A_533 = arith.maximumf %max3A_522, %get3A_532 : vector<16xf32>
        %min3A_534 = arith.minimumf %max3A_522, %get3A_532 : vector<16xf32>
        %max3A_535 = arith.maximumf %max3A_524, %min3A_534 : vector<16xf32>
        %min3A_536 = arith.minimumf %max3A_524, %min3A_534 : vector<16xf32>
        %max3A_537 = arith.maximumf %max3A_526, %min3A_536 : vector<16xf32>
        %scan3A_538 = arith.constant 8 : i32
        %scan3A_539 = arith.addi %scan3A_450, %scan3A_538 : i32
        %mul3A_540 = arith.constant 16 : i32
        %mul3A_541 = arith.muli %scan3A_539, %mul3A_540 : i32
        %get3A_542 = arith.index_cast %mul3A_541 : i32 to index
        %get3A_543 = tpu.vector_load %arg6[%get3A_542] {strides = array<i32>} : memref<4096xf32, #tpu.memory_space<vmem>>, vector<16xf32>,
        %max3A_544 = arith.maximumf %max3A_533, %get3A_543 : vector<16xf32>
        %min3A_545 = arith.minimumf %max3A_533, %get3A_543 : vector<16xf32>
        %max3A_546 = arith.maximumf %max3A_535, %min3A_545 : vector<16xf32>
        %min3A_547 = arith.minimumf %max3A_535, %min3A_545 : vector<16xf32>
        %max3A_548 = arith.maximumf %max3A_537, %min3A_547 : vector<16xf32>
        %scan3A_549 = arith.constant 9 : i32
        %scan3A_550 = arith.addi %scan3A_450, %scan3A_549 : i32
        %mul3A_551 = arith.constant 16 : i32
        %mul3A_552 = arith.muli %scan3A_550, %mul3A_551 : i32
        %get3A_553 = arith.index_cast %mul3A_552 : i32 to index
        %get3A_554 = tpu.vector_load %arg6[%get3A_553] {strides = array<i32>} : memref<4096xf32, #tpu.memory_space<vmem>>, vector<16xf32>,
        %max3A_555 = arith.maximumf %max3A_544, %get3A_554 : vector<16xf32>
        %min3A_556 = arith.minimumf %max3A_544, %get3A_554 : vector<16xf32>
        %max3A_557 = arith.maximumf %max3A_546, %min3A_556 : vector<16xf32>
        %min3A_558 = arith.minimumf %max3A_546, %min3A_556 : vector<16xf32>
        %max3A_559 = arith.maximumf %max3A_548, %min3A_558 : vector<16xf32>
        %scan3A_560 = arith.constant 10 : i32
        %scan3A_561 = arith.addi %scan3A_450, %scan3A_560 : i32
        %mul3A_562 = arith.constant 16 : i32
        %mul3A_563 = arith.muli %scan3A_561, %mul3A_562 : i32
        %get3A_564 = arith.index_cast %mul3A_563 : i32 to index
        %get3A_565 = tpu.vector_load %arg6[%get3A_564] {strides = array<i32>} : memref<4096xf32, #tpu.memory_space<vmem>>, vector<16xf32>,
        %max3A_566 = arith.maximumf %max3A_555, %get3A_565 : vector<16xf32>
        %min3A_567 = arith.minimumf %max3A_555, %get3A_565 : vector<16xf32>
        %max3A_568 = arith.maximumf %max3A_557, %min3A_567 : vector<16xf32>
        %min3A_569 = arith.minimumf %max3A_557, %min3A_567 : vector<16xf32>
        %max3A_570 = arith.maximumf %max3A_559, %min3A_569 : vector<16xf32>
        %scan3A_571 = arith.constant 11 : i32
        %scan3A_572 = arith.addi %scan3A_450, %scan3A_571 : i32
        %mul3A_573 = arith.constant 16 : i32
        %mul3A_574 = arith.muli %scan3A_572, %mul3A_573 : i32
        %get3A_575 = arith.index_cast %mul3A_574 : i32 to index
        %get3A_576 = tpu.vector_load %arg6[%get3A_575] {strides = array<i32>} : memref<4096xf32, #tpu.memory_space<vmem>>, vector<16xf32>,
        %max3A_577 = arith.maximumf %max3A_566, %get3A_576 : vector<16xf32>
        %min3A_578 = arith.minimumf %max3A_566, %get3A_576 : vector<16xf32>
        %max3A_579 = arith.maximumf %max3A_568, %min3A_578 : vector<16xf32>
        %min3A_580 = arith.minimumf %max3A_568, %min3A_578 : vector<16xf32>
        %max3A_581 = arith.maximumf %max3A_570, %min3A_580 : vector<16xf32>
        %scan3A_582 = arith.constant 12 : i32
        %scan3A_583 = arith.addi %scan3A_450, %scan3A_582 : i32
        %mul3A_584 = arith.constant 16 : i32
        %mul3A_585 = arith.muli %scan3A_583, %mul3A_584 : i32
        %get3A_586 = arith.index_cast %mul3A_585 : i32 to index
        %get3A_587 = tpu.vector_load %arg6[%get3A_586] {strides = array<i32>} : memref<4096xf32, #tpu.memory_space<vmem>>, vector<16xf32>,
        %max3A_588 = arith.maximumf %max3A_577, %get3A_587 : vector<16xf32>
        %min3A_589 = arith.minimumf %max3A_577, %get3A_587 : vector<16xf32>
        %max3A_590 = arith.maximumf %max3A_579, %min3A_589 : vector<16xf32>
        %min3A_591 = arith.minimumf %max3A_579, %min3A_589 : vector<16xf32>
        %max3A_592 = arith.maximumf %max3A_581, %min3A_591 : vector<16xf32>
        %scan3A_593 = arith.constant 13 : i32
        %scan3A_594 = arith.addi %scan3A_450, %scan3A_593 : i32
        %mul3A_595 = arith.constant 16 : i32
        %mul3A_596 = arith.muli %scan3A_594, %mul3A_595 : i32
        %get3A_597 = arith.index_cast %mul3A_596 : i32 to index
        %get3A_598 = tpu.vector_load %arg6[%get3A_597] {strides = array<i32>} : memref<4096xf32, #tpu.memory_space<vmem>>, vector<16xf32>,
        %max3A_599 = arith.maximumf %max3A_588, %get3A_598 : vector<16xf32>
        %min3A_600 = arith.minimumf %max3A_588, %get3A_598 : vector<16xf32>
        %max3A_601 = arith.maximumf %max3A_590, %min3A_600 : vector<16xf32>
        %min3A_602 = arith.minimumf %max3A_590, %min3A_600 : vector<16xf32>
        %max3A_603 = arith.maximumf %max3A_592, %min3A_602 : vector<16xf32>
        %scan3A_604 = arith.constant 14 : i32
        %scan3A_605 = arith.addi %scan3A_450, %scan3A_604 : i32
        %mul3A_606 = arith.constant 16 : i32
        %mul3A_607 = arith.muli %scan3A_605, %mul3A_606 : i32
        %get3A_608 = arith.index_cast %mul3A_607 : i32 to index
        %get3A_609 = tpu.vector_load %arg6[%get3A_608] {strides = array<i32>} : memref<4096xf32, #tpu.memory_space<vmem>>, vector<16xf32>,
        %max3A_610 = arith.maximumf %max3A_599, %get3A_609 : vector<16xf32>
        %min3A_611 = arith.minimumf %max3A_599, %get3A_609 : vector<16xf32>
        %max3A_612 = arith.maximumf %max3A_601, %min3A_611 : vector<16xf32>
        %min3A_613 = arith.minimumf %max3A_601, %min3A_611 : vector<16xf32>
        %max3A_614 = arith.maximumf %max3A_603, %min3A_613 : vector<16xf32>
        %scan3A_615 = arith.constant 15 : i32
        %scan3A_616 = arith.addi %scan3A_450, %scan3A_615 : i32
        %mul3A_617 = arith.constant 16 : i32
        %mul3A_618 = arith.muli %scan3A_616, %mul3A_617 : i32
        %get3A_619 = arith.index_cast %mul3A_618 : i32 to index
        %get3A_620 = tpu.vector_load %arg6[%get3A_619] {strides = array<i32>} : memref<4096xf32, #tpu.memory_space<vmem>>, vector<16xf32>,
        %max3A_621 = arith.maximumf %max3A_610, %get3A_620 : vector<16xf32>
        %min3A_622 = arith.minimumf %max3A_610, %get3A_620 : vector<16xf32>
        %max3A_623 = arith.maximumf %max3A_612, %min3A_622 : vector<16xf32>
        %min3A_624 = arith.minimumf %max3A_612, %min3A_622 : vector<16xf32>
        %max3A_625 = arith.maximumf %max3A_614, %min3A_624 : vector<16xf32>
        scf.yield %max3A_621, %max3A_623, %max3A_625 : vector<16xf32>, vector<16xf32>, vector<16xf32>
      }
      %scan3A_278 = arith.constant 256 : i32
      %masked_sort3A_279 = arith.constant dense<true> : vector<16xi1>
      %masked_sort3A_280, %masked_sort3A_281, %masked_sort3A_282 = tpu.sort %scan3A_277#0, %scan3A_277#0 masked %masked_sort3A_279 {descending = true} : (vector<16xf32>, vector<16xf32>, vector<16xi1>) -> (vector<16xi1>, vector<16xf32>, vector<16xf32>)
      %masked_sort3A_283 = arith.constant dense<true> : vector<16xi1>
      %masked_sort3A_284, %masked_sort3A_285, %masked_sort3A_286 = tpu.sort %scan3A_277#1, %scan3A_277#1 masked %masked_sort3A_283 {descending = true} : (vector<16xf32>, vector<16xf32>, vector<16xi1>) -> (vector<16xi1>, vector<16xf32>, vector<16xf32>)
      %masked_sort3A_287 = arith.constant dense<true> : vector<16xi1>
      %masked_sort3A_288, %masked_sort3A_289, %masked_sort3A_290 = tpu.sort %scan3A_277#2, %scan3A_277#2 masked %masked_sort3A_287 {descending = true} : (vector<16xf32>, vector<16xf32>, vector<16xi1>) -> (vector<16xi1>, vector<16xf32>, vector<16xf32>)
      %rev3A_291 = arith.constant 15 : i32
      %rev3A_292 = vector.broadcast %rev3A_291 : i32 to vector<16xi32>
      %rev3A_293 = tpu.iota {dimensions = array<i32: 0>} : vector<16xi32>
      %rev3A_294 = arith.subi %rev3A_292, %rev3A_293 : vector<16xi32>
      %rev3A_295 = tpu.dynamic_gather %masked_sort3A_285[%rev3A_294] in [0] : vector<16xf32>, vector<16xi32> -> vector<16xf32>
      %max3A_296 = arith.maximumf %masked_sort3A_281, %rev3A_295 : vector<16xf32>
      %masked_sort3A_297 = arith.constant dense<true> : vector<16xi1>
      %masked_sort3A_298, %masked_sort3A_299, %masked_sort3A_300 = tpu.sort %max3A_296, %max3A_296 masked %masked_sort3A_297 {descending = true} : (vector<16xf32>, vector<16xf32>, vector<16xi1>) -> (vector<16xi1>, vector<16xf32>, vector<16xf32>)
      %rev3A_301 = arith.constant 15 : i32
      %rev3A_302 = vector.broadcast %rev3A_301 : i32 to vector<16xi32>
      %rev3A_303 = tpu.iota {dimensions = array<i32: 0>} : vector<16xi32>
      %rev3A_304 = arith.subi %rev3A_302, %rev3A_303 : vector<16xi32>
      %rev3A_305 = tpu.dynamic_gather %masked_sort3A_289[%rev3A_304] in [0] : vector<16xf32>, vector<16xi32> -> vector<16xf32>
      %max3A_306 = arith.maximumf %masked_sort3A_299, %rev3A_305 : vector<16xf32>
      %masked_sort3A_307 = arith.constant dense<true> : vector<16xi1>
      %masked_sort3A_308, %masked_sort3A_309, %masked_sort3A_310 = tpu.sort %max3A_306, %max3A_306 masked %masked_sort3A_307 {descending = true} : (vector<16xf32>, vector<16xf32>, vector<16xi1>) -> (vector<16xi1>, vector<16xf32>, vector<16xf32>)
      %slice3A_311 = vector.extract_strided_slice %masked_sort3A_309 {offsets = [5], sizes = [1], strides = [1]} : vector<16xf32> to vector<1xf32>
      %squeeze3A_312 = vector.extract %slice3A_311[0] : f32 from vector<1xf32>
      %sub3A_313 = vector.broadcast %squeeze3A_312 : f32 to vector<16xf32>
      %sub3A_314 = arith.subf %masked_sort3A_309, %sub3A_313 : vector<16xf32>
      %max3A_315 = arith.constant 0.000000e+00 : f32
      %max3A_316 = vector.broadcast %max3A_315 : f32 to vector<16xf32>
      %max3A_317 = arith.maximumf %sub3A_314, %max3A_316 : vector<16xf32>
      %reduce_sum3A_318 = arith.constant true
      %reduce_sum3A_319 = vector.broadcast %reduce_sum3A_318 : i1 to vector<16xi1>
      %reduce_sum3A_320 = tpu.scan <sum>, %max3A_317 masked %reduce_sum3A_319 : vector<16xf32>, vector<16xi1> -> vector<16xf32>
      %reduce_sum3A_321 = vector.extract %reduce_sum3A_320[15] : f32 from vector<16xf32>
      %add3A_322 = arith.constant 1.000000e-07 : f32
      %add3A_323 = arith.addf %reduce_sum3A_321, %add3A_322 : f32
      %slice3A_324 = vector.extract_strided_slice %masked_sort3A_289 {offsets = [0], sizes = [1], strides = [1]} : vector<16xf32> to vector<1xf32>
      %squeeze3A_325 = vector.extract %slice3A_324[0] : f32 from vector<1xf32>
      %le3A_326 = arith.cmpf ole, %squeeze3A_325, %squeeze3A_312 : f32
      %convert_element_type3A_327 = arith.extui %le3A_326 : i1 to i32
      %cond3A_328 = arith.constant 0 : i32
      %cond3A_329 = arith.cmpi ne, %convert_element_type3A_327, %cond3A_328 : i32
      %cond3A_330:2 = scf.if %cond3A_329 -> (f32, f32) {
        scf.yield %squeeze3A_312, %add3A_323 : f32, f32
      } else {
        %broadcast_in_dim3A_450 = arith.constant 0xFF800000 : f32
        %broadcast_in_dim3A_451 = vector.broadcast %broadcast_in_dim3A_450 : f32 to vector<16xf32>
        %scan3A_452 = arith.constant 0 : i32
        %scan3A_453 = arith.constant 256 : i32
        %scan3A_454 = arith.addi %scan3A_452, %scan3A_453 : i32
        %scan3A_455 = arith.constant 8 : i32
        %scan3A_456:6 = scf.for %scan3A_545 = %scan3A_452 to %scan3A_454 step %scan3A_455 iter_args(%scan3A_546 = %broadcast_in_dim3A_451, %scan3A_547 = %broadcast_in_dim3A_451, %scan3A_548 = %broadcast_in_dim3A_451, %scan3A_549 = %broadcast_in_dim3A_451, %scan3A_550 = %broadcast_in_dim3A_451, %scan3A_551 = %broadcast_in_dim3A_451) -> (vector<16xf32>, vector<16xf32>, vector<16xf32>, vector<16xf32>, vector<16xf32>, vector<16xf32>)  : i32 {
          %mul3A_552 = arith.constant 16 : i32
          %mul3A_553 = arith.muli %scan3A_545, %mul3A_552 : i32
          %get3A = arith.index_cast %mul3A_553 : i32 to index
          %get3A_554 = tpu.vector_load %arg6[%get3A] {strides = array<i32>} : memref<4096xf32, #tpu.memory_space<vmem>>, vector<16xf32>,
          %max3A_555 = arith.maximumf %scan3A_546, %get3A_554 : vector<16xf32>
          %min3A = arith.minimumf %scan3A_546, %get3A_554 : vector<16xf32>
          %max3A_556 = arith.maximumf %scan3A_547, %min3A : vector<16xf32>
          %min3A_557 = arith.minimumf %scan3A_547, %min3A : vector<16xf32>
          %max3A_558 = arith.maximumf %scan3A_548, %min3A_557 : vector<16xf32>
          %min3A_559 = arith.minimumf %scan3A_548, %min3A_557 : vector<16xf32>
          %max3A_560 = arith.maximumf %scan3A_549, %min3A_559 : vector<16xf32>
          %min3A_561 = arith.minimumf %scan3A_549, %min3A_559 : vector<16xf32>
          %max3A_562 = arith.maximumf %scan3A_550, %min3A_561 : vector<16xf32>
          %min3A_563 = arith.minimumf %scan3A_550, %min3A_561 : vector<16xf32>
          %max3A_564 = arith.maximumf %scan3A_551, %min3A_563 : vector<16xf32>
          %scan3A_565 = arith.constant 1 : i32
          %scan3A_566 = arith.addi %scan3A_545, %scan3A_565 : i32
          %mul3A_567 = arith.constant 16 : i32
          %mul3A_568 = arith.muli %scan3A_566, %mul3A_567 : i32
          %get3A_569 = arith.index_cast %mul3A_568 : i32 to index
          %get3A_570 = tpu.vector_load %arg6[%get3A_569] {strides = array<i32>} : memref<4096xf32, #tpu.memory_space<vmem>>, vector<16xf32>,
          %max3A_571 = arith.maximumf %max3A_555, %get3A_570 : vector<16xf32>
          %min3A_572 = arith.minimumf %max3A_555, %get3A_570 : vector<16xf32>
          %max3A_573 = arith.maximumf %max3A_556, %min3A_572 : vector<16xf32>
          %min3A_574 = arith.minimumf %max3A_556, %min3A_572 : vector<16xf32>
          %max3A_575 = arith.maximumf %max3A_558, %min3A_574 : vector<16xf32>
          %min3A_576 = arith.minimumf %max3A_558, %min3A_574 : vector<16xf32>
          %max3A_577 = arith.maximumf %max3A_560, %min3A_576 : vector<16xf32>
          %min3A_578 = arith.minimumf %max3A_560, %min3A_576 : vector<16xf32>
          %max3A_579 = arith.maximumf %max3A_562, %min3A_578 : vector<16xf32>
          %min3A_580 = arith.minimumf %max3A_562, %min3A_578 : vector<16xf32>
          %max3A_581 = arith.maximumf %max3A_564, %min3A_580 : vector<16xf32>
          %scan3A_582 = arith.constant 2 : i32
          %scan3A_583 = arith.addi %scan3A_545, %scan3A_582 : i32
          %mul3A_584 = arith.constant 16 : i32
          %mul3A_585 = arith.muli %scan3A_583, %mul3A_584 : i32
          %get3A_586 = arith.index_cast %mul3A_585 : i32 to index
          %get3A_587 = tpu.vector_load %arg6[%get3A_586] {strides = array<i32>} : memref<4096xf32, #tpu.memory_space<vmem>>, vector<16xf32>,
          %max3A_588 = arith.maximumf %max3A_571, %get3A_587 : vector<16xf32>
          %min3A_589 = arith.minimumf %max3A_571, %get3A_587 : vector<16xf32>
          %max3A_590 = arith.maximumf %max3A_573, %min3A_589 : vector<16xf32>
          %min3A_591 = arith.minimumf %max3A_573, %min3A_589 : vector<16xf32>
          %max3A_592 = arith.maximumf %max3A_575, %min3A_591 : vector<16xf32>
          %min3A_593 = arith.minimumf %max3A_575, %min3A_591 : vector<16xf32>
          %max3A_594 = arith.maximumf %max3A_577, %min3A_593 : vector<16xf32>
          %min3A_595 = arith.minimumf %max3A_577, %min3A_593 : vector<16xf32>
          %max3A_596 = arith.maximumf %max3A_579, %min3A_595 : vector<16xf32>
          %min3A_597 = arith.minimumf %max3A_579, %min3A_595 : vector<16xf32>
          %max3A_598 = arith.maximumf %max3A_581, %min3A_597 : vector<16xf32>
          %scan3A_599 = arith.constant 3 : i32
          %scan3A_600 = arith.addi %scan3A_545, %scan3A_599 : i32
          %mul3A_601 = arith.constant 16 : i32
          %mul3A_602 = arith.muli %scan3A_600, %mul3A_601 : i32
          %get3A_603 = arith.index_cast %mul3A_602 : i32 to index
          %get3A_604 = tpu.vector_load %arg6[%get3A_603] {strides = array<i32>} : memref<4096xf32, #tpu.memory_space<vmem>>, vector<16xf32>,
          %max3A_605 = arith.maximumf %max3A_588, %get3A_604 : vector<16xf32>
          %min3A_606 = arith.minimumf %max3A_588, %get3A_604 : vector<16xf32>
          %max3A_607 = arith.maximumf %max3A_590, %min3A_606 : vector<16xf32>
          %min3A_608 = arith.minimumf %max3A_590, %min3A_606 : vector<16xf32>
          %max3A_609 = arith.maximumf %max3A_592, %min3A_608 : vector<16xf32>
          %min3A_610 = arith.minimumf %max3A_592, %min3A_608 : vector<16xf32>
          %max3A_611 = arith.maximumf %max3A_594, %min3A_610 : vector<16xf32>
          %min3A_612 = arith.minimumf %max3A_594, %min3A_610 : vector<16xf32>
          %max3A_613 = arith.maximumf %max3A_596, %min3A_612 : vector<16xf32>
          %min3A_614 = arith.minimumf %max3A_596, %min3A_612 : vector<16xf32>
          %max3A_615 = arith.maximumf %max3A_598, %min3A_614 : vector<16xf32>
          %scan3A_616 = arith.constant 4 : i32
          %scan3A_617 = arith.addi %scan3A_545, %scan3A_616 : i32
          %mul3A_618 = arith.constant 16 : i32
          %mul3A_619 = arith.muli %scan3A_617, %mul3A_618 : i32
          %get3A_620 = arith.index_cast %mul3A_619 : i32 to index
          %get3A_621 = tpu.vector_load %arg6[%get3A_620] {strides = array<i32>} : memref<4096xf32, #tpu.memory_space<vmem>>, vector<16xf32>,
          %max3A_622 = arith.maximumf %max3A_605, %get3A_621 : vector<16xf32>
          %min3A_623 = arith.minimumf %max3A_605, %get3A_621 : vector<16xf32>
          %max3A_624 = arith.maximumf %max3A_607, %min3A_623 : vector<16xf32>
          %min3A_625 = arith.minimumf %max3A_607, %min3A_623 : vector<16xf32>
          %max3A_626 = arith.maximumf %max3A_609, %min3A_625 : vector<16xf32>
          %min3A_627 = arith.minimumf %max3A_609, %min3A_625 : vector<16xf32>
          %max3A_628 = arith.maximumf %max3A_611, %min3A_627 : vector<16xf32>
          %min3A_629 = arith.minimumf %max3A_611, %min3A_627 : vector<16xf32>
          %max3A_630 = arith.maximumf %max3A_613, %min3A_629 : vector<16xf32>
          %min3A_631 = arith.minimumf %max3A_613, %min3A_629 : vector<16xf32>
          %max3A_632 = arith.maximumf %max3A_615, %min3A_631 : vector<16xf32>
          %scan3A_633 = arith.constant 5 : i32
          %scan3A_634 = arith.addi %scan3A_545, %scan3A_633 : i32
          %mul3A_635 = arith.constant 16 : i32
          %mul3A_636 = arith.muli %scan3A_634, %mul3A_635 : i32
          %get3A_637 = arith.index_cast %mul3A_636 : i32 to index
          %get3A_638 = tpu.vector_load %arg6[%get3A_637] {strides = array<i32>} : memref<4096xf32, #tpu.memory_space<vmem>>, vector<16xf32>,
          %max3A_639 = arith.maximumf %max3A_622, %get3A_638 : vector<16xf32>
          %min3A_640 = arith.minimumf %max3A_622, %get3A_638 : vector<16xf32>
          %max3A_641 = arith.maximumf %max3A_624, %min3A_640 : vector<16xf32>
          %min3A_642 = arith.minimumf %max3A_624, %min3A_640 : vector<16xf32>
          %max3A_643 = arith.maximumf %max3A_626, %min3A_642 : vector<16xf32>
          %min3A_644 = arith.minimumf %max3A_626, %min3A_642 : vector<16xf32>
          %max3A_645 = arith.maximumf %max3A_628, %min3A_644 : vector<16xf32>
          %min3A_646 = arith.minimumf %max3A_628, %min3A_644 : vector<16xf32>
          %max3A_647 = arith.maximumf %max3A_630, %min3A_646 : vector<16xf32>
          %min3A_648 = arith.minimumf %max3A_630, %min3A_646 : vector<16xf32>
          %max3A_649 = arith.maximumf %max3A_632, %min3A_648 : vector<16xf32>
          %scan3A_650 = arith.constant 6 : i32
          %scan3A_651 = arith.addi %scan3A_545, %scan3A_650 : i32
          %mul3A_652 = arith.constant 16 : i32
          %mul3A_653 = arith.muli %scan3A_651, %mul3A_652 : i32
          %get3A_654 = arith.index_cast %mul3A_653 : i32 to index
          %get3A_655 = tpu.vector_load %arg6[%get3A_654] {strides = array<i32>} : memref<4096xf32, #tpu.memory_space<vmem>>, vector<16xf32>,
          %max3A_656 = arith.maximumf %max3A_639, %get3A_655 : vector<16xf32>
          %min3A_657 = arith.minimumf %max3A_639, %get3A_655 : vector<16xf32>
          %max3A_658 = arith.maximumf %max3A_641, %min3A_657 : vector<16xf32>
          %min3A_659 = arith.minimumf %max3A_641, %min3A_657 : vector<16xf32>
          %max3A_660 = arith.maximumf %max3A_643, %min3A_659 : vector<16xf32>
          %min3A_661 = arith.minimumf %max3A_643, %min3A_659 : vector<16xf32>
          %max3A_662 = arith.maximumf %max3A_645, %min3A_661 : vector<16xf32>
          %min3A_663 = arith.minimumf %max3A_645, %min3A_661 : vector<16xf32>
          %max3A_664 = arith.maximumf %max3A_647, %min3A_663 : vector<16xf32>
          %min3A_665 = arith.minimumf %max3A_647, %min3A_663 : vector<16xf32>
          %max3A_666 = arith.maximumf %max3A_649, %min3A_665 : vector<16xf32>
          %scan3A_667 = arith.constant 7 : i32
          %scan3A_668 = arith.addi %scan3A_545, %scan3A_667 : i32
          %mul3A_669 = arith.constant 16 : i32
          %mul3A_670 = arith.muli %scan3A_668, %mul3A_669 : i32
          %get3A_671 = arith.index_cast %mul3A_670 : i32 to index
          %get3A_672 = tpu.vector_load %arg6[%get3A_671] {strides = array<i32>} : memref<4096xf32, #tpu.memory_space<vmem>>, vector<16xf32>,
          %max3A_673 = arith.maximumf %max3A_656, %get3A_672 : vector<16xf32>
          %min3A_674 = arith.minimumf %max3A_656, %get3A_672 : vector<16xf32>
          %max3A_675 = arith.maximumf %max3A_658, %min3A_674 : vector<16xf32>
          %min3A_676 = arith.minimumf %max3A_658, %min3A_674 : vector<16xf32>
          %max3A_677 = arith.maximumf %max3A_660, %min3A_676 : vector<16xf32>
          %min3A_678 = arith.minimumf %max3A_660, %min3A_676 : vector<16xf32>
          %max3A_679 = arith.maximumf %max3A_662, %min3A_678 : vector<16xf32>
          %min3A_680 = arith.minimumf %max3A_662, %min3A_678 : vector<16xf32>
          %max3A_681 = arith.maximumf %max3A_664, %min3A_680 : vector<16xf32>
          %min3A_682 = arith.minimumf %max3A_664, %min3A_680 : vector<16xf32>
          %max3A_683 = arith.maximumf %max3A_666, %min3A_682 : vector<16xf32>
          scf.yield %max3A_673, %max3A_675, %max3A_677, %max3A_679, %max3A_681, %max3A_683 : vector<16xf32>, vector<16xf32>, vector<16xf32>, vector<16xf32>, vector<16xf32>, vector<16xf32>
        }
        %scan3A_457 = arith.constant 256 : i32
        %masked_sort3A_458 = arith.constant dense<true> : vector<16xi1>
        %masked_sort3A_459, %masked_sort3A_460, %masked_sort3A_461 = tpu.sort %scan3A_456#0, %scan3A_456#0 masked %masked_sort3A_458 {descending = true} : (vector<16xf32>, vector<16xf32>, vector<16xi1>) -> (vector<16xi1>, vector<16xf32>, vector<16xf32>)
        %masked_sort3A_462 = arith.constant dense<true> : vector<16xi1>
        %masked_sort3A_463, %masked_sort3A_464, %masked_sort3A_465 = tpu.sort %scan3A_456#1, %scan3A_456#1 masked %masked_sort3A_462 {descending = true} : (vector<16xf32>, vector<16xf32>, vector<16xi1>) -> (vector<16xi1>, vector<16xf32>, vector<16xf32>)
        %masked_sort3A_466 = arith.constant dense<true> : vector<16xi1>
        %masked_sort3A_467, %masked_sort3A_468, %masked_sort3A_469 = tpu.sort %scan3A_456#2, %scan3A_456#2 masked %masked_sort3A_466 {descending = true} : (vector<16xf32>, vector<16xf32>, vector<16xi1>) -> (vector<16xi1>, vector<16xf32>, vector<16xf32>)
        %masked_sort3A_470 = arith.constant dense<true> : vector<16xi1>
        %masked_sort3A_471, %masked_sort3A_472, %masked_sort3A_473 = tpu.sort %scan3A_456#3, %scan3A_456#3 masked %masked_sort3A_470 {descending = true} : (vector<16xf32>, vector<16xf32>, vector<16xi1>) -> (vector<16xi1>, vector<16xf32>, vector<16xf32>)
        %masked_sort3A_474 = arith.constant dense<true> : vector<16xi1>
        %masked_sort3A_475, %masked_sort3A_476, %masked_sort3A_477 = tpu.sort %scan3A_456#4, %scan3A_456#4 masked %masked_sort3A_474 {descending = true} : (vector<16xf32>, vector<16xf32>, vector<16xi1>) -> (vector<16xi1>, vector<16xf32>, vector<16xf32>)
        %masked_sort3A_478 = arith.constant dense<true> : vector<16xi1>
        %masked_sort3A_479, %masked_sort3A_480, %masked_sort3A_481 = tpu.sort %scan3A_456#5, %scan3A_456#5 masked %masked_sort3A_478 {descending = true} : (vector<16xf32>, vector<16xf32>, vector<16xi1>) -> (vector<16xi1>, vector<16xf32>, vector<16xf32>)
        %rev3A_482 = arith.constant 15 : i32
        %rev3A_483 = vector.broadcast %rev3A_482 : i32 to vector<16xi32>
        %rev3A_484 = tpu.iota {dimensions = array<i32: 0>} : vector<16xi32>
        %rev3A_485 = arith.subi %rev3A_483, %rev3A_484 : vector<16xi32>
        %rev3A_486 = tpu.dynamic_gather %masked_sort3A_464[%rev3A_485] in [0] : vector<16xf32>, vector<16xi32> -> vector<16xf32>
        %max3A_487 = arith.maximumf %masked_sort3A_460, %rev3A_486 : vector<16xf32>
        %masked_sort3A_488 = arith.constant dense<true> : vector<16xi1>
        %masked_sort3A_489, %masked_sort3A_490, %masked_sort3A_491 = tpu.sort %max3A_487, %max3A_487 masked %masked_sort3A_488 {descending = true} : (vector<16xf32>, vector<16xf32>, vector<16xi1>) -> (vector<16xi1>, vector<16xf32>, vector<16xf32>)
        %rev3A_492 = arith.constant 15 : i32
        %rev3A_493 = vector.broadcast %rev3A_492 : i32 to vector<16xi32>
        %rev3A_494 = tpu.iota {dimensions = array<i32: 0>} : vector<16xi32>
        %rev3A_495 = arith.subi %rev3A_493, %rev3A_494 : vector<16xi32>
        %rev3A_496 = tpu.dynamic_gather %masked_sort3A_468[%rev3A_495] in [0] : vector<16xf32>, vector<16xi32> -> vector<16xf32>
        %max3A_497 = arith.maximumf %masked_sort3A_490, %rev3A_496 : vector<16xf32>
        %masked_sort3A_498 = arith.constant dense<true> : vector<16xi1>
        %masked_sort3A_499, %masked_sort3A_500, %masked_sort3A_501 = tpu.sort %max3A_497, %max3A_497 masked %masked_sort3A_498 {descending = true} : (vector<16xf32>, vector<16xf32>, vector<16xi1>) -> (vector<16xi1>, vector<16xf32>, vector<16xf32>)
        %rev3A_502 = arith.constant 15 : i32
        %rev3A_503 = vector.broadcast %rev3A_502 : i32 to vector<16xi32>
        %rev3A_504 = tpu.iota {dimensions = array<i32: 0>} : vector<16xi32>
        %rev3A_505 = arith.subi %rev3A_503, %rev3A_504 : vector<16xi32>
        %rev3A_506 = tpu.dynamic_gather %masked_sort3A_472[%rev3A_505] in [0] : vector<16xf32>, vector<16xi32> -> vector<16xf32>
        %max3A_507 = arith.maximumf %masked_sort3A_500, %rev3A_506 : vector<16xf32>
        %masked_sort3A_508 = arith.constant dense<true> : vector<16xi1>
        %masked_sort3A_509, %masked_sort3A_510, %masked_sort3A_511 = tpu.sort %max3A_507, %max3A_507 masked %masked_sort3A_508 {descending = true} : (vector<16xf32>, vector<16xf32>, vector<16xi1>) -> (vector<16xi1>, vector<16xf32>, vector<16xf32>)
        %rev3A_512 = arith.constant 15 : i32
        %rev3A_513 = vector.broadcast %rev3A_512 : i32 to vector<16xi32>
        %rev3A_514 = tpu.iota {dimensions = array<i32: 0>} : vector<16xi32>
        %rev3A_515 = arith.subi %rev3A_513, %rev3A_514 : vector<16xi32>
        %rev3A_516 = tpu.dynamic_gather %masked_sort3A_476[%rev3A_515] in [0] : vector<16xf32>, vector<16xi32> -> vector<16xf32>
        %max3A_517 = arith.maximumf %masked_sort3A_510, %rev3A_516 : vector<16xf32>
        %masked_sort3A_518 = arith.constant dense<true> : vector<16xi1>
        %masked_sort3A_519, %masked_sort3A_520, %masked_sort3A_521 = tpu.sort %max3A_517, %max3A_517 masked %masked_sort3A_518 {descending = true} : (vector<16xf32>, vector<16xf32>, vector<16xi1>) -> (vector<16xi1>, vector<16xf32>, vector<16xf32>)
        %rev3A_522 = arith.constant 15 : i32
        %rev3A_523 = vector.broadcast %rev3A_522 : i32 to vector<16xi32>
        %rev3A_524 = tpu.iota {dimensions = array<i32: 0>} : vector<16xi32>
        %rev3A_525 = arith.subi %rev3A_523, %rev3A_524 : vector<16xi32>
        %rev3A_526 = tpu.dynamic_gather %masked_sort3A_480[%rev3A_525] in [0] : vector<16xf32>, vector<16xi32> -> vector<16xf32>
        %max3A_527 = arith.maximumf %masked_sort3A_520, %rev3A_526 : vector<16xf32>
        %masked_sort3A_528 = arith.constant dense<true> : vector<16xi1>
        %masked_sort3A_529, %masked_sort3A_530, %masked_sort3A_531 = tpu.sort %max3A_527, %max3A_527 masked %masked_sort3A_528 {descending = true} : (vector<16xf32>, vector<16xf32>, vector<16xi1>) -> (vector<16xi1>, vector<16xf32>, vector<16xf32>)
        %slice3A_532 = vector.extract_strided_slice %masked_sort3A_530 {offsets = [5], sizes = [1], strides = [1]} : vector<16xf32> to vector<1xf32>
        %squeeze3A_533 = vector.extract %slice3A_532[0] : f32 from vector<1xf32>
        %sub3A_534 = vector.broadcast %squeeze3A_533 : f32 to vector<16xf32>
        %sub3A_535 = arith.subf %masked_sort3A_530, %sub3A_534 : vector<16xf32>
        %max3A_536 = arith.constant 0.000000e+00 : f32
        %max3A_537 = vector.broadcast %max3A_536 : f32 to vector<16xf32>
        %max3A_538 = arith.maximumf %sub3A_535, %max3A_537 : vector<16xf32>
        %reduce_sum3A_539 = arith.constant true
        %reduce_sum3A_540 = vector.broadcast %reduce_sum3A_539 : i1 to vector<16xi1>
        %reduce_sum3A_541 = tpu.scan <sum>, %max3A_538 masked %reduce_sum3A_540 : vector<16xf32>, vector<16xi1> -> vector<16xf32>
        %reduce_sum3A_542 = vector.extract %reduce_sum3A_541[15] : f32 from vector<16xf32>
        %add3A_543 = arith.constant 1.000000e-07 : f32
        %add3A_544 = arith.addf %reduce_sum3A_542, %add3A_543 : f32
        scf.yield %squeeze3A_533, %add3A_544 : f32, f32
      }
      %broadcast_in_dim3A_331 = arith.constant 1.000000e+00 : f32
      %broadcast_in_dim3A_332 = vector.broadcast %broadcast_in_dim3A_331 : f32 to vector<16xf32>
      %broadcast_in_dim3A_333 = vector.broadcast %cond3A_330#1 : f32 to vector<16xf32>
      %div3A_334 = arith.divf %broadcast_in_dim3A_332, %broadcast_in_dim3A_333 : vector<16xf32>
      %gt3A_335 = arith.constant 0 : i32
      %gt3A_336 = arith.cmpi sgt, %scan3A_86, %gt3A_335 : i32
      %convert_element_type3A_337 = arith.extui %gt3A_336 : i1 to i32
      %cond3A_338 = arith.constant 0 : i32
      %cond3A_339 = arith.cmpi ne, %convert_element_type3A_337, %cond3A_338 : i32
      scf.if %cond3A_339 {
        %add3A_450 = arith.constant 2 : i32
        %add3A_451 = arith.addi %add3A_90, %add3A_450 : i32
        %sub3A_452 = arith.constant 4 : i32
        %sub3A_453 = arith.subi %add3A_451, %sub3A_452 : i32
        %dma_wait3A_454 = arith.constant 0 : i32
        %dma_wait3A_455 = tpu.memref_slice %arg3[%sub3A_453, %dma_wait3A_454] : memref<2048x4096xf32, #tpu.memory_space<hbm>> -> memref<1x4096xf32, #tpu.memory_space<hbm>>
        %dma_wait3A_456 = tpu.memref_squeeze %dma_wait3A_455 : memref<1x4096xf32, #tpu.memory_space<hbm>> -> memref<4096xf32, #tpu.memory_space<hbm>>
        %dma_wait3A_457 = arith.constant 0 : i32
        %dma_wait3A_458 = tpu.memref_slice %arg3[%sub3A_453, %dma_wait3A_457] : memref<2048x4096xf32, #tpu.memory_space<hbm>> -> memref<1x4096xf32, #tpu.memory_space<hbm>>
        %dma_wait3A_459 = tpu.memref_squeeze %dma_wait3A_458 : memref<1x4096xf32, #tpu.memory_space<hbm>> -> memref<4096xf32, #tpu.memory_space<hbm>>
        tpu.wait_dma2 semaphore(%arg18 : memref<!tpu.dma_semaphore, #tpu.memory_space<semaphore_mem>>) src(%arg10 : memref<4096xf32, #tpu.memory_space<vmem>>) dst(%dma_wait3A_459 : memref<4096xf32, #tpu.memory_space<hbm>>)
      } else {
      }
      %parallel_loop3A_340 = arith.constant 0 : i32
      %parallel_loop3A_341 = arith.constant 256 : i32
      %parallel_loop3A_342 = arith.constant 1 : i32
      scf.for %parallel_loop3A_450 = %parallel_loop3A_340 to %parallel_loop3A_341 step %parallel_loop3A_342  : i32 {
        %parallel_loop3A_451 = arith.constant 16 : i32
        %parallel_loop3A_452 = arith.muli %parallel_loop3A_450, %parallel_loop3A_451 : i32
        %parallel_loop3A_453 = arith.index_cast %parallel_loop3A_452 : i32 to index
        %parallel_loop3A_454 = tpu.vector_load %arg6[%parallel_loop3A_453] {strides = array<i32>} : memref<4096xf32, #tpu.memory_space<vmem>>, vector<16xf32>,
        %parallel_loop3A_455 = vector.broadcast %cond3A_330#0 : f32 to vector<16xf32>
        %parallel_loop3A_456 = arith.subf %parallel_loop3A_454, %parallel_loop3A_455 : vector<16xf32>
        %parallel_loop3A_457 = arith.constant 0.000000e+00 : f32
        %parallel_loop3A_458 = vector.broadcast %parallel_loop3A_457 : f32 to vector<16xf32>
        %parallel_loop3A_459 = arith.maximumf %parallel_loop3A_456, %parallel_loop3A_458 : vector<16xf32>
        %parallel_loop3A_460 = arith.mulf %parallel_loop3A_459, %div3A_334 : vector<16xf32>
        %parallel_loop3A_461 = arith.constant 16 : i32
        %parallel_loop3A_462 = arith.muli %parallel_loop3A_450, %parallel_loop3A_461 : i32
        %parallel_loop3A_463 = arith.index_cast %parallel_loop3A_462 : i32 to index
        %parallel_loop3A_464 = tpu.vector_load %arg10[%parallel_loop3A_463] {strides = array<i32>} : memref<4096xf32, #tpu.memory_space<vmem>>, vector<16xf32>,
        tpu.vector_store %arg10[%parallel_loop3A_463], %parallel_loop3A_460 {strides = array<i32>} : memref<4096xf32, #tpu.memory_space<vmem>>, vector<16xf32>,
      } {sc.loop_unroll_factor = 8 : i64, sc.parallel_access}
      %add3A_343 = arith.constant 2 : i32
      %add3A_344 = arith.addi %add3A_90, %add3A_343 : i32
      %dma_start3A_345 = arith.constant 0 : i32
      %dma_start3A_346 = tpu.memref_slice %arg3[%add3A_344, %dma_start3A_345] : memref<2048x4096xf32, #tpu.memory_space<hbm>> -> memref<1x4096xf32, #tpu.memory_space<hbm>>
      %dma_start3A_347 = tpu.memref_squeeze %dma_start3A_346 : memref<1x4096xf32, #tpu.memory_space<hbm>> -> memref<4096xf32, #tpu.memory_space<hbm>>
      %dma_start3A_348 = arith.constant 0 : i32
      %dma_start3A_349 = tpu.memref_slice %arg3[%add3A_344, %dma_start3A_348] : memref<2048x4096xf32, #tpu.memory_space<hbm>> -> memref<1x4096xf32, #tpu.memory_space<hbm>>
      %dma_start3A_350 = tpu.memref_squeeze %dma_start3A_349 : memref<1x4096xf32, #tpu.memory_space<hbm>> -> memref<4096xf32, #tpu.memory_space<hbm>>
      tpu.enqueue_dma source(%arg10 : memref<4096xf32, #tpu.memory_space<vmem>>) target(%dma_start3A_350 : memref<4096xf32, #tpu.memory_space<hbm>>) target_semaphore(%arg18 : memref<!tpu.dma_semaphore, #tpu.memory_space<semaphore_mem>>)
      %lt3A_351 = arith.constant 15 : i32
      %lt3A_352 = arith.cmpi slt, %scan3A_86, %lt3A_351 : i32
      %convert_element_type3A_353 = arith.extui %lt3A_352 : i1 to i32
      %cond3A_354 = arith.constant 0 : i32
      %cond3A_355 = arith.cmpi ne, %convert_element_type3A_353, %cond3A_354 : i32
      scf.if %cond3A_355 {
        %add3A_450 = arith.constant 2 : i32
        %add3A_451 = arith.addi %add3A_90, %add3A_450 : i32
        %add3A_452 = arith.constant 4 : i32
        %add3A_453 = arith.addi %add3A_451, %add3A_452 : i32
        %dma_start3A_454 = arith.constant 0 : i32
        %dma_start3A_455 = tpu.memref_slice %arg2[%add3A_453, %dma_start3A_454] : memref<2048x4096xf32, #tpu.memory_space<hbm>> -> memref<1x4096xf32, #tpu.memory_space<hbm>>
        %dma_start3A_456 = tpu.memref_squeeze %dma_start3A_455 : memref<1x4096xf32, #tpu.memory_space<hbm>> -> memref<4096xf32, #tpu.memory_space<hbm>>
        %dma_start3A_457 = arith.constant 0 : i32
        %dma_start3A_458 = tpu.memref_slice %arg2[%add3A_453, %dma_start3A_457] : memref<2048x4096xf32, #tpu.memory_space<hbm>> -> memref<1x4096xf32, #tpu.memory_space<hbm>>
        %dma_start3A_459 = tpu.memref_squeeze %dma_start3A_458 : memref<1x4096xf32, #tpu.memory_space<hbm>> -> memref<4096xf32, #tpu.memory_space<hbm>>
        tpu.enqueue_dma source(%dma_start3A_459 : memref<4096xf32, #tpu.memory_space<hbm>>) target(%arg6 : memref<4096xf32, #tpu.memory_space<vmem>>) target_semaphore(%arg14 : memref<!tpu.dma_semaphore, #tpu.memory_space<semaphore_mem>>)
      } else {
      }
      %add3A_356 = arith.constant 3 : i32
      %add3A_357 = arith.addi %add3A_90, %add3A_356 : i32
      %dma_wait3A_358 = arith.constant 0 : i32
      %dma_wait3A_359 = tpu.memref_slice %arg2[%add3A_357, %dma_wait3A_358] : memref<2048x4096xf32, #tpu.memory_space<hbm>> -> memref<1x4096xf32, #tpu.memory_space<hbm>>
      %dma_wait3A_360 = tpu.memref_squeeze %dma_wait3A_359 : memref<1x4096xf32, #tpu.memory_space<hbm>> -> memref<4096xf32, #tpu.memory_space<hbm>>
      %dma_wait3A_361 = arith.constant 0 : i32
      %dma_wait3A_362 = tpu.memref_slice %arg2[%add3A_357, %dma_wait3A_361] : memref<2048x4096xf32, #tpu.memory_space<hbm>> -> memref<1x4096xf32, #tpu.memory_space<hbm>>
      %dma_wait3A_363 = tpu.memref_squeeze %dma_wait3A_362 : memref<1x4096xf32, #tpu.memory_space<hbm>> -> memref<4096xf32, #tpu.memory_space<hbm>>
      tpu.wait_dma2 semaphore(%arg15 : memref<!tpu.dma_semaphore, #tpu.memory_space<semaphore_mem>>) src(%dma_wait3A_363 : memref<4096xf32, #tpu.memory_space<hbm>>) dst(%arg7 : memref<4096xf32, #tpu.memory_space<vmem>>)
      %broadcast_in_dim3A_364 = arith.constant 0xFF800000 : f32
      %broadcast_in_dim3A_365 = vector.broadcast %broadcast_in_dim3A_364 : f32 to vector<16xf32>
      %scan3A_366 = arith.constant 0 : i32
      %scan3A_367 = arith.constant 256 : i32
      %scan3A_368 = arith.addi %scan3A_366, %scan3A_367 : i32
      %scan3A_369 = arith.constant 16 : i32
      %scan3A_370:3 = scf.for %scan3A_450 = %scan3A_366 to %scan3A_368 step %scan3A_369 iter_args(%scan3A_451 = %broadcast_in_dim3A_365, %scan3A_452 = %broadcast_in_dim3A_365, %scan3A_453 = %broadcast_in_dim3A_365) -> (vector<16xf32>, vector<16xf32>, vector<16xf32>)  : i32 {
        %mul3A_454 = arith.constant 16 : i32
        %mul3A_455 = arith.muli %scan3A_450, %mul3A_454 : i32
        %get3A = arith.index_cast %mul3A_455 : i32 to index
        %get3A_456 = tpu.vector_load %arg7[%get3A] {strides = array<i32>} : memref<4096xf32, #tpu.memory_space<vmem>>, vector<16xf32>,
        %max3A_457 = arith.maximumf %scan3A_451, %get3A_456 : vector<16xf32>
        %min3A = arith.minimumf %scan3A_451, %get3A_456 : vector<16xf32>
        %max3A_458 = arith.maximumf %scan3A_452, %min3A : vector<16xf32>
        %min3A_459 = arith.minimumf %scan3A_452, %min3A : vector<16xf32>
        %max3A_460 = arith.maximumf %scan3A_453, %min3A_459 : vector<16xf32>
        %scan3A_461 = arith.constant 1 : i32
        %scan3A_462 = arith.addi %scan3A_450, %scan3A_461 : i32
        %mul3A_463 = arith.constant 16 : i32
        %mul3A_464 = arith.muli %scan3A_462, %mul3A_463 : i32
        %get3A_465 = arith.index_cast %mul3A_464 : i32 to index
        %get3A_466 = tpu.vector_load %arg7[%get3A_465] {strides = array<i32>} : memref<4096xf32, #tpu.memory_space<vmem>>, vector<16xf32>,
        %max3A_467 = arith.maximumf %max3A_457, %get3A_466 : vector<16xf32>
        %min3A_468 = arith.minimumf %max3A_457, %get3A_466 : vector<16xf32>
        %max3A_469 = arith.maximumf %max3A_458, %min3A_468 : vector<16xf32>
        %min3A_470 = arith.minimumf %max3A_458, %min3A_468 : vector<16xf32>
        %max3A_471 = arith.maximumf %max3A_460, %min3A_470 : vector<16xf32>
        %scan3A_472 = arith.constant 2 : i32
        %scan3A_473 = arith.addi %scan3A_450, %scan3A_472 : i32
        %mul3A_474 = arith.constant 16 : i32
        %mul3A_475 = arith.muli %scan3A_473, %mul3A_474 : i32
        %get3A_476 = arith.index_cast %mul3A_475 : i32 to index
        %get3A_477 = tpu.vector_load %arg7[%get3A_476] {strides = array<i32>} : memref<4096xf32, #tpu.memory_space<vmem>>, vector<16xf32>,
        %max3A_478 = arith.maximumf %max3A_467, %get3A_477 : vector<16xf32>
        %min3A_479 = arith.minimumf %max3A_467, %get3A_477 : vector<16xf32>
        %max3A_480 = arith.maximumf %max3A_469, %min3A_479 : vector<16xf32>
        %min3A_481 = arith.minimumf %max3A_469, %min3A_479 : vector<16xf32>
        %max3A_482 = arith.maximumf %max3A_471, %min3A_481 : vector<16xf32>
        %scan3A_483 = arith.constant 3 : i32
        %scan3A_484 = arith.addi %scan3A_450, %scan3A_483 : i32
        %mul3A_485 = arith.constant 16 : i32
        %mul3A_486 = arith.muli %scan3A_484, %mul3A_485 : i32
        %get3A_487 = arith.index_cast %mul3A_486 : i32 to index
        %get3A_488 = tpu.vector_load %arg7[%get3A_487] {strides = array<i32>} : memref<4096xf32, #tpu.memory_space<vmem>>, vector<16xf32>,
        %max3A_489 = arith.maximumf %max3A_478, %get3A_488 : vector<16xf32>
        %min3A_490 = arith.minimumf %max3A_478, %get3A_488 : vector<16xf32>
        %max3A_491 = arith.maximumf %max3A_480, %min3A_490 : vector<16xf32>
        %min3A_492 = arith.minimumf %max3A_480, %min3A_490 : vector<16xf32>
        %max3A_493 = arith.maximumf %max3A_482, %min3A_492 : vector<16xf32>
        %scan3A_494 = arith.constant 4 : i32
        %scan3A_495 = arith.addi %scan3A_450, %scan3A_494 : i32
        %mul3A_496 = arith.constant 16 : i32
        %mul3A_497 = arith.muli %scan3A_495, %mul3A_496 : i32
        %get3A_498 = arith.index_cast %mul3A_497 : i32 to index
        %get3A_499 = tpu.vector_load %arg7[%get3A_498] {strides = array<i32>} : memref<4096xf32, #tpu.memory_space<vmem>>, vector<16xf32>,
        %max3A_500 = arith.maximumf %max3A_489, %get3A_499 : vector<16xf32>
        %min3A_501 = arith.minimumf %max3A_489, %get3A_499 : vector<16xf32>
        %max3A_502 = arith.maximumf %max3A_491, %min3A_501 : vector<16xf32>
        %min3A_503 = arith.minimumf %max3A_491, %min3A_501 : vector<16xf32>
        %max3A_504 = arith.maximumf %max3A_493, %min3A_503 : vector<16xf32>
        %scan3A_505 = arith.constant 5 : i32
        %scan3A_506 = arith.addi %scan3A_450, %scan3A_505 : i32
        %mul3A_507 = arith.constant 16 : i32
        %mul3A_508 = arith.muli %scan3A_506, %mul3A_507 : i32
        %get3A_509 = arith.index_cast %mul3A_508 : i32 to index
        %get3A_510 = tpu.vector_load %arg7[%get3A_509] {strides = array<i32>} : memref<4096xf32, #tpu.memory_space<vmem>>, vector<16xf32>,
        %max3A_511 = arith.maximumf %max3A_500, %get3A_510 : vector<16xf32>
        %min3A_512 = arith.minimumf %max3A_500, %get3A_510 : vector<16xf32>
        %max3A_513 = arith.maximumf %max3A_502, %min3A_512 : vector<16xf32>
        %min3A_514 = arith.minimumf %max3A_502, %min3A_512 : vector<16xf32>
        %max3A_515 = arith.maximumf %max3A_504, %min3A_514 : vector<16xf32>
        %scan3A_516 = arith.constant 6 : i32
        %scan3A_517 = arith.addi %scan3A_450, %scan3A_516 : i32
        %mul3A_518 = arith.constant 16 : i32
        %mul3A_519 = arith.muli %scan3A_517, %mul3A_518 : i32
        %get3A_520 = arith.index_cast %mul3A_519 : i32 to index
        %get3A_521 = tpu.vector_load %arg7[%get3A_520] {strides = array<i32>} : memref<4096xf32, #tpu.memory_space<vmem>>, vector<16xf32>,
        %max3A_522 = arith.maximumf %max3A_511, %get3A_521 : vector<16xf32>
        %min3A_523 = arith.minimumf %max3A_511, %get3A_521 : vector<16xf32>
        %max3A_524 = arith.maximumf %max3A_513, %min3A_523 : vector<16xf32>
        %min3A_525 = arith.minimumf %max3A_513, %min3A_523 : vector<16xf32>
        %max3A_526 = arith.maximumf %max3A_515, %min3A_525 : vector<16xf32>
        %scan3A_527 = arith.constant 7 : i32
        %scan3A_528 = arith.addi %scan3A_450, %scan3A_527 : i32
        %mul3A_529 = arith.constant 16 : i32
        %mul3A_530 = arith.muli %scan3A_528, %mul3A_529 : i32
        %get3A_531 = arith.index_cast %mul3A_530 : i32 to index
        %get3A_532 = tpu.vector_load %arg7[%get3A_531] {strides = array<i32>} : memref<4096xf32, #tpu.memory_space<vmem>>, vector<16xf32>,
        %max3A_533 = arith.maximumf %max3A_522, %get3A_532 : vector<16xf32>
        %min3A_534 = arith.minimumf %max3A_522, %get3A_532 : vector<16xf32>
        %max3A_535 = arith.maximumf %max3A_524, %min3A_534 : vector<16xf32>
        %min3A_536 = arith.minimumf %max3A_524, %min3A_534 : vector<16xf32>
        %max3A_537 = arith.maximumf %max3A_526, %min3A_536 : vector<16xf32>
        %scan3A_538 = arith.constant 8 : i32
        %scan3A_539 = arith.addi %scan3A_450, %scan3A_538 : i32
        %mul3A_540 = arith.constant 16 : i32
        %mul3A_541 = arith.muli %scan3A_539, %mul3A_540 : i32
        %get3A_542 = arith.index_cast %mul3A_541 : i32 to index
        %get3A_543 = tpu.vector_load %arg7[%get3A_542] {strides = array<i32>} : memref<4096xf32, #tpu.memory_space<vmem>>, vector<16xf32>,
        %max3A_544 = arith.maximumf %max3A_533, %get3A_543 : vector<16xf32>
        %min3A_545 = arith.minimumf %max3A_533, %get3A_543 : vector<16xf32>
        %max3A_546 = arith.maximumf %max3A_535, %min3A_545 : vector<16xf32>
        %min3A_547 = arith.minimumf %max3A_535, %min3A_545 : vector<16xf32>
        %max3A_548 = arith.maximumf %max3A_537, %min3A_547 : vector<16xf32>
        %scan3A_549 = arith.constant 9 : i32
        %scan3A_550 = arith.addi %scan3A_450, %scan3A_549 : i32
        %mul3A_551 = arith.constant 16 : i32
        %mul3A_552 = arith.muli %scan3A_550, %mul3A_551 : i32
        %get3A_553 = arith.index_cast %mul3A_552 : i32 to index
        %get3A_554 = tpu.vector_load %arg7[%get3A_553] {strides = array<i32>} : memref<4096xf32, #tpu.memory_space<vmem>>, vector<16xf32>,
        %max3A_555 = arith.maximumf %max3A_544, %get3A_554 : vector<16xf32>
        %min3A_556 = arith.minimumf %max3A_544, %get3A_554 : vector<16xf32>
        %max3A_557 = arith.maximumf %max3A_546, %min3A_556 : vector<16xf32>
        %min3A_558 = arith.minimumf %max3A_546, %min3A_556 : vector<16xf32>
        %max3A_559 = arith.maximumf %max3A_548, %min3A_558 : vector<16xf32>
        %scan3A_560 = arith.constant 10 : i32
        %scan3A_561 = arith.addi %scan3A_450, %scan3A_560 : i32
        %mul3A_562 = arith.constant 16 : i32
        %mul3A_563 = arith.muli %scan3A_561, %mul3A_562 : i32
        %get3A_564 = arith.index_cast %mul3A_563 : i32 to index
        %get3A_565 = tpu.vector_load %arg7[%get3A_564] {strides = array<i32>} : memref<4096xf32, #tpu.memory_space<vmem>>, vector<16xf32>,
        %max3A_566 = arith.maximumf %max3A_555, %get3A_565 : vector<16xf32>
        %min3A_567 = arith.minimumf %max3A_555, %get3A_565 : vector<16xf32>
        %max3A_568 = arith.maximumf %max3A_557, %min3A_567 : vector<16xf32>
        %min3A_569 = arith.minimumf %max3A_557, %min3A_567 : vector<16xf32>
        %max3A_570 = arith.maximumf %max3A_559, %min3A_569 : vector<16xf32>
        %scan3A_571 = arith.constant 11 : i32
        %scan3A_572 = arith.addi %scan3A_450, %scan3A_571 : i32
        %mul3A_573 = arith.constant 16 : i32
        %mul3A_574 = arith.muli %scan3A_572, %mul3A_573 : i32
        %get3A_575 = arith.index_cast %mul3A_574 : i32 to index
        %get3A_576 = tpu.vector_load %arg7[%get3A_575] {strides = array<i32>} : memref<4096xf32, #tpu.memory_space<vmem>>, vector<16xf32>,
        %max3A_577 = arith.maximumf %max3A_566, %get3A_576 : vector<16xf32>
        %min3A_578 = arith.minimumf %max3A_566, %get3A_576 : vector<16xf32>
        %max3A_579 = arith.maximumf %max3A_568, %min3A_578 : vector<16xf32>
        %min3A_580 = arith.minimumf %max3A_568, %min3A_578 : vector<16xf32>
        %max3A_581 = arith.maximumf %max3A_570, %min3A_580 : vector<16xf32>
        %scan3A_582 = arith.constant 12 : i32
        %scan3A_583 = arith.addi %scan3A_450, %scan3A_582 : i32
        %mul3A_584 = arith.constant 16 : i32
        %mul3A_585 = arith.muli %scan3A_583, %mul3A_584 : i32
        %get3A_586 = arith.index_cast %mul3A_585 : i32 to index
        %get3A_587 = tpu.vector_load %arg7[%get3A_586] {strides = array<i32>} : memref<4096xf32, #tpu.memory_space<vmem>>, vector<16xf32>,
        %max3A_588 = arith.maximumf %max3A_577, %get3A_587 : vector<16xf32>
        %min3A_589 = arith.minimumf %max3A_577, %get3A_587 : vector<16xf32>
        %max3A_590 = arith.maximumf %max3A_579, %min3A_589 : vector<16xf32>
        %min3A_591 = arith.minimumf %max3A_579, %min3A_589 : vector<16xf32>
        %max3A_592 = arith.maximumf %max3A_581, %min3A_591 : vector<16xf32>
        %scan3A_593 = arith.constant 13 : i32
        %scan3A_594 = arith.addi %scan3A_450, %scan3A_593 : i32
        %mul3A_595 = arith.constant 16 : i32
        %mul3A_596 = arith.muli %scan3A_594, %mul3A_595 : i32
        %get3A_597 = arith.index_cast %mul3A_596 : i32 to index
        %get3A_598 = tpu.vector_load %arg7[%get3A_597] {strides = array<i32>} : memref<4096xf32, #tpu.memory_space<vmem>>, vector<16xf32>,
        %max3A_599 = arith.maximumf %max3A_588, %get3A_598 : vector<16xf32>
        %min3A_600 = arith.minimumf %max3A_588, %get3A_598 : vector<16xf32>
        %max3A_601 = arith.maximumf %max3A_590, %min3A_600 : vector<16xf32>
        %min3A_602 = arith.minimumf %max3A_590, %min3A_600 : vector<16xf32>
        %max3A_603 = arith.maximumf %max3A_592, %min3A_602 : vector<16xf32>
        %scan3A_604 = arith.constant 14 : i32
        %scan3A_605 = arith.addi %scan3A_450, %scan3A_604 : i32
        %mul3A_606 = arith.constant 16 : i32
        %mul3A_607 = arith.muli %scan3A_605, %mul3A_606 : i32
        %get3A_608 = arith.index_cast %mul3A_607 : i32 to index
        %get3A_609 = tpu.vector_load %arg7[%get3A_608] {strides = array<i32>} : memref<4096xf32, #tpu.memory_space<vmem>>, vector<16xf32>,
        %max3A_610 = arith.maximumf %max3A_599, %get3A_609 : vector<16xf32>
        %min3A_611 = arith.minimumf %max3A_599, %get3A_609 : vector<16xf32>
        %max3A_612 = arith.maximumf %max3A_601, %min3A_611 : vector<16xf32>
        %min3A_613 = arith.minimumf %max3A_601, %min3A_611 : vector<16xf32>
        %max3A_614 = arith.maximumf %max3A_603, %min3A_613 : vector<16xf32>
        %scan3A_615 = arith.constant 15 : i32
        %scan3A_616 = arith.addi %scan3A_450, %scan3A_615 : i32
        %mul3A_617 = arith.constant 16 : i32
        %mul3A_618 = arith.muli %scan3A_616, %mul3A_617 : i32
        %get3A_619 = arith.index_cast %mul3A_618 : i32 to index
        %get3A_620 = tpu.vector_load %arg7[%get3A_619] {strides = array<i32>} : memref<4096xf32, #tpu.memory_space<vmem>>, vector<16xf32>,
        %max3A_621 = arith.maximumf %max3A_610, %get3A_620 : vector<16xf32>
        %min3A_622 = arith.minimumf %max3A_610, %get3A_620 : vector<16xf32>
        %max3A_623 = arith.maximumf %max3A_612, %min3A_622 : vector<16xf32>
        %min3A_624 = arith.minimumf %max3A_612, %min3A_622 : vector<16xf32>
        %max3A_625 = arith.maximumf %max3A_614, %min3A_624 : vector<16xf32>
        scf.yield %max3A_621, %max3A_623, %max3A_625 : vector<16xf32>, vector<16xf32>, vector<16xf32>
      }
      %scan3A_371 = arith.constant 256 : i32
      %masked_sort3A_372 = arith.constant dense<true> : vector<16xi1>
      %masked_sort3A_373, %masked_sort3A_374, %masked_sort3A_375 = tpu.sort %scan3A_370#0, %scan3A_370#0 masked %masked_sort3A_372 {descending = true} : (vector<16xf32>, vector<16xf32>, vector<16xi1>) -> (vector<16xi1>, vector<16xf32>, vector<16xf32>)
      %masked_sort3A_376 = arith.constant dense<true> : vector<16xi1>
      %masked_sort3A_377, %masked_sort3A_378, %masked_sort3A_379 = tpu.sort %scan3A_370#1, %scan3A_370#1 masked %masked_sort3A_376 {descending = true} : (vector<16xf32>, vector<16xf32>, vector<16xi1>) -> (vector<16xi1>, vector<16xf32>, vector<16xf32>)
      %masked_sort3A_380 = arith.constant dense<true> : vector<16xi1>
      %masked_sort3A_381, %masked_sort3A_382, %masked_sort3A_383 = tpu.sort %scan3A_370#2, %scan3A_370#2 masked %masked_sort3A_380 {descending = true} : (vector<16xf32>, vector<16xf32>, vector<16xi1>) -> (vector<16xi1>, vector<16xf32>, vector<16xf32>)
      %rev3A_384 = arith.constant 15 : i32
      %rev3A_385 = vector.broadcast %rev3A_384 : i32 to vector<16xi32>
      %rev3A_386 = tpu.iota {dimensions = array<i32: 0>} : vector<16xi32>
      %rev3A_387 = arith.subi %rev3A_385, %rev3A_386 : vector<16xi32>
      %rev3A_388 = tpu.dynamic_gather %masked_sort3A_378[%rev3A_387] in [0] : vector<16xf32>, vector<16xi32> -> vector<16xf32>
      %max3A_389 = arith.maximumf %masked_sort3A_374, %rev3A_388 : vector<16xf32>
      %masked_sort3A_390 = arith.constant dense<true> : vector<16xi1>
      %masked_sort3A_391, %masked_sort3A_392, %masked_sort3A_393 = tpu.sort %max3A_389, %max3A_389 masked %masked_sort3A_390 {descending = true} : (vector<16xf32>, vector<16xf32>, vector<16xi1>) -> (vector<16xi1>, vector<16xf32>, vector<16xf32>)
      %rev3A_394 = arith.constant 15 : i32
      %rev3A_395 = vector.broadcast %rev3A_394 : i32 to vector<16xi32>
      %rev3A_396 = tpu.iota {dimensions = array<i32: 0>} : vector<16xi32>
      %rev3A_397 = arith.subi %rev3A_395, %rev3A_396 : vector<16xi32>
      %rev3A_398 = tpu.dynamic_gather %masked_sort3A_382[%rev3A_397] in [0] : vector<16xf32>, vector<16xi32> -> vector<16xf32>
      %max3A_399 = arith.maximumf %masked_sort3A_392, %rev3A_398 : vector<16xf32>
      %masked_sort3A_400 = arith.constant dense<true> : vector<16xi1>
      %masked_sort3A_401, %masked_sort3A_402, %masked_sort3A_403 = tpu.sort %max3A_399, %max3A_399 masked %masked_sort3A_400 {descending = true} : (vector<16xf32>, vector<16xf32>, vector<16xi1>) -> (vector<16xi1>, vector<16xf32>, vector<16xf32>)
      %slice3A_404 = vector.extract_strided_slice %masked_sort3A_402 {offsets = [5], sizes = [1], strides = [1]} : vector<16xf32> to vector<1xf32>
      %squeeze3A_405 = vector.extract %slice3A_404[0] : f32 from vector<1xf32>
      %sub3A_406 = vector.broadcast %squeeze3A_405 : f32 to vector<16xf32>
      %sub3A_407 = arith.subf %masked_sort3A_402, %sub3A_406 : vector<16xf32>
      %max3A_408 = arith.constant 0.000000e+00 : f32
      %max3A_409 = vector.broadcast %max3A_408 : f32 to vector<16xf32>
      %max3A_410 = arith.maximumf %sub3A_407, %max3A_409 : vector<16xf32>
      %reduce_sum3A_411 = arith.constant true
      %reduce_sum3A_412 = vector.broadcast %reduce_sum3A_411 : i1 to vector<16xi1>
      %reduce_sum3A_413 = tpu.scan <sum>, %max3A_410 masked %reduce_sum3A_412 : vector<16xf32>, vector<16xi1> -> vector<16xf32>
      %reduce_sum3A_414 = vector.extract %reduce_sum3A_413[15] : f32 from vector<16xf32>
      %add3A_415 = arith.constant 1.000000e-07 : f32
      %add3A_416 = arith.addf %reduce_sum3A_414, %add3A_415 : f32
      %slice3A_417 = vector.extract_strided_slice %masked_sort3A_382 {offsets = [0], sizes = [1], strides = [1]} : vector<16xf32> to vector<1xf32>
      %squeeze3A_418 = vector.extract %slice3A_417[0] : f32 from vector<1xf32>
      %le3A_419 = arith.cmpf ole, %squeeze3A_418, %squeeze3A_405 : f32
      %convert_element_type3A_420 = arith.extui %le3A_419 : i1 to i32
      %cond3A_421 = arith.constant 0 : i32
      %cond3A_422 = arith.cmpi ne, %convert_element_type3A_420, %cond3A_421 : i32
      %cond3A_423:2 = scf.if %cond3A_422 -> (f32, f32) {
        scf.yield %squeeze3A_405, %add3A_416 : f32, f32
      } else {
        %broadcast_in_dim3A_450 = arith.constant 0xFF800000 : f32
        %broadcast_in_dim3A_451 = vector.broadcast %broadcast_in_dim3A_450 : f32 to vector<16xf32>
        %scan3A_452 = arith.constant 0 : i32
        %scan3A_453 = arith.constant 256 : i32
        %scan3A_454 = arith.addi %scan3A_452, %scan3A_453 : i32
        %scan3A_455 = arith.constant 8 : i32
        %scan3A_456:6 = scf.for %scan3A_545 = %scan3A_452 to %scan3A_454 step %scan3A_455 iter_args(%scan3A_546 = %broadcast_in_dim3A_451, %scan3A_547 = %broadcast_in_dim3A_451, %scan3A_548 = %broadcast_in_dim3A_451, %scan3A_549 = %broadcast_in_dim3A_451, %scan3A_550 = %broadcast_in_dim3A_451, %scan3A_551 = %broadcast_in_dim3A_451) -> (vector<16xf32>, vector<16xf32>, vector<16xf32>, vector<16xf32>, vector<16xf32>, vector<16xf32>)  : i32 {
          %mul3A_552 = arith.constant 16 : i32
          %mul3A_553 = arith.muli %scan3A_545, %mul3A_552 : i32
          %get3A = arith.index_cast %mul3A_553 : i32 to index
          %get3A_554 = tpu.vector_load %arg7[%get3A] {strides = array<i32>} : memref<4096xf32, #tpu.memory_space<vmem>>, vector<16xf32>,
          %max3A_555 = arith.maximumf %scan3A_546, %get3A_554 : vector<16xf32>
          %min3A = arith.minimumf %scan3A_546, %get3A_554 : vector<16xf32>
          %max3A_556 = arith.maximumf %scan3A_547, %min3A : vector<16xf32>
          %min3A_557 = arith.minimumf %scan3A_547, %min3A : vector<16xf32>
          %max3A_558 = arith.maximumf %scan3A_548, %min3A_557 : vector<16xf32>
          %min3A_559 = arith.minimumf %scan3A_548, %min3A_557 : vector<16xf32>
          %max3A_560 = arith.maximumf %scan3A_549, %min3A_559 : vector<16xf32>
          %min3A_561 = arith.minimumf %scan3A_549, %min3A_559 : vector<16xf32>
          %max3A_562 = arith.maximumf %scan3A_550, %min3A_561 : vector<16xf32>
          %min3A_563 = arith.minimumf %scan3A_550, %min3A_561 : vector<16xf32>
          %max3A_564 = arith.maximumf %scan3A_551, %min3A_563 : vector<16xf32>
          %scan3A_565 = arith.constant 1 : i32
          %scan3A_566 = arith.addi %scan3A_545, %scan3A_565 : i32
          %mul3A_567 = arith.constant 16 : i32
          %mul3A_568 = arith.muli %scan3A_566, %mul3A_567 : i32
          %get3A_569 = arith.index_cast %mul3A_568 : i32 to index
          %get3A_570 = tpu.vector_load %arg7[%get3A_569] {strides = array<i32>} : memref<4096xf32, #tpu.memory_space<vmem>>, vector<16xf32>,
          %max3A_571 = arith.maximumf %max3A_555, %get3A_570 : vector<16xf32>
          %min3A_572 = arith.minimumf %max3A_555, %get3A_570 : vector<16xf32>
          %max3A_573 = arith.maximumf %max3A_556, %min3A_572 : vector<16xf32>
          %min3A_574 = arith.minimumf %max3A_556, %min3A_572 : vector<16xf32>
          %max3A_575 = arith.maximumf %max3A_558, %min3A_574 : vector<16xf32>
          %min3A_576 = arith.minimumf %max3A_558, %min3A_574 : vector<16xf32>
          %max3A_577 = arith.maximumf %max3A_560, %min3A_576 : vector<16xf32>
          %min3A_578 = arith.minimumf %max3A_560, %min3A_576 : vector<16xf32>
          %max3A_579 = arith.maximumf %max3A_562, %min3A_578 : vector<16xf32>
          %min3A_580 = arith.minimumf %max3A_562, %min3A_578 : vector<16xf32>
          %max3A_581 = arith.maximumf %max3A_564, %min3A_580 : vector<16xf32>
          %scan3A_582 = arith.constant 2 : i32
          %scan3A_583 = arith.addi %scan3A_545, %scan3A_582 : i32
          %mul3A_584 = arith.constant 16 : i32
          %mul3A_585 = arith.muli %scan3A_583, %mul3A_584 : i32
          %get3A_586 = arith.index_cast %mul3A_585 : i32 to index
          %get3A_587 = tpu.vector_load %arg7[%get3A_586] {strides = array<i32>} : memref<4096xf32, #tpu.memory_space<vmem>>, vector<16xf32>,
          %max3A_588 = arith.maximumf %max3A_571, %get3A_587 : vector<16xf32>
          %min3A_589 = arith.minimumf %max3A_571, %get3A_587 : vector<16xf32>
          %max3A_590 = arith.maximumf %max3A_573, %min3A_589 : vector<16xf32>
          %min3A_591 = arith.minimumf %max3A_573, %min3A_589 : vector<16xf32>
          %max3A_592 = arith.maximumf %max3A_575, %min3A_591 : vector<16xf32>
          %min3A_593 = arith.minimumf %max3A_575, %min3A_591 : vector<16xf32>
          %max3A_594 = arith.maximumf %max3A_577, %min3A_593 : vector<16xf32>
          %min3A_595 = arith.minimumf %max3A_577, %min3A_593 : vector<16xf32>
          %max3A_596 = arith.maximumf %max3A_579, %min3A_595 : vector<16xf32>
          %min3A_597 = arith.minimumf %max3A_579, %min3A_595 : vector<16xf32>
          %max3A_598 = arith.maximumf %max3A_581, %min3A_597 : vector<16xf32>
          %scan3A_599 = arith.constant 3 : i32
          %scan3A_600 = arith.addi %scan3A_545, %scan3A_599 : i32
          %mul3A_601 = arith.constant 16 : i32
          %mul3A_602 = arith.muli %scan3A_600, %mul3A_601 : i32
          %get3A_603 = arith.index_cast %mul3A_602 : i32 to index
          %get3A_604 = tpu.vector_load %arg7[%get3A_603] {strides = array<i32>} : memref<4096xf32, #tpu.memory_space<vmem>>, vector<16xf32>,
          %max3A_605 = arith.maximumf %max3A_588, %get3A_604 : vector<16xf32>
          %min3A_606 = arith.minimumf %max3A_588, %get3A_604 : vector<16xf32>
          %max3A_607 = arith.maximumf %max3A_590, %min3A_606 : vector<16xf32>
          %min3A_608 = arith.minimumf %max3A_590, %min3A_606 : vector<16xf32>
          %max3A_609 = arith.maximumf %max3A_592, %min3A_608 : vector<16xf32>
          %min3A_610 = arith.minimumf %max3A_592, %min3A_608 : vector<16xf32>
          %max3A_611 = arith.maximumf %max3A_594, %min3A_610 : vector<16xf32>
          %min3A_612 = arith.minimumf %max3A_594, %min3A_610 : vector<16xf32>
          %max3A_613 = arith.maximumf %max3A_596, %min3A_612 : vector<16xf32>
          %min3A_614 = arith.minimumf %max3A_596, %min3A_612 : vector<16xf32>
          %max3A_615 = arith.maximumf %max3A_598, %min3A_614 : vector<16xf32>
          %scan3A_616 = arith.constant 4 : i32
          %scan3A_617 = arith.addi %scan3A_545, %scan3A_616 : i32
          %mul3A_618 = arith.constant 16 : i32
          %mul3A_619 = arith.muli %scan3A_617, %mul3A_618 : i32
          %get3A_620 = arith.index_cast %mul3A_619 : i32 to index
          %get3A_621 = tpu.vector_load %arg7[%get3A_620] {strides = array<i32>} : memref<4096xf32, #tpu.memory_space<vmem>>, vector<16xf32>,
          %max3A_622 = arith.maximumf %max3A_605, %get3A_621 : vector<16xf32>
          %min3A_623 = arith.minimumf %max3A_605, %get3A_621 : vector<16xf32>
          %max3A_624 = arith.maximumf %max3A_607, %min3A_623 : vector<16xf32>
          %min3A_625 = arith.minimumf %max3A_607, %min3A_623 : vector<16xf32>
          %max3A_626 = arith.maximumf %max3A_609, %min3A_625 : vector<16xf32>
          %min3A_627 = arith.minimumf %max3A_609, %min3A_625 : vector<16xf32>
          %max3A_628 = arith.maximumf %max3A_611, %min3A_627 : vector<16xf32>
          %min3A_629 = arith.minimumf %max3A_611, %min3A_627 : vector<16xf32>
          %max3A_630 = arith.maximumf %max3A_613, %min3A_629 : vector<16xf32>
          %min3A_631 = arith.minimumf %max3A_613, %min3A_629 : vector<16xf32>
          %max3A_632 = arith.maximumf %max3A_615, %min3A_631 : vector<16xf32>
          %scan3A_633 = arith.constant 5 : i32
          %scan3A_634 = arith.addi %scan3A_545, %scan3A_633 : i32
          %mul3A_635 = arith.constant 16 : i32
          %mul3A_636 = arith.muli %scan3A_634, %mul3A_635 : i32
          %get3A_637 = arith.index_cast %mul3A_636 : i32 to index
          %get3A_638 = tpu.vector_load %arg7[%get3A_637] {strides = array<i32>} : memref<4096xf32, #tpu.memory_space<vmem>>, vector<16xf32>,
          %max3A_639 = arith.maximumf %max3A_622, %get3A_638 : vector<16xf32>
          %min3A_640 = arith.minimumf %max3A_622, %get3A_638 : vector<16xf32>
          %max3A_641 = arith.maximumf %max3A_624, %min3A_640 : vector<16xf32>
          %min3A_642 = arith.minimumf %max3A_624, %min3A_640 : vector<16xf32>
          %max3A_643 = arith.maximumf %max3A_626, %min3A_642 : vector<16xf32>
          %min3A_644 = arith.minimumf %max3A_626, %min3A_642 : vector<16xf32>
          %max3A_645 = arith.maximumf %max3A_628, %min3A_644 : vector<16xf32>
          %min3A_646 = arith.minimumf %max3A_628, %min3A_644 : vector<16xf32>
          %max3A_647 = arith.maximumf %max3A_630, %min3A_646 : vector<16xf32>
          %min3A_648 = arith.minimumf %max3A_630, %min3A_646 : vector<16xf32>
          %max3A_649 = arith.maximumf %max3A_632, %min3A_648 : vector<16xf32>
          %scan3A_650 = arith.constant 6 : i32
          %scan3A_651 = arith.addi %scan3A_545, %scan3A_650 : i32
          %mul3A_652 = arith.constant 16 : i32
          %mul3A_653 = arith.muli %scan3A_651, %mul3A_652 : i32
          %get3A_654 = arith.index_cast %mul3A_653 : i32 to index
          %get3A_655 = tpu.vector_load %arg7[%get3A_654] {strides = array<i32>} : memref<4096xf32, #tpu.memory_space<vmem>>, vector<16xf32>,
          %max3A_656 = arith.maximumf %max3A_639, %get3A_655 : vector<16xf32>
          %min3A_657 = arith.minimumf %max3A_639, %get3A_655 : vector<16xf32>
          %max3A_658 = arith.maximumf %max3A_641, %min3A_657 : vector<16xf32>
          %min3A_659 = arith.minimumf %max3A_641, %min3A_657 : vector<16xf32>
          %max3A_660 = arith.maximumf %max3A_643, %min3A_659 : vector<16xf32>
          %min3A_661 = arith.minimumf %max3A_643, %min3A_659 : vector<16xf32>
          %max3A_662 = arith.maximumf %max3A_645, %min3A_661 : vector<16xf32>
          %min3A_663 = arith.minimumf %max3A_645, %min3A_661 : vector<16xf32>
          %max3A_664 = arith.maximumf %max3A_647, %min3A_663 : vector<16xf32>
          %min3A_665 = arith.minimumf %max3A_647, %min3A_663 : vector<16xf32>
          %max3A_666 = arith.maximumf %max3A_649, %min3A_665 : vector<16xf32>
          %scan3A_667 = arith.constant 7 : i32
          %scan3A_668 = arith.addi %scan3A_545, %scan3A_667 : i32
          %mul3A_669 = arith.constant 16 : i32
          %mul3A_670 = arith.muli %scan3A_668, %mul3A_669 : i32
          %get3A_671 = arith.index_cast %mul3A_670 : i32 to index
          %get3A_672 = tpu.vector_load %arg7[%get3A_671] {strides = array<i32>} : memref<4096xf32, #tpu.memory_space<vmem>>, vector<16xf32>,
          %max3A_673 = arith.maximumf %max3A_656, %get3A_672 : vector<16xf32>
          %min3A_674 = arith.minimumf %max3A_656, %get3A_672 : vector<16xf32>
          %max3A_675 = arith.maximumf %max3A_658, %min3A_674 : vector<16xf32>
          %min3A_676 = arith.minimumf %max3A_658, %min3A_674 : vector<16xf32>
          %max3A_677 = arith.maximumf %max3A_660, %min3A_676 : vector<16xf32>
          %min3A_678 = arith.minimumf %max3A_660, %min3A_676 : vector<16xf32>
          %max3A_679 = arith.maximumf %max3A_662, %min3A_678 : vector<16xf32>
          %min3A_680 = arith.minimumf %max3A_662, %min3A_678 : vector<16xf32>
          %max3A_681 = arith.maximumf %max3A_664, %min3A_680 : vector<16xf32>
          %min3A_682 = arith.minimumf %max3A_664, %min3A_680 : vector<16xf32>
          %max3A_683 = arith.maximumf %max3A_666, %min3A_682 : vector<16xf32>
          scf.yield %max3A_673, %max3A_675, %max3A_677, %max3A_679, %max3A_681, %max3A_683 : vector<16xf32>, vector<16xf32>, vector<16xf32>, vector<16xf32>, vector<16xf32>, vector<16xf32>
        }
        %scan3A_457 = arith.constant 256 : i32
        %masked_sort3A_458 = arith.constant dense<true> : vector<16xi1>
        %masked_sort3A_459, %masked_sort3A_460, %masked_sort3A_461 = tpu.sort %scan3A_456#0, %scan3A_456#0 masked %masked_sort3A_458 {descending = true} : (vector<16xf32>, vector<16xf32>, vector<16xi1>) -> (vector<16xi1>, vector<16xf32>, vector<16xf32>)
        %masked_sort3A_462 = arith.constant dense<true> : vector<16xi1>
        %masked_sort3A_463, %masked_sort3A_464, %masked_sort3A_465 = tpu.sort %scan3A_456#1, %scan3A_456#1 masked %masked_sort3A_462 {descending = true} : (vector<16xf32>, vector<16xf32>, vector<16xi1>) -> (vector<16xi1>, vector<16xf32>, vector<16xf32>)
        %masked_sort3A_466 = arith.constant dense<true> : vector<16xi1>
        %masked_sort3A_467, %masked_sort3A_468, %masked_sort3A_469 = tpu.sort %scan3A_456#2, %scan3A_456#2 masked %masked_sort3A_466 {descending = true} : (vector<16xf32>, vector<16xf32>, vector<16xi1>) -> (vector<16xi1>, vector<16xf32>, vector<16xf32>)
        %masked_sort3A_470 = arith.constant dense<true> : vector<16xi1>
        %masked_sort3A_471, %masked_sort3A_472, %masked_sort3A_473 = tpu.sort %scan3A_456#3, %scan3A_456#3 masked %masked_sort3A_470 {descending = true} : (vector<16xf32>, vector<16xf32>, vector<16xi1>) -> (vector<16xi1>, vector<16xf32>, vector<16xf32>)
        %masked_sort3A_474 = arith.constant dense<true> : vector<16xi1>
        %masked_sort3A_475, %masked_sort3A_476, %masked_sort3A_477 = tpu.sort %scan3A_456#4, %scan3A_456#4 masked %masked_sort3A_474 {descending = true} : (vector<16xf32>, vector<16xf32>, vector<16xi1>) -> (vector<16xi1>, vector<16xf32>, vector<16xf32>)
        %masked_sort3A_478 = arith.constant dense<true> : vector<16xi1>
        %masked_sort3A_479, %masked_sort3A_480, %masked_sort3A_481 = tpu.sort %scan3A_456#5, %scan3A_456#5 masked %masked_sort3A_478 {descending = true} : (vector<16xf32>, vector<16xf32>, vector<16xi1>) -> (vector<16xi1>, vector<16xf32>, vector<16xf32>)
        %rev3A_482 = arith.constant 15 : i32
        %rev3A_483 = vector.broadcast %rev3A_482 : i32 to vector<16xi32>
        %rev3A_484 = tpu.iota {dimensions = array<i32: 0>} : vector<16xi32>
        %rev3A_485 = arith.subi %rev3A_483, %rev3A_484 : vector<16xi32>
        %rev3A_486 = tpu.dynamic_gather %masked_sort3A_464[%rev3A_485] in [0] : vector<16xf32>, vector<16xi32> -> vector<16xf32>
        %max3A_487 = arith.maximumf %masked_sort3A_460, %rev3A_486 : vector<16xf32>
        %masked_sort3A_488 = arith.constant dense<true> : vector<16xi1>
        %masked_sort3A_489, %masked_sort3A_490, %masked_sort3A_491 = tpu.sort %max3A_487, %max3A_487 masked %masked_sort3A_488 {descending = true} : (vector<16xf32>, vector<16xf32>, vector<16xi1>) -> (vector<16xi1>, vector<16xf32>, vector<16xf32>)
        %rev3A_492 = arith.constant 15 : i32
        %rev3A_493 = vector.broadcast %rev3A_492 : i32 to vector<16xi32>
        %rev3A_494 = tpu.iota {dimensions = array<i32: 0>} : vector<16xi32>
        %rev3A_495 = arith.subi %rev3A_493, %rev3A_494 : vector<16xi32>
        %rev3A_496 = tpu.dynamic_gather %masked_sort3A_468[%rev3A_495] in [0] : vector<16xf32>, vector<16xi32> -> vector<16xf32>
        %max3A_497 = arith.maximumf %masked_sort3A_490, %rev3A_496 : vector<16xf32>
        %masked_sort3A_498 = arith.constant dense<true> : vector<16xi1>
        %masked_sort3A_499, %masked_sort3A_500, %masked_sort3A_501 = tpu.sort %max3A_497, %max3A_497 masked %masked_sort3A_498 {descending = true} : (vector<16xf32>, vector<16xf32>, vector<16xi1>) -> (vector<16xi1>, vector<16xf32>, vector<16xf32>)
        %rev3A_502 = arith.constant 15 : i32
        %rev3A_503 = vector.broadcast %rev3A_502 : i32 to vector<16xi32>
        %rev3A_504 = tpu.iota {dimensions = array<i32: 0>} : vector<16xi32>
        %rev3A_505 = arith.subi %rev3A_503, %rev3A_504 : vector<16xi32>
        %rev3A_506 = tpu.dynamic_gather %masked_sort3A_472[%rev3A_505] in [0] : vector<16xf32>, vector<16xi32> -> vector<16xf32>
        %max3A_507 = arith.maximumf %masked_sort3A_500, %rev3A_506 : vector<16xf32>
        %masked_sort3A_508 = arith.constant dense<true> : vector<16xi1>
        %masked_sort3A_509, %masked_sort3A_510, %masked_sort3A_511 = tpu.sort %max3A_507, %max3A_507 masked %masked_sort3A_508 {descending = true} : (vector<16xf32>, vector<16xf32>, vector<16xi1>) -> (vector<16xi1>, vector<16xf32>, vector<16xf32>)
        %rev3A_512 = arith.constant 15 : i32
        %rev3A_513 = vector.broadcast %rev3A_512 : i32 to vector<16xi32>
        %rev3A_514 = tpu.iota {dimensions = array<i32: 0>} : vector<16xi32>
        %rev3A_515 = arith.subi %rev3A_513, %rev3A_514 : vector<16xi32>
        %rev3A_516 = tpu.dynamic_gather %masked_sort3A_476[%rev3A_515] in [0] : vector<16xf32>, vector<16xi32> -> vector<16xf32>
        %max3A_517 = arith.maximumf %masked_sort3A_510, %rev3A_516 : vector<16xf32>
        %masked_sort3A_518 = arith.constant dense<true> : vector<16xi1>
        %masked_sort3A_519, %masked_sort3A_520, %masked_sort3A_521 = tpu.sort %max3A_517, %max3A_517 masked %masked_sort3A_518 {descending = true} : (vector<16xf32>, vector<16xf32>, vector<16xi1>) -> (vector<16xi1>, vector<16xf32>, vector<16xf32>)
        %rev3A_522 = arith.constant 15 : i32
        %rev3A_523 = vector.broadcast %rev3A_522 : i32 to vector<16xi32>
        %rev3A_524 = tpu.iota {dimensions = array<i32: 0>} : vector<16xi32>
        %rev3A_525 = arith.subi %rev3A_523, %rev3A_524 : vector<16xi32>
        %rev3A_526 = tpu.dynamic_gather %masked_sort3A_480[%rev3A_525] in [0] : vector<16xf32>, vector<16xi32> -> vector<16xf32>
        %max3A_527 = arith.maximumf %masked_sort3A_520, %rev3A_526 : vector<16xf32>
        %masked_sort3A_528 = arith.constant dense<true> : vector<16xi1>
        %masked_sort3A_529, %masked_sort3A_530, %masked_sort3A_531 = tpu.sort %max3A_527, %max3A_527 masked %masked_sort3A_528 {descending = true} : (vector<16xf32>, vector<16xf32>, vector<16xi1>) -> (vector<16xi1>, vector<16xf32>, vector<16xf32>)
        %slice3A_532 = vector.extract_strided_slice %masked_sort3A_530 {offsets = [5], sizes = [1], strides = [1]} : vector<16xf32> to vector<1xf32>
        %squeeze3A_533 = vector.extract %slice3A_532[0] : f32 from vector<1xf32>
        %sub3A_534 = vector.broadcast %squeeze3A_533 : f32 to vector<16xf32>
        %sub3A_535 = arith.subf %masked_sort3A_530, %sub3A_534 : vector<16xf32>
        %max3A_536 = arith.constant 0.000000e+00 : f32
        %max3A_537 = vector.broadcast %max3A_536 : f32 to vector<16xf32>
        %max3A_538 = arith.maximumf %sub3A_535, %max3A_537 : vector<16xf32>
        %reduce_sum3A_539 = arith.constant true
        %reduce_sum3A_540 = vector.broadcast %reduce_sum3A_539 : i1 to vector<16xi1>
        %reduce_sum3A_541 = tpu.scan <sum>, %max3A_538 masked %reduce_sum3A_540 : vector<16xf32>, vector<16xi1> -> vector<16xf32>
        %reduce_sum3A_542 = vector.extract %reduce_sum3A_541[15] : f32 from vector<16xf32>
        %add3A_543 = arith.constant 1.000000e-07 : f32
        %add3A_544 = arith.addf %reduce_sum3A_542, %add3A_543 : f32
        scf.yield %squeeze3A_533, %add3A_544 : f32, f32
      }
      %broadcast_in_dim3A_424 = arith.constant 1.000000e+00 : f32
      %broadcast_in_dim3A_425 = vector.broadcast %broadcast_in_dim3A_424 : f32 to vector<16xf32>
      %broadcast_in_dim3A_426 = vector.broadcast %cond3A_423#1 : f32 to vector<16xf32>
      %div3A_427 = arith.divf %broadcast_in_dim3A_425, %broadcast_in_dim3A_426 : vector<16xf32>
      %gt3A_428 = arith.constant 0 : i32
      %gt3A_429 = arith.cmpi sgt, %scan3A_86, %gt3A_428 : i32
      %convert_element_type3A_430 = arith.extui %gt3A_429 : i1 to i32
      %cond3A_431 = arith.constant 0 : i32
      %cond3A_432 = arith.cmpi ne, %convert_element_type3A_430, %cond3A_431 : i32
      scf.if %cond3A_432 {
        %add3A_450 = arith.constant 3 : i32
        %add3A_451 = arith.addi %add3A_90, %add3A_450 : i32
        %sub3A_452 = arith.constant 4 : i32
        %sub3A_453 = arith.subi %add3A_451, %sub3A_452 : i32
        %dma_wait3A_454 = arith.constant 0 : i32
        %dma_wait3A_455 = tpu.memref_slice %arg3[%sub3A_453, %dma_wait3A_454] : memref<2048x4096xf32, #tpu.memory_space<hbm>> -> memref<1x4096xf32, #tpu.memory_space<hbm>>
        %dma_wait3A_456 = tpu.memref_squeeze %dma_wait3A_455 : memref<1x4096xf32, #tpu.memory_space<hbm>> -> memref<4096xf32, #tpu.memory_space<hbm>>
        %dma_wait3A_457 = arith.constant 0 : i32
        %dma_wait3A_458 = tpu.memref_slice %arg3[%sub3A_453, %dma_wait3A_457] : memref<2048x4096xf32, #tpu.memory_space<hbm>> -> memref<1x4096xf32, #tpu.memory_space<hbm>>
        %dma_wait3A_459 = tpu.memref_squeeze %dma_wait3A_458 : memref<1x4096xf32, #tpu.memory_space<hbm>> -> memref<4096xf32, #tpu.memory_space<hbm>>
        tpu.wait_dma2 semaphore(%arg19 : memref<!tpu.dma_semaphore, #tpu.memory_space<semaphore_mem>>) src(%arg11 : memref<4096xf32, #tpu.memory_space<vmem>>) dst(%dma_wait3A_459 : memref<4096xf32, #tpu.memory_space<hbm>>)
      } else {
      }
      %parallel_loop3A_433 = arith.constant 0 : i32
      %parallel_loop3A_434 = arith.constant 256 : i32
      %parallel_loop3A_435 = arith.constant 1 : i32
      scf.for %parallel_loop3A_450 = %parallel_loop3A_433 to %parallel_loop3A_434 step %parallel_loop3A_435  : i32 {
        %parallel_loop3A_451 = arith.constant 16 : i32
        %parallel_loop3A_452 = arith.muli %parallel_loop3A_450, %parallel_loop3A_451 : i32
        %parallel_loop3A_453 = arith.index_cast %parallel_loop3A_452 : i32 to index
        %parallel_loop3A_454 = tpu.vector_load %arg7[%parallel_loop3A_453] {strides = array<i32>} : memref<4096xf32, #tpu.memory_space<vmem>>, vector<16xf32>,
        %parallel_loop3A_455 = vector.broadcast %cond3A_423#0 : f32 to vector<16xf32>
        %parallel_loop3A_456 = arith.subf %parallel_loop3A_454, %parallel_loop3A_455 : vector<16xf32>
        %parallel_loop3A_457 = arith.constant 0.000000e+00 : f32
        %parallel_loop3A_458 = vector.broadcast %parallel_loop3A_457 : f32 to vector<16xf32>
        %parallel_loop3A_459 = arith.maximumf %parallel_loop3A_456, %parallel_loop3A_458 : vector<16xf32>
        %parallel_loop3A_460 = arith.mulf %parallel_loop3A_459, %div3A_427 : vector<16xf32>
        %parallel_loop3A_461 = arith.constant 16 : i32
        %parallel_loop3A_462 = arith.muli %parallel_loop3A_450, %parallel_loop3A_461 : i32
        %parallel_loop3A_463 = arith.index_cast %parallel_loop3A_462 : i32 to index
        %parallel_loop3A_464 = tpu.vector_load %arg11[%parallel_loop3A_463] {strides = array<i32>} : memref<4096xf32, #tpu.memory_space<vmem>>, vector<16xf32>,
        tpu.vector_store %arg11[%parallel_loop3A_463], %parallel_loop3A_460 {strides = array<i32>} : memref<4096xf32, #tpu.memory_space<vmem>>, vector<16xf32>,
      } {sc.loop_unroll_factor = 8 : i64, sc.parallel_access}
      %add3A_436 = arith.constant 3 : i32
      %add3A_437 = arith.addi %add3A_90, %add3A_436 : i32
      %dma_start3A_438 = arith.constant 0 : i32
      %dma_start3A_439 = tpu.memref_slice %arg3[%add3A_437, %dma_start3A_438] : memref<2048x4096xf32, #tpu.memory_space<hbm>> -> memref<1x4096xf32, #tpu.memory_space<hbm>>
      %dma_start3A_440 = tpu.memref_squeeze %dma_start3A_439 : memref<1x4096xf32, #tpu.memory_space<hbm>> -> memref<4096xf32, #tpu.memory_space<hbm>>
      %dma_start3A_441 = arith.constant 0 : i32
      %dma_start3A_442 = tpu.memref_slice %arg3[%add3A_437, %dma_start3A_441] : memref<2048x4096xf32, #tpu.memory_space<hbm>> -> memref<1x4096xf32, #tpu.memory_space<hbm>>
      %dma_start3A_443 = tpu.memref_squeeze %dma_start3A_442 : memref<1x4096xf32, #tpu.memory_space<hbm>> -> memref<4096xf32, #tpu.memory_space<hbm>>
      tpu.enqueue_dma source(%arg11 : memref<4096xf32, #tpu.memory_space<vmem>>) target(%dma_start3A_443 : memref<4096xf32, #tpu.memory_space<hbm>>) target_semaphore(%arg19 : memref<!tpu.dma_semaphore, #tpu.memory_space<semaphore_mem>>)
      %lt3A_444 = arith.constant 15 : i32
      %lt3A_445 = arith.cmpi slt, %scan3A_86, %lt3A_444 : i32
      %convert_element_type3A_446 = arith.extui %lt3A_445 : i1 to i32
      %cond3A_447 = arith.constant 0 : i32
      %cond3A_448 = arith.cmpi ne, %convert_element_type3A_446, %cond3A_447 : i32
      scf.if %cond3A_448 {
        %add3A_450 = arith.constant 3 : i32
        %add3A_451 = arith.addi %add3A_90, %add3A_450 : i32
        %add3A_452 = arith.constant 4 : i32
        %add3A_453 = arith.addi %add3A_451, %add3A_452 : i32
        %dma_start3A_454 = arith.constant 0 : i32
        %dma_start3A_455 = tpu.memref_slice %arg2[%add3A_453, %dma_start3A_454] : memref<2048x4096xf32, #tpu.memory_space<hbm>> -> memref<1x4096xf32, #tpu.memory_space<hbm>>
        %dma_start3A_456 = tpu.memref_squeeze %dma_start3A_455 : memref<1x4096xf32, #tpu.memory_space<hbm>> -> memref<4096xf32, #tpu.memory_space<hbm>>
        %dma_start3A_457 = arith.constant 0 : i32
        %dma_start3A_458 = tpu.memref_slice %arg2[%add3A_453, %dma_start3A_457] : memref<2048x4096xf32, #tpu.memory_space<hbm>> -> memref<1x4096xf32, #tpu.memory_space<hbm>>
        %dma_start3A_459 = tpu.memref_squeeze %dma_start3A_458 : memref<1x4096xf32, #tpu.memory_space<hbm>> -> memref<4096xf32, #tpu.memory_space<hbm>>
        tpu.enqueue_dma source(%dma_start3A_459 : memref<4096xf32, #tpu.memory_space<hbm>>) target(%arg7 : memref<4096xf32, #tpu.memory_space<vmem>>) target_semaphore(%arg15 : memref<!tpu.dma_semaphore, #tpu.memory_space<semaphore_mem>>)
      } else {
      }
      %scan3A_449 = arith.constant 0 : i32
      scf.yield %scan3A_449 : i32
    }
    %scan3A_39 = arith.constant 16 : i32
    %add3A_40 = arith.constant 64 : i32
    %add3A_41 = arith.addi %mul3A_2, %add3A_40 : i32
    %sub3A = arith.constant 4 : i32
    %sub3A_42 = arith.subi %add3A_41, %sub3A : i32
    %add3A_43 = arith.constant 0 : i32
    %add3A_44 = arith.addi %sub3A_42, %add3A_43 : i32
    %dma_wait3A = arith.constant 0 : i32
    %dma_wait3A_45 = tpu.memref_slice %arg3[%add3A_44, %dma_wait3A] : memref<2048x4096xf32, #tpu.memory_space<hbm>> -> memref<1x4096xf32, #tpu.memory_space<hbm>>
    %dma_wait3A_46 = tpu.memref_squeeze %dma_wait3A_45 : memref<1x4096xf32, #tpu.memory_space<hbm>> -> memref<4096xf32, #tpu.memory_space<hbm>>
    %dma_wait3A_47 = arith.constant 0 : i32
    %dma_wait3A_48 = tpu.memref_slice %arg3[%add3A_44, %dma_wait3A_47] : memref<2048x4096xf32, #tpu.memory_space<hbm>> -> memref<1x4096xf32, #tpu.memory_space<hbm>>
    %dma_wait3A_49 = tpu.memref_squeeze %dma_wait3A_48 : memref<1x4096xf32, #tpu.memory_space<hbm>> -> memref<4096xf32, #tpu.memory_space<hbm>>
    tpu.wait_dma2 semaphore(%arg16 : memref<!tpu.dma_semaphore, #tpu.memory_space<semaphore_mem>>) src(%arg8 : memref<4096xf32, #tpu.memory_space<vmem>>) dst(%dma_wait3A_49 : memref<4096xf32, #tpu.memory_space<hbm>>)
    %add3A_50 = arith.constant 64 : i32
    %add3A_51 = arith.addi %mul3A_2, %add3A_50 : i32
    %sub3A_52 = arith.constant 4 : i32
    %sub3A_53 = arith.subi %add3A_51, %sub3A_52 : i32
    %add3A_54 = arith.constant 1 : i32
    %add3A_55 = arith.addi %sub3A_53, %add3A_54 : i32
    %dma_wait3A_56 = arith.constant 0 : i32
    %dma_wait3A_57 = tpu.memref_slice %arg3[%add3A_55, %dma_wait3A_56] : memref<2048x4096xf32, #tpu.memory_space<hbm>> -> memref<1x4096xf32, #tpu.memory_space<hbm>>
    %dma_wait3A_58 = tpu.memref_squeeze %dma_wait3A_57 : memref<1x4096xf32, #tpu.memory_space<hbm>> -> memref<4096xf32, #tpu.memory_space<hbm>>
    %dma_wait3A_59 = arith.constant 0 : i32
    %dma_wait3A_60 = tpu.memref_slice %arg3[%add3A_55, %dma_wait3A_59] : memref<2048x4096xf32, #tpu.memory_space<hbm>> -> memref<1x4096xf32, #tpu.memory_space<hbm>>
    %dma_wait3A_61 = tpu.memref_squeeze %dma_wait3A_60 : memref<1x4096xf32, #tpu.memory_space<hbm>> -> memref<4096xf32, #tpu.memory_space<hbm>>
    tpu.wait_dma2 semaphore(%arg17 : memref<!tpu.dma_semaphore, #tpu.memory_space<semaphore_mem>>) src(%arg9 : memref<4096xf32, #tpu.memory_space<vmem>>) dst(%dma_wait3A_61 : memref<4096xf32, #tpu.memory_space<hbm>>)
    %add3A_62 = arith.constant 64 : i32
    %add3A_63 = arith.addi %mul3A_2, %add3A_62 : i32
    %sub3A_64 = arith.constant 4 : i32
    %sub3A_65 = arith.subi %add3A_63, %sub3A_64 : i32
    %add3A_66 = arith.constant 2 : i32
    %add3A_67 = arith.addi %sub3A_65, %add3A_66 : i32
    %dma_wait3A_68 = arith.constant 0 : i32
    %dma_wait3A_69 = tpu.memref_slice %arg3[%add3A_67, %dma_wait3A_68] : memref<2048x4096xf32, #tpu.memory_space<hbm>> -> memref<1x4096xf32, #tpu.memory_space<hbm>>
    %dma_wait3A_70 = tpu.memref_squeeze %dma_wait3A_69 : memref<1x4096xf32, #tpu.memory_space<hbm>> -> memref<4096xf32, #tpu.memory_space<hbm>>
    %dma_wait3A_71 = arith.constant 0 : i32
    %dma_wait3A_72 = tpu.memref_slice %arg3[%add3A_67, %dma_wait3A_71] : memref<2048x4096xf32, #tpu.memory_space<hbm>> -> memref<1x4096xf32, #tpu.memory_space<hbm>>
    %dma_wait3A_73 = tpu.memref_squeeze %dma_wait3A_72 : memref<1x4096xf32, #tpu.memory_space<hbm>> -> memref<4096xf32, #tpu.memory_space<hbm>>
    tpu.wait_dma2 semaphore(%arg18 : memref<!tpu.dma_semaphore, #tpu.memory_space<semaphore_mem>>) src(%arg10 : memref<4096xf32, #tpu.memory_space<vmem>>) dst(%dma_wait3A_73 : memref<4096xf32, #tpu.memory_space<hbm>>)
    %add3A_74 = arith.constant 64 : i32
    %add3A_75 = arith.addi %mul3A_2, %add3A_74 : i32
    %sub3A_76 = arith.constant 4 : i32
    %sub3A_77 = arith.subi %add3A_75, %sub3A_76 : i32
    %add3A_78 = arith.constant 3 : i32
    %add3A_79 = arith.addi %sub3A_77, %add3A_78 : i32
    %dma_wait3A_80 = arith.constant 0 : i32
    %dma_wait3A_81 = tpu.memref_slice %arg3[%add3A_79, %dma_wait3A_80] : memref<2048x4096xf32, #tpu.memory_space<hbm>> -> memref<1x4096xf32, #tpu.memory_space<hbm>>
    %dma_wait3A_82 = tpu.memref_squeeze %dma_wait3A_81 : memref<1x4096xf32, #tpu.memory_space<hbm>> -> memref<4096xf32, #tpu.memory_space<hbm>>
    %dma_wait3A_83 = arith.constant 0 : i32
    %dma_wait3A_84 = tpu.memref_slice %arg3[%add3A_79, %dma_wait3A_83] : memref<2048x4096xf32, #tpu.memory_space<hbm>> -> memref<1x4096xf32, #tpu.memory_space<hbm>>
    %dma_wait3A_85 = tpu.memref_squeeze %dma_wait3A_84 : memref<1x4096xf32, #tpu.memory_space<hbm>> -> memref<4096xf32, #tpu.memory_space<hbm>>
    tpu.wait_dma2 semaphore(%arg19 : memref<!tpu.dma_semaphore, #tpu.memory_space<semaphore_mem>>) src(%arg11 : memref<4096xf32, #tpu.memory_space<vmem>>) dst(%dma_wait3A_85 : memref<4096xf32, #tpu.memory_space<hbm>>)
    return
  }
}

</mosaic_0001>

<sc_bundles>
// kernel: kernel.3.cloned.1.call-start
scs
__scs_entry_jumppad:
0x0: {  	(pc) =	sbr.rel $0x88, $3  }
0x1: {  	(tag) =	ssettag $0x0;
	lr =	simm.s32 $0x1  }
0x2: {  	[smem:$0x3FA0] =	sst lr;
	_ =	strace $0xD0000000  }
0x3: {  	_ = 	snop  }
0x4: {  	_ = 	snop  }
0x5: {  	_ = 	snop  }
0x6: {  	_ = 	snop  }
0x7: {  	_ = 	snop  }
__scs_overlays_trampoline_lowered:
0x8: {  	[smem:$0x3FAF] =	sst s0  }
0x9: {  	[smem:$0x3FB0] =	sst s1  }
0xa: {  	[smem:$0x3FB1] =	sst s2  }
0xb: {  	[smem:$0x3FB2] =	sst s3  }
0xc: {  	[smem:$0x3FB3] =	sst s4  }
0xd: {  	[smem:$0x3FB4] =	sst s5  }
0xe: {  	[smem:$0x3FB5] =	sst s6  }
0xf: {  	[smem:$0x3FB6] =	sst s7  }
0x10: {  	[smem:$0x3FB7] =	sst s8  }
0x11: {  	[smem:$0x3FB8] =	sst s9;
	s0 =	simm.s32 @!p0 $0x0  }
0x12: {  	s1 =	sld [smem:$0x3F9E];
	s0 =	simm.s32 @p0 $0x1  }
0x13: {  	[smem:$0x3FB9] =	sst s0;
	s0 =	simm.s32 @!p1 $0x0  }
0x14: {  	s2 =	sld [smem:$0x3F9D];
	s0 =	simm.s32 @p1 $0x1  }
0x15: {  	[smem:$0x3FBA] =	sst s0;
	s0 =	simm.s32 @!p2 $0x0  }
0x16: {  	s3 =	sld [smem:$0x3FDB];
	s0 =	simm.s32 @p2 $0x1  }
0x17: {  	s4 =	simm.s32 $0x1BF5;
	[smem:$0x3FBC] =	sst s0  }
0x18: {  	s0 =	sld [smem:$0x3F9F];
	_ =	swait.ge [sflag:s4], $0x0  }
0x19: {  	s7 =	sld [smem:$0x3FA0]  }
0x1a: {  	s8 =	sadd.s32 $0xFFFFE003, lr  }
0x1b: {  	s9 =	sadd.s32 $0xFFFFFEF7, lr;
	s5 =	simm.s32 $0xFFFFFFFF;
	p2 =	slt.u32 s8, $0xFFFFF086  }
0x1c: {  	p1 =	slt.u32 s9, $0xF7A;
	s5 =	simm.s32 @!p2 $0x0  }
0x1d: {  	s5 =	simm.s32 @p1 $0x1;
	p0 =	seq.s32 s7, s2  }
0x1e: {  	s7 =	smul.u32 @!p0 $0xF7A, s2;
	p2 =	seq.s32 @!p0 s5, $0x0  }
0x1f: {  	s9 =	smul.u32 $0xF7A, s1;
	s8 =	simm.s32 @!p0 $0x1BF5;
	p2 =	por !p2, p0  }
0x20: {  	[sflag:s8] =	ssyncset.s32 @!p0 $0xFFFFF086;
	s6 =	sadd.s32 @!p0 s3, s7;
	s7 =	simm.s32 @!p0 $0x108  }
0x21: {  	s3 =	sadd.s32 s3, s9;
	s6 =	sadd.s32 @!p0 $0x88, s6;
	s7 =	simm.s32 @p2 $0x1082  }
0x22: {  	[simem:s7], [sflag:s8] =	dma.local @!p0 [hbm:s6], $0xF7A  }
0x23: {  	s9 =	sor.u32 $0xD0000000, s2;
	s6 =	simm.s32 $0x108;
	_ =	swait.ge @!p0 [sflag:s8], $0x0  }
0x24: {  	s3 =	sadd.s32 $0x88, s3;
	s6 =	simm.s32 @!p1 $0x1082;
	[sflag:s4] =	ssyncset.s32 $0xFFFFF086  }
0x25: {  	[simem:s6], [sflag:s4] =	dma.local [hbm:s3], $0xF7A  }
0x26: {  	[smem:$0x3FA0] =	sst s1;
	(tag) =	ssettag s2;
	_ =	strace s9  }
0x27: {  	s1 =	sld [smem:$0x3FB0]  }
0x28: {  	s2 =	sld [smem:$0x3FB1]  }
0x29: {  	s4 =	sld [smem:$0x3FB3]  }
0x2a: {  	p0 =	seq.s32 s5, $0x0;
	s5 =	sld [smem:$0x3FB4]  }
0x2b: {  	s6 =	sld [smem:$0x3FB5]  }
0x2c: {  	s7 =	sld [smem:$0x3FB6]  }
0x2d: {  	s3 =	simm.s32 $0x108;
	s8 =	sld [smem:$0x3FB7]  }
0x2e: {  	s3 =	simm.s32 @!p0 $0x1082;
	s9 =	sld [smem:$0x3FB8]  }
0x2f: {  	lr =	sadd.s32 s0, s3;
	s0 =	sld [smem:$0x3FAF]  }
0x30: {  	s3 =	sld [smem:$0x3FB2]  }
0x31: {  	[smem:$0x3FBB] =	sst s10  }
0x32: {  	s10 =	sld [smem:$0x3FB9];
	_ =	sdelay $0x3  }
0x33: {  	p0 =	seq.s32 s10, $0x1;
	s10 =	sld [smem:$0x3FBB];
	_ =	sdelay $0x3  }
0x34: {  	[smem:$0x3FBB] =	sst s10  }
0x35: {  	s10 =	sld [smem:$0x3FBA];
	_ =	sdelay $0x3  }
0x36: {  	p1 =	seq.s32 s10, $0x1;
	s10 =	sld [smem:$0x3FBB];
	_ =	sdelay $0x3  }
0x37: {  	[smem:$0x3FBB] =	sst s10  }
0x38: {  	s10 =	sld [smem:$0x3FBC]  }
0x39: {  	_ = 	snop;
	(pc) =	sbr.ind lr, $3  }
0x3a: {  	_ = 	snop  }
0x3b: {  	_ = 	snop  }
0x3c: {  	p2 =	seq.s32 s10, $0x1;
	s10 =	sld [smem:$0x3FBB]  }
0x3d: {  	_ =	shalt  }
0x3e: {  	_ =	shalt  }
0x3f: {  	_ =	shalt  }
0x40: {  	_ =	shalt  }
0x41: {  	_ =	shalt  }
0x42: {  	_ =	shalt  }
0x43: {  	_ =	shalt  }
0x44: {  	_ =	shalt  }
0x45: {  	_ =	shalt  }
0x46: {  	_ =	shalt  }
0x47: {  	_ =	shalt  }
0x48: {  	_ =	shalt  }
0x49: {  	_ =	shalt  }
0x4a: {  	_ =	shalt  }
0x4b: {  	_ =	shalt  }
0x4c: {  	_ =	shalt  }
0x4d: {  	_ =	shalt  }
0x4e: {  	_ =	shalt  }
0x4f: {  	_ =	shalt  }
0x50: {  	_ =	shalt  }
0x51: {  	_ =	shalt  }
0x52: {  	_ =	shalt  }
0x53: {  	_ =	shalt  }
0x54: {  	_ =	shalt  }
0x55: {  	_ =	shalt  }
0x56: {  	_ =	shalt  }
0x57: {  	_ =	shalt  }
0x58: {  	_ =	shalt  }
0x59: {  	_ =	shalt  }
0x5a: {  	_ =	shalt  }
0x5b: {  	_ =	shalt  }
0x5c: {  	_ =	shalt  }
0x5d: {  	_ =	shalt  }
0x5e: {  	_ =	shalt  }
0x5f: {  	_ =	shalt  }
0x60: {  	_ =	shalt  }
0x61: {  	_ =	shalt  }
0x62: {  	_ =	shalt  }
0x63: {  	_ =	shalt  }
0x64: {  	_ =	shalt  }
0x65: {  	_ =	shalt  }
0x66: {  	_ =	shalt  }
0x67: {  	_ =	shalt  }
0x68: {  	_ =	shalt  }
0x69: {  	_ =	shalt  }
0x6a: {  	_ =	shalt  }
0x6b: {  	_ =	shalt  }
0x6c: {  	_ =	shalt  }
0x6d: {  	_ =	shalt  }
0x6e: {  	_ =	shalt  }
0x6f: {  	_ =	shalt  }
0x70: {  	_ =	shalt  }
0x71: {  	_ =	shalt  }
0x72: {  	_ =	shalt  }
0x73: {  	_ =	shalt  }
0x74: {  	_ =	shalt  }
0x75: {  	_ =	shalt  }
0x76: {  	_ =	shalt  }
0x77: {  	_ =	shalt  }
0x78: {  	_ =	shalt  }
0x79: {  	_ =	shalt  }
0x7a: {  	_ =	shalt  }
0x7b: {  	_ =	shalt  }
0x7c: {  	_ =	shalt  }
0x7d: {  	_ =	shalt  }
0x7e: {  	_ =	shalt  }
0x7f: {  	_ =	shalt  }
0x80: {  	_ =	shalt  }
0x81: {  	_ =	shalt  }
0x82: {  	_ =	shalt  }
0x83: {  	_ =	shalt  }
0x84: {  	_ =	shalt  }
0x85: {  	_ =	shalt  }
0x86: {  	_ =	shalt  }
0x87: {  	_ =	shalt  }
.Lfunc_end0:
.L_simem_size_0:
called_computation_lowered:
.L_overlay_start_0:
0x88: {  	s2 =	sld [smem:$0x3FD9]  }
0x89: {  	s3 =	sld [smem:$0x3FFE];
	_ =	sdelay $0x1  }
0x8a: {  	s1 =	srdreg.scid  }
0x8b: {  	s0 =	sand.u32 $0x1, s1  }
0x8c: {  	s18 =	sshll.u32 s0, $0xA;
	s2 =	sadd.s32 s3, s2  }
0x8d: {  	s2 =	sadd.s32 s2, s18  }
0x8e: {  	[smem:$0x3FC7] =	sst s2  }
0x8f: {  	_ = 	snop  }
0x90: {  	s2 =	sld [smem:$0x3FC9]  }
0x91: {  	s19 =	sld [smem:$0x3FD0];
	(tm) =	ssettm $0x1  }
0x92: {  	s4 =	sld [smem:$0x3FFB];
	_ =	sdelay $0x3  }
0x93: {  	_ =	strace s4  }
0x94: {  	s4 =	sld [smem:$0x3FFC];
	_ =	sdelay $0x3  }
0x95: {  	_ =	strace s4  }
0x96: {  	s4 =	sld [smem:$0x3FFD];
	_ =	sdelay $0x3  }
0x97: {  	_ =	strace s4  }
0x98: {  	_ =	strace $0x8FFFFFFF  }
0x99: {  	s20 =	sld [smem:$0x3FDB];
	_ =	sdelay $0x1  }
0x9a: {  	s5 =	simm.s32 $_scs_section_size  }
0x9b: {  	s6 =	simm.s32 $_size__tile_overlayer_lowered;
	s7 =	simm.s32 $_tile_overlayer_lowered  }
0x9c: {  	s23 =	simm.s32 $0x1BFF;
	s22 =	sshll.u32 s7, $0x1;
	s4 =	sadd.s32 s5, s20  }
0x9d: {  	s8 =	simm.s32 $0x0;
	s21 =	sshll.u32 s6, $0x1;
	s6 =	sadd.s32 s22, s4  }
0x9e: {  	[timem:s8], [sflag:s23] =	dma.local [hbm:s6], s21  }
0x9f: {  	_ =	swait.ge [sflag:s23], s21  }
0xa0: {  	s5 =	ssub.s32 $0x0, s21;
	[sflag:s23] =	ssyncset.done $0x0  }
0xa1: {  	[sflag:s23] =	ssyncadd.s32 s5;
	_ =	sdelay $0x1  }
0xa2: {  	s24 =	simm.s32 $0x1B8B  }
0xa3: {  	_ =	swait.ge [sflag:s24], $0x1  }
0xa4: {  	[sflag:s24] =	ssyncset.done $0x0  }
0xa5: {  	s25 =	simm.s32 $0x1B8E;
	[sflag:s24] =	ssyncadd.s32 $0xFFFFFFFF  }
0xa6: {  	s26 =	simm.s32 $execute0_lowered;
	[smem:$0x3FD2] =	sst s25  }
0xa7: {  	s5 =	sshll.u32 s26, $0x1;
	_ =	strace $0x80000046;
	[dreg:$0x1] =	wrdreg $0xFFFFFFFF  }
0xa8: {  	s28 =	simm.s32 $_size_execute0_lowered;
	s4 =	sadd.s32 s4, s5;
	[dreg:$0x0] =	wrdreg $0x0  }
0xa9: {  	s5 =	sshll.u32 s28, $0x1;
	[dreg:$0x2] =	wrdreg s4  }
0xaa: {  	[dreg:$0x3] =	wrdreg s5  }
0xab: {  	[dreg:$0x4] =	wrdreg $0xC0  }
0xac: {  	_ =	task [dreg:s8], $0x5FFFF  }
0xad: {  	[dreg:$0x1] =	wrdreg $0xFFFFFFFF  }
0xae: {  	[dreg:$0x0] =	wrdreg $0x60  }
0xaf: {  	[dreg:$0x2] =	wrdreg s2  }
0xb0: {  	[dreg:$0x3] =	wrdreg s19  }
0xb1: {  	[dreg:$0x4] =	wrdreg $0x9  }
0xb2: {  	_ =	task.clear_ibuf [dreg:s8], $0x5FFFF;
	_ =	strace $0x90000046  }
0xb3: {  	s29 =	simm.s32 $0x9;
	_ =	strace $0x80000048  }
0xb4: {  	_ =	swait.ge [sflag:s29], $0x1  }
0xb5: {  	[sflag:s29] =	ssyncadd.s32 $0xFFFFFFFF  }
0xb6: {  	_ =	strace $0x90000048  }
0xb7: {  	_ =	sfence  }
0xb8: {  	s30 =	sld [smem:$0x0];
	_ =	sdelay $0x2  }
0xb9: {  	s31 =	sshll.u32 s1, $0xD;
	s1 =	sshrl.u32 s1, $0x2  }
0xba: {  	s3 =	sand.u32 $0x4000, s31;
	s1 =	sadd.s32 s1, s30  }
0xbb: {  	s0 =	sor.u32 s3, s0;
	s1 =	sshll.u32 s1, $0x11  }
0xbc: {  	s0 =	sor.u32 s1, s0  }
0xbd: {  	s0 =	sadd.s32 $0x8F2B, s0  }
0xbe: {  	[sflag:s0] =	ssyncadd.remote.s32 $0x1  }
0xbf: {  	_ =	sfence.sel $0xFFFF  }
0xc0: {  	[dreg:$0x0] =	wrdreg $0xFFFFFFFF;
	(pc) =	sbr.abs _section_cstart, $3  }
0xc1: {  	[dreg:$0x1] =	wrdreg $0xFFFFFFFF  }
0xc2: {  	_ =	task.clear_ibuf [dreg:s8], $0x2FFFF;
	_ =	strace $0x9FFFFFFF  }
0xc3: {  	(tm) =	ssettm $0x7FFFFFFF  }
tec
execute0_lowered:
.L_overlay_start_1:
0x0: {  	(tag) =	ssettag $0x1  }
0x1: {  	s0 =	srdreg.scid;
	s2 =	rddreg [dreg:$0x0]  }
0x2: {  	s1 =	stileid.u32;
	s3 =	rddreg [dreg:$0x1];
	s5 =	simm.s32 $0x0  }
0x3: {  	s11 =	simm.s32 $0x80;
	s12 =	simm.s32 $0x400;
	s15 =	simm.s32 $0x3000  }
0x4: {  	s16 =	simm.s32 $0x1;
	s17 =	simm.s32 $0x4000;
	s18 =	simm.s32 $0x2  }
0x5: {  	s19 =	simm.s32 $0x5000;
	s20 =	simm.s32 $0x3;
	s21 =	simm.s32 $0x6000  }
0x6: {  	s22 =	simm.s32 $0x4;
	s23 =	simm.s32 $0x7000;
	s24 =	simm.s32 $0x5  }
0x7: {  	s25 =	simm.s32 $0x6;
	s26 =	simm.s32 $0x7;
	s0 =	sand.u32 $0x1, s0  }
0x8: {  	s28 =	simm.s32 $0x8;
	s1 =	sshll.u32 s1, $0x7;
	s4 =	sshll.u32 s0, $0x6  }
.Ltmp0:
0x9: {  	s0 =	ssub.s32 $0x2, s0;
	s4 =	sor.u32 s4, s1;
	(pc) =	sbr.rel .LBB2_1-.Ltmp0, $4  }
0xa: {  	v0 =	vlaneseq.u32;
	s29 =	simm.s32 $0x0;
	s31 =	sshrl.u32 s0, $0x1;
	s1 =	sshll.u32 s4, $0x9  }
0xb: {  	[smem:$0x7FF] =	sst s5;
	v0 =	vmul.u32 $0xFFFFFFFF, v0;
	s0 =	ssub.s32 s0, s31;
	s6 =	sadd.s32 s2, s1  }
0xc: {  	_ =	strace $0x80000047;
	s10 =	smax.u32 s0, $0x1;
	s1 =	sadd.s32 $0x10, s6  }
0xd: {  	v0 =	vadd.s32 $0xF, v0;
	s8 =	sadd.s32 $0x20, s6;
	s9 =	sadd.s32 $0x30, s6;
	[dreg:$0x3] =	wrdreg s1  }
.LBB2_36:
0xe: {  	_ =	swait.ge [sflag:s24], $0x1000  }
0xf: {  	[sflag:s24] =	ssyncset.done $0x0  }
0x10: {  	[sflag:s24] =	ssyncadd.s32 $0xFFFFF000  }
0x11: {  	_ =	swait.ge [sflag:s25], $0x1000  }
0x12: {  	[sflag:s25] =	ssyncset.done $0x0  }
0x13: {  	s29 =	sadd.s32 $0x1, s29;
	[sflag:s25] =	ssyncadd.s32 $0xFFFFF000  }
0x14: {  	p0 =	sne.s32 s29, s10;
	_ =	swait.ge [sflag:s26], $0x1000  }
.Ltmp1:
0x15: {  	[sflag:s26] =	ssyncset.done $0x0;
	(pc) =	sbr.rel @!p0 .LBB2_37-.Ltmp1, $4  }
0x16: {  	[sflag:s26] =	ssyncadd.s32 $0xFFFFF000  }
0x17: {  	_ =	swait.ge [sflag:s28], $0x1000  }
0x18: {  	[sflag:s28] =	ssyncset.done $0x0  }
0x19: {  	[sflag:s28] =	ssyncadd.s32 $0xFFFFF000  }
.LBB2_1:
0x1a: {  	s0 =	simm.s32 $0x0  }
0x1b: {  	[tilespmem:s0], [sflag:$0x1] =	stream.strided.gather [hbm4b:s6+s11], $0x1000, s12, s11, $0x38;
	[tilespmem:$0x8000] =	vst v63  }
0x1c: {  	s14 =	rddreg [dreg:$0x3];
	s1 =	simm.s32 $0x1000  }
0x1d: {  	[tilespmem:s1], [sflag:$0x2] =	stream.strided.gather [hbm4b:s14+s11], $0x1000, s12, s11, $0x38;
	[tilespmem:$0x8000] =	vst v63  }
0x1e: {  	s31 =	simm.s32 $0x2000  }
0x1f: {  	[tilespmem:s31], [sflag:$0x3] =	stream.strided.gather [hbm4b:s8+s11], $0x1000, s12, s11, $0x38;
	[tilespmem:$0x8000] =	vst v63  }
0x20: {  	s30 =	simm.s32 $0x0  }
0x21: {  	[tilespmem:s15], [sflag:$0x4] =	stream.strided.gather [hbm4b:s9+s11], $0x1000, s12, s11, $0x38;
	[tilespmem:$0x8000] =	vst v63  }
.LBB2_2:
0x22: {  	_ =	swait.ge [sflag:s16], $0x1000  }
0x23: {  	[sflag:s16] =	ssyncset.done $0x0  }
0x24: {  	s1 =	simm.s32 $0x80;
	[sflag:s16] =	ssyncadd.s32 $0xFFFFF000  }
0x25: {  	v1 =	vld [tilespmem:s1+$0xFFFFFF80]  }
0x26: {  	v2 =	vld [tilespmem:s1+$0xFFFFFF90]  }
0x27: {  	v3 =	vld [tilespmem:s1+$0xFFFFFFA0];
	_ =	sdelay $0x1  }
0x28: {  	v4 =	vimm.f32 $-Inf  }
0x29: {  	v6 =	vld [tilespmem:s1+$0xFFFFFFB0];
	v5 =	vmax.f32 v4, v1;
	v1 =	vmin.f32 v4, v1  }
0x2a: {  	v7 =	vmax.f32 v4, v1;
	v1 =	vmin.f32 v4, v1;
	v8 =	vmax.f32 v5, v2  }
0x2b: {  	v9 =	vld [tilespmem:s1+$0xFFFFFFC0];
	v2 =	vmin.f32 v5, v2;
	v1 =	vmax.f32 v4, v1;
	v4 =	vmax.f32 v8, v3  }
0x2c: {  	v5 =	vld [tilespmem:s1+$0xFFFFFFD0];
	v10 =	vmax.f32 v7, v2;
	v2 =	vmin.f32 v7, v2;
	v3 =	vmin.f32 v8, v3  }
0x2d: {  	v1 =	vmax.f32 v1, v2;
	v2 =	vmax.f32 v10, v3;
	v3 =	vmin.f32 v10, v3  }
0x2e: {  	v7 =	vld [tilespmem:s1+$0xFFFFFFE0];
	v1 =	vmax.f32 v1, v3;
	v3 =	vmax.f32 v4, v6;
	v4 =	vmin.f32 v4, v6  }
0x2f: {  	v8 =	vmax.f32 v2, v4  }
0x30: {  	v6 =	vld [tilespmem:s1+$0xFFFFFFF0];
	v10 =	vmax.f32 v3, v9;
	v3 =	vmin.f32 v3, v9;
	v2 =	vmin.f32 v2, v4  }
0x31: {  	v9 =	vld [tilespmem:s1+$0x0];
	v11 =	vmax.f32 v8, v3;
	v3 =	vmin.f32 v8, v3;
	v8 =	vmin.f32 v10, v5  }
0x32: {  	v4 =	vmax.f32 v10, v5;
	v10 =	vld [tilespmem:s1+$0x10];
	v1 =	vmax.f32 v1, v2;
	v5 =	vmax.f32 v11, v8  }
0x33: {  	v2 =	vmin.f32 v11, v8;
	v1 =	vmax.f32 v1, v3;
	v3 =	vmin.f32 v4, v7  }
0x34: {  	v8 =	vmax.f32 v4, v7;
	v11 =	vld [tilespmem:s1+$0x20];
	v1 =	vmax.f32 v1, v2;
	v2 =	vmax.f32 v5, v3  }
0x35: {  	v3 =	vmin.f32 v5, v3;
	v4 =	vmax.f32 v8, v6;
	v5 =	vmin.f32 v8, v6  }
0x36: {  	v12 =	vld [tilespmem:s1+$0x30];
	v3 =	vmax.f32 v1, v3;
	v7 =	vmin.f32 v4, v9;
	v4 =	vmax.f32 v4, v9  }
0x37: {  	v6 =	vmax.f32 v2, v5;
	v5 =	vmin.f32 v2, v5;
	v2 =	vmax.f32 v4, v10  }
0x38: {  	v13 =	vld [tilespmem:s1+$0x40];
	v8 =	vmax.f32 v6, v7;
	v6 =	vmin.f32 v6, v7;
	v4 =	vmin.f32 v4, v10  }
0x39: {  	v1 =	vld [tilespmem:s1+$0x50];
	v3 =	vmax.f32 v3, v5;
	v9 =	vmax.f32 v2, v11;
	v7 =	vmin.f32 v2, v11  }
0x3a: {  	v10 =	vmax.f32 v8, v4;
	v2 =	vld [tilespmem:s1+$0x60];
	v4 =	vmin.f32 v8, v4;
	v6 =	vmax.f32 v3, v6  }
0x3b: {  	v11 =	vmax.f32 v9, v12;
	v9 =	vmin.f32 v9, v12;
	v5 =	vmax.f32 v10, v7  }
0x3c: {  	v8 =	vmin.f32 v10, v7;
	v3 =	vmax.f32 v5, v9;
	v10 =	vmin.f32 v5, v9;
	v5 =	vld [tilespmem:s1+$0x70]  }
0x3d: {  	v4 =	vmax.f32 v6, v4;
	v7 =	vmax.f32 v11, v13  }
0x3e: {  	v4 =	vmax.f32 v4, v8;
	v6 =	vmin.f32 v11, v13;
	v9 =	vmax.f32 v7, v1  }
0x3f: {  	s0 =	simm.s32 $0x0;
	s1 =	simm.s32 $0x180;
	v8 =	vmax.f32 v4, v10;
	v10 =	vmin.f32 v3, v6;
	v4 =	vmin.f32 v9, v2  }
.LBB2_3:
0x40: {  	v11 =	vld [tilespmem:s1+$0xFFFFFF80];
	s0 =	sadd.s32 $0x10, s0;
	v8 =	vmax.f32 v8, v10;
	v1 =	vmin.f32 v7, v1;
	v2 =	vmax.f32 v9, v2  }
0x41: {  	v3 =	vmax.f32 v3, v6;
	v7 =	vld [tilespmem:s1+$0xFFFFFF90];
	p0 =	slt.u32 s0, $0xF0;
	v6 =	vmax.f32 v2, v5;
	v2 =	vmin.f32 v2, v5  }
0x42: {  	v9 =	vmax.f32 v3, v1;
	v1 =	vmin.f32 v3, v1;
	v5 =	vld [tilespmem:s1+$0xFFFFFFA0]  }
0x43: {  	v1 =	vmax.f32 v8, v1;
	v3 =	vmax.f32 v9, v4;
	v4 =	vmin.f32 v9, v4  }
0x44: {  	v1 =	vmax.f32 v1, v4;
	v4 =	vmax.f32 v3, v2;
	v2 =	vmin.f32 v3, v2  }
0x45: {  	v1 =	vmax.f32 v1, v2;
	v3 =	vmax.f32 v6, v11;
	v6 =	vmin.f32 v6, v11;
	v8 =	vld [tilespmem:s1+$0xFFFFFFB0]  }
0x46: {  	v2 =	vmax.f32 v4, v6;
	v4 =	vmin.f32 v4, v6;
	v6 =	vmax.f32 v3, v7;
	v9 =	vld [tilespmem:s1+$0xFFFFFFC0]  }
0x47: {  	v3 =	vmin.f32 v3, v7;
	v1 =	vmax.f32 v1, v4;
	v4 =	vmax.f32 v6, v5;
	v7 =	vld [tilespmem:s1+$0xFFFFFFD0]  }
0x48: {  	v10 =	vmax.f32 v2, v3;
	v2 =	vmin.f32 v2, v3;
	v3 =	vmin.f32 v6, v5  }
0x49: {  	v1 =	vmax.f32 v1, v2;
	v2 =	vmax.f32 v10, v3;
	v3 =	vmin.f32 v10, v3;
	v5 =	vld [tilespmem:s1+$0xFFFFFFE0]  }
0x4a: {  	v1 =	vmax.f32 v1, v3;
	v3 =	vmax.f32 v4, v8;
	v4 =	vmin.f32 v4, v8;
	v6 =	vld [tilespmem:s1+$0xFFFFFFF0]  }
0x4b: {  	v8 =	vmax.f32 v2, v4;
	v10 =	vmax.f32 v3, v9;
	v3 =	vmin.f32 v3, v9;
	v9 =	vld [tilespmem:s1+$0x0]  }
0x4c: {  	v11 =	vmax.f32 v8, v3;
	v3 =	vmin.f32 v8, v3;
	v8 =	vmin.f32 v10, v7  }
0x4d: {  	v2 =	vmin.f32 v2, v4;
	v4 =	vmax.f32 v10, v7;
	v7 =	vmax.f32 v11, v8;
	v10 =	vld [tilespmem:s1+$0x10]  }
0x4e: {  	v1 =	vmax.f32 v1, v2;
	v2 =	vmin.f32 v11, v8;
	v8 =	vmax.f32 v4, v5;
	v11 =	vld [tilespmem:s1+$0x20]  }
0x4f: {  	v1 =	vmax.f32 v1, v3;
	v3 =	vmin.f32 v4, v5;
	v4 =	vmax.f32 v8, v6  }
0x50: {  	v1 =	vmax.f32 v1, v2;
	v2 =	vmax.f32 v7, v3;
	v5 =	vmin.f32 v4, v9;
	v12 =	vld [tilespmem:s1+$0x30]  }
0x51: {  	v3 =	vmin.f32 v7, v3;
	v6 =	vmin.f32 v8, v6;
	v4 =	vmax.f32 v4, v9  }
0x52: {  	v7 =	vmax.f32 v2, v6;
	v6 =	vmin.f32 v2, v6;
	v2 =	vmax.f32 v4, v10  }
0x53: {  	v3 =	vmax.f32 v1, v3;
	v8 =	vmax.f32 v7, v5;
	v9 =	vmax.f32 v2, v11;
	v13 =	vld [tilespmem:s1+$0x40]  }
0x54: {  	v5 =	vmin.f32 v7, v5;
	v4 =	vmin.f32 v4, v10;
	v7 =	vmin.f32 v2, v11;
	v1 =	vld [tilespmem:s1+$0x50]  }
0x55: {  	v10 =	vmax.f32 v8, v4;
	v11 =	vmax.f32 v9, v12;
	v9 =	vmin.f32 v9, v12;
	v2 =	vld [tilespmem:s1+$0x60]  }
.Ltmp2:
0x56: {  	v3 =	vmax.f32 v3, v6;
	v4 =	vmin.f32 v8, v4;
	v6 =	vmax.f32 v10, v7;
	(pc) =	sbr.rel @p0 .LBB2_3-.Ltmp2, $4  }
0x57: {  	v8 =	vmax.f32 v3, v5;
	v10 =	vmin.f32 v10, v7;
	v3 =	vmax.f32 v6, v9;
	v5 =	vld [tilespmem:s1+$0x70]  }
0x58: {  	v4 =	vmax.f32 v8, v4;
	v8 =	vmin.f32 v6, v9;
	v7 =	vmax.f32 v11, v13  }
0x59: {  	v4 =	vmax.f32 v4, v10;
	v6 =	vmin.f32 v11, v13;
	v9 =	vmax.f32 v7, v1  }
0x5a: {  	v8 =	vmax.f32 v4, v8;
	s1 =	sadd.s32 $0x100, s1;
	v10 =	vmin.f32 v3, v6;
	v4 =	vmin.f32 v9, v2  }
0x5b: {  	v1 =	vmin.f32 v7, v1;
	v3 =	vmax.f32 v3, v6  }
0x5c: {  	v2 =	vmax.f32 v9, v2;
	v6 =	vmax.f32 v3, v1  }
0x5d: {  	v59 =	vmax.f32 v2, v5;
	v2 =	vmin.f32 v2, v5;
	v60 =	vmax.f32 v6, v4  }
0x5e: {  	(xrf1) =	vsort.dscd.msk.f32 $0xffff, v59, v59;
	v61 =	vmax.f32 v60, v2  }
0x5f: {  	(xrf1) =	vsort.dscd.msk.f32 $0xffff, v61, v61;
	_ =	sdelay $0xa  }
0x60: {  	v1 =	vmin.f32 v3, v1;
	v3 =	vmin.f32 v6, v4  }
0x61: {  	v62 =	vmax.f32 v8, v10  }
0x62: {  	v1 =	vmax.f32 v62, v1;
	v63, _, _ =	vpop (xrf1)  }
0x63: {  	v1 =	vmax.f32 v1, v3;
	v2 =	vmin.f32 v60, v2;
	v3, _, _ =	vpop (xrf1)  }
0x64: {  	v1 =	vmax.f32 v1, v2;
	v2 =	vperm.xlane v3, v0  }
0x65: {  	(xrf1) =	vsort.dscd.msk.f32 $0xffff, v1, v1  }
0x66: {  	v1 =	vmax.f32 v63, v2  }
0x67: {  	(xrf1) =	vsort.dscd.msk.f32 $0xffff, v1, v1;
	_ =	sdelay $0xb  }
0x68: {  	v1, _, _ =	vpop (xrf1)  }
0x69: {  	v2 =	vperm.xlane v1, v0  }
0x6a: {  	v3, _, _ =	vpop (xrf1)  }
0x6b: {  	v2 =	vmax.f32 v3, v2  }
0x6c: {  	(xrf1) =	vsort.dscd.msk.f32 $0xffff, v2, v2;
	_ =	sdelay $0xd  }
0x6d: {  	v2, _, _ =	vpop (xrf1)  }
0x6e: {  	v3 =	vbroadcast v2, $0x5;
	_ =	sdelay $0x1  }
0x6f: {  	v3 =	vsub.f32 v2, v3;
	_ =	sdelay $0x1  }
0x70: {  	v3 =	vmax.f32 v3, $0.0e+00  }
0x71: {  	(xrf2) =	vadd.scan.msk.f32 $0xffff, v3;
	_ =	sdelay $0x9  }
0x72: {  	(v2sf) =	vpush v2, $0x5;
	v2, _, _ =	vpop (xrf2)  }
0x73: {  	(v2sf) =	vpush v2, $0xF  }
0x74: {  	(v2sf) =	vpush v1, $0x0;
	_ =	sdelay $0xc  }
0x75: {  	s0 =	spop (v2sf)  }
0x76: {  	s1 =	spop (v2sf)  }
0x77: {  	s5 =	spop (v2sf)  }
0x78: {  	p0 =	sle.f32 s5, s0  }
.Ltmp3:
0x79: {  	_ = 	snop;
	(pc) =	sbr.rel @p0 .LBB2_8-.Ltmp3, $1  }
0x7a: {  	_ =	sdelay $0x3  }
0x7b: {  	s0 =	simm.s32 $0x40  }
0x7c: {  	v1 =	vld [tilespmem:s0+$0xFFFFFFC0]  }
0x7d: {  	v2 =	vld [tilespmem:s0+$0xFFFFFFD0];
	_ =	sdelay $0x1  }
0x7e: {  	v3 =	vld [tilespmem:s0+$0xFFFFFFE0]  }
0x7f: {  	v4 =	vimm.f32 $-Inf  }
0x80: {  	v5 =	vmax.f32 v4, v1;
	v1 =	vmin.f32 v4, v1  }
0x81: {  	v7 =	vmax.f32 v4, v1;
	v1 =	vmin.f32 v4, v1;
	v8 =	vmax.f32 v5, v2  }
0x82: {  	v6 =	vld [tilespmem:s0+$0xFFFFFFF0];
	v2 =	vmin.f32 v5, v2;
	v9 =	vmax.f32 v4, v1;
	v1 =	vmin.f32 v4, v1  }
0x83: {  	v5 =	vmax.f32 v7, v2;
	v2 =	vmin.f32 v7, v2;
	v7 =	vmax.f32 v8, v3  }
0x84: {  	v10 =	vld [tilespmem:s0+$0x0];
	v3 =	vmin.f32 v8, v3;
	v11 =	vmax.f32 v4, v1;
	v1 =	vmin.f32 v4, v1  }
0x85: {  	v8 =	vmax.f32 v9, v2;
	v12 =	vmax.f32 v5, v3;
	v3 =	vmin.f32 v5, v3  }
0x86: {  	v2 =	vmin.f32 v9, v2;
	v5 =	vmax.f32 v8, v3;
	v3 =	vmin.f32 v8, v3  }
0x87: {  	v8 =	vmin.f32 v7, v6;
	v6 =	vmax.f32 v7, v6;
	v14 =	vmin.f32 v4, v1  }
0x88: {  	v13 =	vld [tilespmem:s0+$0x10];
	v17 =	vmax.f32 v11, v2;
	v2 =	vmin.f32 v11, v2;
	v1 =	vmax.f32 v4, v1  }
0x89: {  	v7 =	vmax.f32 v12, v8;
	v8 =	vmin.f32 v12, v8;
	v12 =	vmin.f32 v6, v10  }
0x8a: {  	v6 =	vmax.f32 v6, v10;
	v10 =	vmax.f32 v17, v3;
	v3 =	vmin.f32 v17, v3  }
0x8b: {  	v9 =	vld [tilespmem:s0+$0x20];
	v4 =	vmax.f32 v4, v14;
	v14 =	vmin.f32 v1, v2;
	v1 =	vmax.f32 v1, v2  }
0x8c: {  	v16 =	vld [tilespmem:s0+$0x30];
	v15 =	vmax.f32 v5, v8;
	v5 =	vmin.f32 v5, v8;
	v8 =	vmax.f32 v7, v12  }
0x8d: {  	v11 =	vmax.f32 v6, v13;
	v6 =	vmin.f32 v6, v13;
	v7 =	vmin.f32 v7, v12  }
0x8e: {  	v2 =	vmax.f32 v4, v14;
	v14 =	vmin.f32 v1, v3;
	v3 =	vmax.f32 v1, v3  }
0x8f: {  	v12 =	vmax.f32 v10, v5;
	v5 =	vmin.f32 v10, v5;
	v18 =	vmax.f32 v8, v6  }
0x90: {  	v13 =	vmax.f32 v11, v9;
	v4 =	vmin.f32 v11, v9;
	v9 =	vmax.f32 v15, v7  }
0x91: {  	v7 =	vmin.f32 v15, v7;
	v11 =	vmin.f32 v8, v6;
	v10 =	vmin.f32 v13, v16  }
0x92: {  	v15 =	vmin.f32 v12, v7;
	v63 =	vmax.f32 v9, v11;
	v1 =	vmax.f32 v13, v16  }
0x93: {  	v13 =	vmax.f32 v2, v14;
	v8 =	vmax.f32 v12, v7;
	v6 =	vmax.f32 v18, v4  }
0x94: {  	v12 =	vmin.f32 v3, v5;
	v9 =	vmin.f32 v9, v11;
	v5 =	vmax.f32 v3, v5  }
0x95: {  	v2 =	vmax.f32 v6, v10;
	v3 =	vmax.f32 v8, v9;
	v7 =	vmin.f32 v6, v10  }
0x96: {  	v6 =	vmax.f32 v5, v15;
	v8 =	vmin.f32 v8, v9;
	v9 =	vmin.f32 v18, v4  }
0x97: {  	v10 =	vmin.f32 v5, v15;
	v12 =	vmax.f32 v13, v12;
	v11 =	vmax.f32 v63, v9  }
0x98: {  	s1 =	simm.s32 $0xC0;
	s0 =	simm.s32 $0x0;
	v4 =	vmax.f32 v6, v8;
	v9 =	vmin.f32 v63, v9;
	v5 =	vmin.f32 v11, v7  }
.LBB2_6:
0x99: {  	v13 =	vld [tilespmem:s1+$0xFFFFFFC0];
	s0 =	sadd.s32 $0x8, s0;
	v10 =	vmax.f32 v12, v10;
	v7 =	vmax.f32 v11, v7  }
0x9a: {  	v6 =	vmin.f32 v6, v8;
	v8 =	vmax.f32 v3, v9;
	v3 =	vmin.f32 v3, v9;
	v11 =	vld [tilespmem:s1+$0xFFFFFFD0];
	p0 =	slt.u32 s0, $0xF8  }
0x9b: {  	v6 =	vmax.f32 v10, v6;
	v9 =	vmax.f32 v4, v3;
	v3 =	vmin.f32 v4, v3  }
0x9c: {  	v3 =	vmax.f32 v6, v3;
	v6 =	vmax.f32 v8, v5;
	v5 =	vmin.f32 v8, v5;
	v4 =	vld [tilespmem:s1+$0xFFFFFFE0]  }
0x9d: {  	v8 =	vmax.f32 v9, v5;
	v5 =	vmin.f32 v9, v5  }
0x9e: {  	v3 =	vmax.f32 v3, v5;
	v9 =	vmax.f32 v1, v13;
	v1 =	vmin.f32 v1, v13;
	v10 =	vld [tilespmem:s1+$0xFFFFFFF0]  }
0x9f: {  	v5 =	vmax.f32 v2, v1;
	v1 =	vmin.f32 v2, v1;
	v2 =	vmax.f32 v9, v11  }
0xa0: {  	v12 =	vmax.f32 v7, v1;
	v1 =	vmin.f32 v7, v1;
	v7 =	vmin.f32 v9, v11  }
0xa1: {  	v9 =	vmax.f32 v5, v7;
	v5 =	vmin.f32 v5, v7;
	v7 =	vmax.f32 v2, v4;
	v11 =	vld [tilespmem:s1+$0x0]  }
0xa2: {  	v13 =	vmax.f32 v6, v1;
	v1 =	vmin.f32 v6, v1;
	v2 =	vmin.f32 v2, v4  }
0xa3: {  	v4 =	vmax.f32 v12, v5;
	v6 =	vmax.f32 v9, v2;
	v2 =	vmin.f32 v9, v2  }
0xa4: {  	v9 =	vmax.f32 v4, v2;
	v2 =	vmin.f32 v4, v2;
	v4 =	vmin.f32 v7, v10;
	v14 =	vld [tilespmem:s1+$0x10]  }
0xa5: {  	v5 =	vmin.f32 v12, v5;
	v7 =	vmax.f32 v7, v10;
	v10 =	vmax.f32 v6, v4;
	v12 =	vld [tilespmem:s1+$0x20]  }
0xa6: {  	v15 =	vmin.f32 v8, v1;
	v4 =	vmin.f32 v6, v4;
	v6 =	vmin.f32 v7, v11  }
0xa7: {  	v16 =	vmax.f32 v9, v4;
	v4 =	vmin.f32 v9, v4;
	v9 =	vmax.f32 v10, v6;
	v17 =	vld [tilespmem:s1+$0x30]  }
0xa8: {  	v18 =	vmax.f32 v13, v5;
	v5 =	vmin.f32 v13, v5;
	v7 =	vmax.f32 v7, v11  }
0xa9: {  	v1 =	vmax.f32 v8, v1;
	v8 =	vmax.f32 v18, v2;
	v11 =	vmax.f32 v7, v14  }
0xaa: {  	v2 =	vmin.f32 v18, v2;
	v7 =	vmin.f32 v7, v14;
	v13 =	vmax.f32 v11, v12  }
0xab: {  	v3 =	vmax.f32 v3, v15;
	v6 =	vmin.f32 v10, v6;
	v14 =	vmin.f32 v1, v5  }
0xac: {  	v10 =	vmax.f32 v8, v4;
	v4 =	vmin.f32 v8, v4;
	v8 =	vmin.f32 v13, v17  }
0xad: {  	v1 =	vmax.f32 v1, v5;
	v3 =	vmax.f32 v3, v14;
	v5 =	vmin.f32 v11, v12  }
0xae: {  	v11 =	vmax.f32 v16, v6;
	v6 =	vmin.f32 v16, v6;
	v12 =	vmin.f32 v9, v7  }
0xaf: {  	v14 =	vmin.f32 v1, v2;
	v15 =	vmin.f32 v10, v6;
	v16 =	vmax.f32 v11, v12  }
0xb0: {  	v18 =	vmax.f32 v1, v2;
	v9 =	vmax.f32 v9, v7;
	v1 =	vmax.f32 v13, v17  }
0xb1: {  	v10 =	vmax.f32 v10, v6;
	v6 =	vmax.f32 v9, v5;
	v13 =	vmax.f32 v3, v14  }
.Ltmp4:
0xb2: {  	v11 =	vmin.f32 v11, v12;
	v14 =	vmin.f32 v18, v4;
	v2 =	vmax.f32 v6, v8;
	(pc) =	sbr.rel @p0 .LBB2_6-.Ltmp4, $4  }
0xb3: {  	v4 =	vmax.f32 v18, v4;
	v3 =	vmax.f32 v10, v11;
	v7 =	vmin.f32 v6, v8  }
0xb4: {  	v5 =	vmin.f32 v9, v5;
	v6 =	vmax.f32 v4, v15;
	v8 =	vmin.f32 v10, v11  }
0xb5: {  	v10 =	vmin.f32 v4, v15;
	v11 =	vmax.f32 v16, v5;
	v4 =	vmax.f32 v6, v8  }
0xb6: {  	s1 =	sadd.s32 $0x80, s1;
	v9 =	vmin.f32 v16, v5;
	v12 =	vmax.f32 v13, v14;
	v5 =	vmin.f32 v11, v7  }
0xb7: {  	(xrf1) =	vsort.dscd.msk.f32 $0xffff, v1, v1  }
0xb8: {  	(xrf1) =	vsort.dscd.msk.f32 $0xffff, v2, v2;
	_ =	sdelay $0x9  }
0xb9: {  	v1 =	vmax.f32 v12, v10  }
0xba: {  	v6 =	vmin.f32 v6, v8;
	v55 =	vmin.f32 v3, v9;
	v3 =	vmax.f32 v3, v9  }
0xbb: {  	v2 =	vmax.f32 v11, v7;
	v1 =	vmax.f32 v1, v6;
	v56 =	vmin.f32 v4, v55  }
0xbc: {  	v57 =	vmax.f32 v4, v55;
	v58 =	vmin.f32 v3, v5;
	v3 =	vmax.f32 v3, v5;
	v59, _, _ =	vpop (xrf1)  }
0xbd: {  	v1 =	vmax.f32 v1, v56;
	v60 =	vmax.f32 v57, v58;
	(xrf1) =	vsort.dscd.msk.f32 $0xffff, v2, v2;
	v61, _, _ =	vpop (xrf1)  }
0xbe: {  	v2 =	vmin.f32 v57, v58;
	(xrf1) =	vsort.dscd.msk.f32 $0xffff, v3, v3;
	v3 =	vperm.xlane v61, v0  }
0xbf: {  	v1 =	vmax.f32 v1, v2;
	(xrf1) =	vsort.dscd.msk.f32 $0xffff, v60, v60  }
0xc0: {  	(xrf1) =	vsort.dscd.msk.f32 $0xffff, v1, v1;
	v1 =	vmax.f32 v59, v3  }
0xc1: {  	(xrf1) =	vsort.dscd.msk.f32 $0xffff, v1, v1;
	_ =	sdelay $0x9  }
0xc2: {  	v1, _, _ =	vpop (xrf1)  }
0xc3: {  	v2, _, _ =	vpop (xrf1)  }
0xc4: {  	v3, _, _ =	vpop (xrf1)  }
0xc5: {  	v1 =	vperm.xlane v1, v0;
	v62, _, _ =	vpop (xrf1)  }
0xc6: {  	v63, _, _ =	vpop (xrf1)  }
0xc7: {  	v1 =	vmax.f32 v63, v1  }
0xc8: {  	(xrf1) =	vsort.dscd.msk.f32 $0xffff, v1, v1;
	_ =	sdelay $0xc  }
0xc9: {  	v1 =	vperm.xlane v2, v0  }
0xca: {  	v2, _, _ =	vpop (xrf1)  }
0xcb: {  	v1 =	vmax.f32 v2, v1  }
0xcc: {  	(xrf1) =	vsort.dscd.msk.f32 $0xffff, v1, v1;
	_ =	sdelay $0xc  }
0xcd: {  	v1 =	vperm.xlane v3, v0  }
0xce: {  	v2, _, _ =	vpop (xrf1)  }
0xcf: {  	v1 =	vmax.f32 v2, v1  }
0xd0: {  	(xrf1) =	vsort.dscd.msk.f32 $0xffff, v1, v1;
	_ =	sdelay $0xc  }
0xd1: {  	v1 =	vperm.xlane v62, v0  }
0xd2: {  	v2, _, _ =	vpop (xrf1)  }
0xd3: {  	v1 =	vmax.f32 v2, v1  }
0xd4: {  	(xrf1) =	vsort.dscd.msk.f32 $0xffff, v1, v1;
	_ =	sdelay $0xd  }
0xd5: {  	v1, _, _ =	vpop (xrf1)  }
0xd6: {  	v2 =	vbroadcast v1, $0x5;
	_ =	sdelay $0x1  }
0xd7: {  	v2 =	vsub.f32 v1, v2;
	_ =	sdelay $0x1  }
0xd8: {  	v2 =	vmax.f32 v2, $0.0e+00  }
0xd9: {  	(xrf2) =	vadd.scan.msk.f32 $0xffff, v2;
	_ =	sdelay $0x9  }
0xda: {  	(v2sf) =	vpush v1, $0x5;
	v1, _, _ =	vpop (xrf2)  }
0xdb: {  	(v2sf) =	vpush v1, $0xF;
	_ =	sdelay $0xd  }
0xdc: {  	s0 =	spop (v2sf)  }
0xdd: {  	s1 =	spop (v2sf)  }
.LBB2_8:
0xde: {  	s1 =	sadd.f32 $1.000000010e-07, s1;
	_ =	sdelay $0x1  }
0xdf: {  	v1 =	vmov s1  }
0xe0: {  	(erf) = vrcp.f32 v1;
	_ =	sdelay $0x7  }
0xe1: {  	p0 =	seq.s32 s30, $0x0  }
0xe2: {  	s1 =	simm.s32 @!p0 $0x5;
	v1 =	vpop (erf)  }
0xe3: {  	_ =	swait.ge @!p0 [sflag:s1], $0x1000  }
0xe4: {  	[sflag:s1] =	ssyncset.done @!p0 $0x0  }
0xe5: {  	s5 =	simm.s32 $0x40;
	[sflag:s1] =	ssyncadd.s32 @!p0 $0xFFFFF000  }
0xe6: {  	v3 =	vld [tilespmem:s5+$0x30]  }
0xe7: {  	v4 =	vld [tilespmem:s5+$0xFFFFFFD0]  }
0xe8: {  	v5 =	vld [tilespmem:s5+$0xFFFFFFE0]  }
0xe9: {  	v6 =	vld [tilespmem:s5+$0xFFFFFFF0]  }
0xea: {  	v8 =	vld [tilespmem:s5+$0x10]  }
0xeb: {  	v2 =	vmov s0;
	v7 =	vld [tilespmem:s5+$0x0]  }
0xec: {  	v3 =	vsub.f32 v3, v2  }
0xed: {  	v9 =	vld [tilespmem:s5+$0x20];
	v4 =	vsub.f32 v4, v2  }
0xee: {  	v10 =	vld [tilespmem:s5+$0xFFFFFFC0];
	s5 =	simm.s32 $0xC0;
	v5 =	vsub.f32 v5, v2;
	v6 =	vsub.f32 v6, v2;
	v3 =	vmax.f32 v3, $0.0e+00  }
0xef: {  	v11 =	vld [tilespmem:s5+$0x30];
	v8 =	vsub.f32 v8, v2;
	v4 =	vmax.f32 v4, $0.0e+00;
	v3 =	vmul.f32 v3, v1  }
0xf0: {  	s13 =	simm.s32 $0x4040;
	v12 =	vld [tilespmem:s5+$0xFFFFFFD0];
	v7 =	vsub.f32 v7, v2;
	v5 =	vmax.f32 v5, $0.0e+00;
	v4 =	vmul.f32 v4, v1  }
0xf1: {  	v13 =	vld [tilespmem:s5+$0xFFFFFFE0];
	v6 =	vmax.f32 v6, $0.0e+00;
	v8 =	vmax.f32 v8, $0.0e+00;
	v14 =	vmul.f32 v5, v1;
	[tilespmem:s13+$0x30] =	vst v3  }
0xf2: {  	s7 =	sshll.u32 s30, $0x2;
	v5 =	vld [tilespmem:s5+$0xFFFFFFF0];
	v6 =	vmul.f32 v6, v1;
	[tilespmem:s13+$0xFFFFFFD0] =	vst v4;
	v4 =	vmax.f32 v7, $0.0e+00;
	v7 =	vsub.f32 v9, v2  }
0xf3: {  	s31 =	sadd.s32 s4, s7;
	v3 =	vld [tilespmem:s5+$0x0];
	v9 =	vsub.f32 v10, v2;
	[tilespmem:s13+$0xFFFFFFE0] =	vst v14;
	v14 =	vmul.f32 v8, v1  }
0xf4: {  	s0 =	sshll.u32 s31, $0x9;
	v11 =	vsub.f32 v11, v2;
	[tilespmem:s13+$0xFFFFFFF0] =	vst v6;
	v10 =	vmul.f32 v4, v1;
	v4 =	vld [tilespmem:s5+$0x10];
	v7 =	vmax.f32 v7, $0.0e+00  }
0xf5: {  	s14 =	sshll.u32 s30, $0x6;
	s1 =	sand.u32 $0xFF000, s0;
	v8 =	vsub.f32 v12, v2;
	v6 =	vld [tilespmem:s5+$0x20];
	v15 =	vmax.f32 v9, $0.0e+00;
	[tilespmem:s13+$0x10] =	vst v14;
	v9 =	vmul.f32 v7, v1  }
0xf6: {  	s0 =	sand.u32 $0x40, s14;
	s14 =	simm.s32 $0x8;
	v12 =	vmax.f32 v11, $0.0e+00;
	[tilespmem:s13+$0x0] =	vst v10;
	v7 =	vld [tilespmem:s5+$0xFFFFFFC0];
	v10 =	vsub.f32 v13, v2;
	s5 =	simm.s32 $0x140;
	v11 =	vmul.f32 v15, v1  }
.LBB2_9:
0xf7: {  	v13 =	vld [tilespmem:s5+$0x30];
	s14 =	sadd.s32 $0x8, s14;
	v8 =	vmax.f32 v8, $0.0e+00;
	v5 =	vsub.f32 v5, v2;
	v12 =	vmul.f32 v12, v1;
	[tilespmem:s13+$0x20] =	vst v9  }
0xf8: {  	v9 =	vld [tilespmem:s5+$0xFFFFFFD0];
	p1 =	slt.u32 s14, $0xF8;
	v8 =	vmul.f32 v8, v1;
	v10 =	vmax.f32 v10, $0.0e+00;
	v3 =	vsub.f32 v3, v2;
	[tilespmem:s13+$0xFFFFFFC0] =	vst v11;
	s13 =	sadd.s32 $0x80, s13  }
0xf9: {  	v11 =	vld [tilespmem:s5+$0xFFFFFFE0];
	v10 =	vmul.f32 v10, v1;
	v14 =	vmax.f32 v5, $0.0e+00;
	v4 =	vsub.f32 v4, v2;
	[tilespmem:s13+$0x30] =	vst v12  }
.Ltmp5:
0xfa: {  	v5 =	vld [tilespmem:s5+$0xFFFFFFF0];
	[tilespmem:s13+$0xFFFFFFD0] =	vst v8;
	v8 =	vmul.f32 v14, v1;
	v12 =	vmax.f32 v3, $0.0e+00;
	v6 =	vsub.f32 v6, v2;
	(pc) =	sbr.rel @p1 .LBB2_9-.Ltmp5, $4  }
0xfb: {  	v3 =	vld [tilespmem:s5+$0x0];
	v7 =	vsub.f32 v7, v2;
	[tilespmem:s13+$0xFFFFFFE0] =	vst v10;
	v10 =	vmul.f32 v12, v1;
	v12 =	vmax.f32 v4, $0.0e+00  }
0xfc: {  	v4 =	vld [tilespmem:s5+$0x10];
	v13 =	vsub.f32 v13, v2;
	[tilespmem:s13+$0xFFFFFFF0] =	vst v8;
	v14 =	vmul.f32 v12, v1;
	v12 =	vmax.f32 v6, $0.0e+00  }
0xfd: {  	v8 =	vsub.f32 v9, v2;
	v6 =	vld [tilespmem:s5+$0x20];
	v15 =	vmax.f32 v7, $0.0e+00;
	[tilespmem:s13+$0x0] =	vst v10;
	v9 =	vmul.f32 v12, v1  }
0xfe: {  	v7 =	vld [tilespmem:s5+$0xFFFFFFC0];
	v10 =	vsub.f32 v11, v2;
	v12 =	vmax.f32 v13, $0.0e+00;
	s5 =	sadd.s32 $0x80, s5;
	v11 =	vmul.f32 v15, v1;
	[tilespmem:s13+$0x10] =	vst v14  }
0xff: {  	v8 =	vmax.f32 v8, $0.0e+00;
	v5 =	vsub.f32 v5, v2;
	v12 =	vmul.f32 v12, v1;
	[tilespmem:s13+$0x20] =	vst v9  }
0x100: {  	s5 =	sadd.s32 $0x80, s13;
	v8 =	vmul.f32 v8, v1;
	v9 =	vmax.f32 v10, $0.0e+00;
	v3 =	vsub.f32 v3, v2;
	[tilespmem:s13+$0xFFFFFFC0] =	vst v11  }
0x101: {  	v9 =	vmul.f32 v9, v1;
	v5 =	vmax.f32 v5, $0.0e+00;
	v4 =	vsub.f32 v4, v2;
	[tilespmem:s5+$0x30] =	vst v12  }
0x102: {  	[tilespmem:s5+$0xFFFFFFD0] =	vst v8;
	v5 =	vmul.f32 v5, v1;
	v3 =	vmax.f32 v3, $0.0e+00;
	v6 =	vsub.f32 v6, v2  }
0x103: {  	v2 =	vsub.f32 v7, v2;
	[tilespmem:s5+$0xFFFFFFE0] =	vst v9;
	v3 =	vmul.f32 v3, v1;
	v4 =	vmax.f32 v4, $0.0e+00  }
0x104: {  	[tilespmem:s5+$0xFFFFFFF0] =	vst v5;
	v4 =	vmul.f32 v4, v1;
	v5 =	vmax.f32 v6, $0.0e+00  }
0x105: {  	v2 =	vmax.f32 v2, $0.0e+00;
	[tilespmem:s5+$0x0] =	vst v3;
	v3 =	vmul.f32 v5, v1  }
0x106: {  	v1 =	vmul.f32 v2, v1;
	[tilespmem:s5+$0x10] =	vst v4  }
0x107: {  	s7 =	sadd.s32 s3, s0;
	p1 =	seq.s32 s30, $0xF;
	[tilespmem:s5+$0x20] =	vst v3  }
0x108: {  	s14 =	sadd.s32 s1, s7;
	[tilespmem:s5+$0xFFFFFFC0] =	vst v1;
	s5 =	sadd.s32 @!p1 $0x4, s31  }
0x109: {  	[hbm4b:s14+s11] =	stream.strided.scatter [tilespmem:s17], [sflag:$0x5], $0x1000, s12, s11, $0x38;
	[tilespmem:$0x8000] =	vst v63  }
0x10a: {  	s7 =	sshll.u32 @!p1 s5, $0x4  }
0x10b: {  	s5 =	sshll.u32 @!p1 s5, $0x9;
	s7 =	sand.u32 @!p1 $0x40, s7  }
0x10c: {  	s13 =	simm.s32 @!p1 $0x400;
	s5 =	sand.u32 @!p1 $0xFFFF000, s5;
	s7 =	sadd.s32 @!p1 s2, s7  }
0x10d: {  	s14 =	simm.s32 @!p1 $0x0;
	s5 =	sadd.s32 @!p1 s5, s7;
	s7 =	simm.s32 @!p1 $0x80  }
0x10e: {  	[tilespmem:s14], [sflag:$0x1] =	stream.strided.gather @!p1 [hbm4b:s5+s7], $0x1000, s13, s7, $0x38;
	[tilespmem:$0x8000] =	vst v63  }
0x10f: {  	_ =	swait.ge [sflag:s18], $0x1000  }
0x110: {  	[sflag:s18] =	ssyncset.done $0x0  }
0x111: {  	s7 =	simm.s32 $0x1080;
	[sflag:s18] =	ssyncadd.s32 $0xFFFFF000  }
0x112: {  	v1 =	vld [tilespmem:s7+$0xFFFFFF80]  }
0x113: {  	v2 =	vld [tilespmem:s7+$0xFFFFFF90]  }
0x114: {  	v3 =	vld [tilespmem:s7+$0xFFFFFFA0];
	_ =	sdelay $0x1  }
0x115: {  	v4 =	vimm.f32 $-Inf  }
0x116: {  	v6 =	vld [tilespmem:s7+$0xFFFFFFB0];
	v5 =	vmax.f32 v4, v1;
	v1 =	vmin.f32 v4, v1  }
0x117: {  	v7 =	vmax.f32 v4, v1;
	v1 =	vmin.f32 v4, v1;
	v8 =	vmax.f32 v5, v2  }
0x118: {  	v9 =	vld [tilespmem:s7+$0xFFFFFFC0];
	v2 =	vmin.f32 v5, v2;
	v1 =	vmax.f32 v4, v1;
	v4 =	vmax.f32 v8, v3  }
0x119: {  	v5 =	vld [tilespmem:s7+$0xFFFFFFD0];
	v10 =	vmax.f32 v7, v2;
	v2 =	vmin.f32 v7, v2;
	v3 =	vmin.f32 v8, v3  }
0x11a: {  	v1 =	vmax.f32 v1, v2;
	v2 =	vmax.f32 v10, v3;
	v3 =	vmin.f32 v10, v3  }
0x11b: {  	v7 =	vld [tilespmem:s7+$0xFFFFFFE0];
	v1 =	vmax.f32 v1, v3;
	v3 =	vmax.f32 v4, v6;
	v4 =	vmin.f32 v4, v6  }
0x11c: {  	v8 =	vmax.f32 v2, v4  }
0x11d: {  	v6 =	vld [tilespmem:s7+$0xFFFFFFF0];
	v10 =	vmax.f32 v3, v9;
	v3 =	vmin.f32 v3, v9;
	v2 =	vmin.f32 v2, v4  }
0x11e: {  	v9 =	vld [tilespmem:s7+$0x0];
	v11 =	vmax.f32 v8, v3;
	v3 =	vmin.f32 v8, v3;
	v8 =	vmin.f32 v10, v5  }
0x11f: {  	v4 =	vmax.f32 v10, v5;
	v10 =	vld [tilespmem:s7+$0x10];
	v1 =	vmax.f32 v1, v2;
	v5 =	vmax.f32 v11, v8  }
0x120: {  	v2 =	vmin.f32 v11, v8;
	v1 =	vmax.f32 v1, v3;
	v3 =	vmin.f32 v4, v7  }
0x121: {  	v8 =	vmax.f32 v4, v7;
	v11 =	vld [tilespmem:s7+$0x20];
	v1 =	vmax.f32 v1, v2;
	v2 =	vmax.f32 v5, v3  }
0x122: {  	v3 =	vmin.f32 v5, v3;
	v4 =	vmax.f32 v8, v6;
	v5 =	vmin.f32 v8, v6  }
0x123: {  	v63 =	vld [tilespmem:s7+$0x30];
	v3 =	vmax.f32 v1, v3;
	v7 =	vmin.f32 v4, v9;
	v4 =	vmax.f32 v4, v9  }
0x124: {  	v6 =	vmax.f32 v2, v5;
	v5 =	vmin.f32 v2, v5;
	v2 =	vmax.f32 v4, v10  }
0x125: {  	v13 =	vld [tilespmem:s7+$0x40];
	v8 =	vmax.f32 v6, v7;
	v6 =	vmin.f32 v6, v7;
	v4 =	vmin.f32 v4, v10  }
0x126: {  	v1 =	vld [tilespmem:s7+$0x50];
	v3 =	vmax.f32 v3, v5;
	v9 =	vmax.f32 v2, v11;
	v7 =	vmin.f32 v2, v11  }
0x127: {  	v10 =	vmax.f32 v8, v4;
	v2 =	vld [tilespmem:s7+$0x60];
	v4 =	vmin.f32 v8, v4;
	v6 =	vmax.f32 v3, v6  }
0x128: {  	v11 =	vmax.f32 v9, v63;
	v9 =	vmin.f32 v9, v63;
	v5 =	vmax.f32 v10, v7  }
0x129: {  	v8 =	vmin.f32 v10, v7;
	v3 =	vmax.f32 v5, v9;
	v10 =	vmin.f32 v5, v9;
	v5 =	vld [tilespmem:s7+$0x70]  }
0x12a: {  	v4 =	vmax.f32 v6, v4;
	v7 =	vmax.f32 v11, v13  }
0x12b: {  	v4 =	vmax.f32 v4, v8;
	v6 =	vmin.f32 v11, v13;
	v9 =	vmax.f32 v7, v1  }
0x12c: {  	s13 =	simm.s32 $0x0;
	s14 =	simm.s32 $0x1180;
	v8 =	vmax.f32 v4, v10;
	v10 =	vmin.f32 v3, v6;
	v4 =	vmin.f32 v9, v2  }
.LBB2_11:
0x12d: {  	v11 =	vld [tilespmem:s14+$0xFFFFFF80];
	s13 =	sadd.s32 $0x10, s13;
	v8 =	vmax.f32 v8, v10;
	v1 =	vmin.f32 v7, v1;
	v2 =	vmax.f32 v9, v2  }
0x12e: {  	v3 =	vmax.f32 v3, v6;
	v7 =	vld [tilespmem:s14+$0xFFFFFF90];
	p2 =	slt.u32 s13, $0xF0;
	v6 =	vmax.f32 v2, v5;
	v2 =	vmin.f32 v2, v5  }
0x12f: {  	v9 =	vmax.f32 v3, v1;
	v1 =	vmin.f32 v3, v1;
	v5 =	vld [tilespmem:s14+$0xFFFFFFA0]  }
0x130: {  	v1 =	vmax.f32 v8, v1;
	v3 =	vmax.f32 v9, v4;
	v4 =	vmin.f32 v9, v4  }
0x131: {  	v1 =	vmax.f32 v1, v4;
	v4 =	vmax.f32 v3, v2;
	v2 =	vmin.f32 v3, v2  }
0x132: {  	v1 =	vmax.f32 v1, v2;
	v3 =	vmax.f32 v6, v11;
	v6 =	vmin.f32 v6, v11;
	v8 =	vld [tilespmem:s14+$0xFFFFFFB0]  }
0x133: {  	v2 =	vmax.f32 v4, v6;
	v4 =	vmin.f32 v4, v6;
	v6 =	vmax.f32 v3, v7;
	v9 =	vld [tilespmem:s14+$0xFFFFFFC0]  }
0x134: {  	v3 =	vmin.f32 v3, v7;
	v1 =	vmax.f32 v1, v4;
	v4 =	vmax.f32 v6, v5;
	v7 =	vld [tilespmem:s14+$0xFFFFFFD0]  }
0x135: {  	v10 =	vmax.f32 v2, v3;
	v2 =	vmin.f32 v2, v3;
	v3 =	vmin.f32 v6, v5  }
0x136: {  	v1 =	vmax.f32 v1, v2;
	v2 =	vmax.f32 v10, v3;
	v3 =	vmin.f32 v10, v3;
	v5 =	vld [tilespmem:s14+$0xFFFFFFE0]  }
0x137: {  	v1 =	vmax.f32 v1, v3;
	v3 =	vmax.f32 v4, v8;
	v4 =	vmin.f32 v4, v8;
	v6 =	vld [tilespmem:s14+$0xFFFFFFF0]  }
0x138: {  	v8 =	vmax.f32 v2, v4;
	v10 =	vmax.f32 v3, v9;
	v3 =	vmin.f32 v3, v9;
	v9 =	vld [tilespmem:s14+$0x0]  }
0x139: {  	v11 =	vmax.f32 v8, v3;
	v3 =	vmin.f32 v8, v3;
	v8 =	vmin.f32 v10, v7  }
0x13a: {  	v2 =	vmin.f32 v2, v4;
	v4 =	vmax.f32 v10, v7;
	v7 =	vmax.f32 v11, v8;
	v10 =	vld [tilespmem:s14+$0x10]  }
0x13b: {  	v1 =	vmax.f32 v1, v2;
	v2 =	vmin.f32 v11, v8;
	v8 =	vmax.f32 v4, v5;
	v11 =	vld [tilespmem:s14+$0x20]  }
0x13c: {  	v1 =	vmax.f32 v1, v3;
	v3 =	vmin.f32 v4, v5;
	v4 =	vmax.f32 v8, v6  }
0x13d: {  	v1 =	vmax.f32 v1, v2;
	v2 =	vmax.f32 v7, v3;
	v5 =	vmin.f32 v4, v9;
	v12 =	vld [tilespmem:s14+$0x30]  }
0x13e: {  	v3 =	vmin.f32 v7, v3;
	v6 =	vmin.f32 v8, v6;
	v4 =	vmax.f32 v4, v9  }
0x13f: {  	v7 =	vmax.f32 v2, v6;
	v6 =	vmin.f32 v2, v6;
	v2 =	vmax.f32 v4, v10  }
0x140: {  	v3 =	vmax.f32 v1, v3;
	v8 =	vmax.f32 v7, v5;
	v9 =	vmax.f32 v2, v11;
	v13 =	vld [tilespmem:s14+$0x40]  }
0x141: {  	v5 =	vmin.f32 v7, v5;
	v4 =	vmin.f32 v4, v10;
	v7 =	vmin.f32 v2, v11;
	v1 =	vld [tilespmem:s14+$0x50]  }
0x142: {  	v10 =	vmax.f32 v8, v4;
	v11 =	vmax.f32 v9, v12;
	v9 =	vmin.f32 v9, v12;
	v2 =	vld [tilespmem:s14+$0x60]  }
.Ltmp6:
0x143: {  	v3 =	vmax.f32 v3, v6;
	v4 =	vmin.f32 v8, v4;
	v6 =	vmax.f32 v10, v7;
	(pc) =	sbr.rel @p2 .LBB2_11-.Ltmp6, $4  }
0x144: {  	v8 =	vmax.f32 v3, v5;
	v10 =	vmin.f32 v10, v7;
	v3 =	vmax.f32 v6, v9;
	v5 =	vld [tilespmem:s14+$0x70]  }
0x145: {  	v4 =	vmax.f32 v8, v4;
	v8 =	vmin.f32 v6, v9;
	v7 =	vmax.f32 v11, v13  }
0x146: {  	v4 =	vmax.f32 v4, v10;
	v6 =	vmin.f32 v11, v13;
	v9 =	vmax.f32 v7, v1  }
0x147: {  	v8 =	vmax.f32 v4, v8;
	s14 =	sadd.s32 $0x100, s14;
	v10 =	vmin.f32 v3, v6;
	v4 =	vmin.f32 v9, v2  }
0x148: {  	v1 =	vmin.f32 v7, v1;
	v3 =	vmax.f32 v3, v6  }
0x149: {  	v2 =	vmax.f32 v9, v2;
	v6 =	vmax.f32 v3, v1  }
0x14a: {  	v59 =	vmax.f32 v2, v5;
	v2 =	vmin.f32 v2, v5;
	v60 =	vmax.f32 v6, v4  }
0x14b: {  	(xrf1) =	vsort.dscd.msk.f32 $0xffff, v59, v59;
	v61 =	vmax.f32 v60, v2  }
0x14c: {  	(xrf1) =	vsort.dscd.msk.f32 $0xffff, v61, v61;
	_ =	sdelay $0xa  }
0x14d: {  	v1 =	vmin.f32 v3, v1;
	v3 =	vmin.f32 v6, v4  }
0x14e: {  	v62 =	vmax.f32 v8, v10  }
0x14f: {  	v1 =	vmax.f32 v62, v1;
	v63, _, _ =	vpop (xrf1)  }
0x150: {  	v1 =	vmax.f32 v1, v3;
	v2 =	vmin.f32 v60, v2;
	v3, _, _ =	vpop (xrf1)  }
0x151: {  	v1 =	vmax.f32 v1, v2;
	v2 =	vperm.xlane v3, v0  }
0x152: {  	(xrf1) =	vsort.dscd.msk.f32 $0xffff, v1, v1  }
0x153: {  	v1 =	vmax.f32 v63, v2  }
0x154: {  	(xrf1) =	vsort.dscd.msk.f32 $0xffff, v1, v1;
	_ =	sdelay $0xb  }
0x155: {  	v1, _, _ =	vpop (xrf1)  }
0x156: {  	v2 =	vperm.xlane v1, v0  }
0x157: {  	v3, _, _ =	vpop (xrf1)  }
0x158: {  	v2 =	vmax.f32 v3, v2  }
0x159: {  	(xrf1) =	vsort.dscd.msk.f32 $0xffff, v2, v2;
	_ =	sdelay $0xd  }
0x15a: {  	v2, _, _ =	vpop (xrf1)  }
0x15b: {  	v3 =	vbroadcast v2, $0x5;
	_ =	sdelay $0x1  }
0x15c: {  	v3 =	vsub.f32 v2, v3;
	_ =	sdelay $0x1  }
0x15d: {  	v3 =	vmax.f32 v3, $0.0e+00  }
0x15e: {  	(xrf2) =	vadd.scan.msk.f32 $0xffff, v3;
	_ =	sdelay $0x9  }
0x15f: {  	(v2sf) =	vpush v2, $0x5;
	v2, _, _ =	vpop (xrf2)  }
0x160: {  	(v2sf) =	vpush v2, $0xF  }
0x161: {  	(v2sf) =	vpush v1, $0x0;
	_ =	sdelay $0xc  }
0x162: {  	s5 =	spop (v2sf)  }
0x163: {  	s7 =	spop (v2sf)  }
0x164: {  	s13 =	spop (v2sf)  }
0x165: {  	p2 =	sle.f32 s13, s5  }
.Ltmp7:
0x166: {  	_ = 	snop;
	(pc) =	sbr.rel @p2 .LBB2_16-.Ltmp7, $1  }
0x167: {  	_ =	sdelay $0x3  }
0x168: {  	s5 =	simm.s32 $0x1040  }
0x169: {  	v1 =	vld [tilespmem:s5+$0xFFFFFFC0]  }
0x16a: {  	v2 =	vld [tilespmem:s5+$0xFFFFFFD0];
	_ =	sdelay $0x1  }
0x16b: {  	v3 =	vld [tilespmem:s5+$0xFFFFFFE0]  }
0x16c: {  	v4 =	vimm.f32 $-Inf  }
0x16d: {  	v5 =	vmax.f32 v4, v1;
	v1 =	vmin.f32 v4, v1  }
0x16e: {  	v7 =	vmax.f32 v4, v1;
	v1 =	vmin.f32 v4, v1;
	v8 =	vmax.f32 v5, v2  }
0x16f: {  	v6 =	vld [tilespmem:s5+$0xFFFFFFF0];
	v2 =	vmin.f32 v5, v2;
	v9 =	vmax.f32 v4, v1;
	v1 =	vmin.f32 v4, v1  }
0x170: {  	v5 =	vmax.f32 v7, v2;
	v2 =	vmin.f32 v7, v2;
	v7 =	vmax.f32 v8, v3  }
0x171: {  	v10 =	vld [tilespmem:s5+$0x0];
	v3 =	vmin.f32 v8, v3;
	v11 =	vmax.f32 v4, v1;
	v1 =	vmin.f32 v4, v1  }
0x172: {  	v8 =	vmax.f32 v9, v2;
	v12 =	vmax.f32 v5, v3;
	v3 =	vmin.f32 v5, v3  }
0x173: {  	v2 =	vmin.f32 v9, v2;
	v5 =	vmax.f32 v8, v3;
	v3 =	vmin.f32 v8, v3  }
0x174: {  	v8 =	vmin.f32 v7, v6;
	v6 =	vmax.f32 v7, v6;
	v14 =	vmin.f32 v4, v1  }
0x175: {  	v13 =	vld [tilespmem:s5+$0x10];
	v17 =	vmax.f32 v11, v2;
	v2 =	vmin.f32 v11, v2;
	v1 =	vmax.f32 v4, v1  }
0x176: {  	v7 =	vmax.f32 v12, v8;
	v8 =	vmin.f32 v12, v8;
	v12 =	vmin.f32 v6, v10  }
0x177: {  	v6 =	vmax.f32 v6, v10;
	v10 =	vmax.f32 v17, v3;
	v3 =	vmin.f32 v17, v3  }
0x178: {  	v9 =	vld [tilespmem:s5+$0x20];
	v4 =	vmax.f32 v4, v14;
	v14 =	vmin.f32 v1, v2;
	v1 =	vmax.f32 v1, v2  }
0x179: {  	v16 =	vld [tilespmem:s5+$0x30];
	v15 =	vmax.f32 v5, v8;
	v5 =	vmin.f32 v5, v8;
	v8 =	vmax.f32 v7, v12  }
0x17a: {  	v11 =	vmax.f32 v6, v13;
	v6 =	vmin.f32 v6, v13;
	v7 =	vmin.f32 v7, v12  }
0x17b: {  	v2 =	vmax.f32 v4, v14;
	v14 =	vmin.f32 v1, v3;
	v3 =	vmax.f32 v1, v3  }
0x17c: {  	v12 =	vmax.f32 v10, v5;
	v5 =	vmin.f32 v10, v5;
	v18 =	vmax.f32 v8, v6  }
0x17d: {  	v13 =	vmax.f32 v11, v9;
	v4 =	vmin.f32 v11, v9;
	v9 =	vmax.f32 v15, v7  }
0x17e: {  	v7 =	vmin.f32 v15, v7;
	v11 =	vmin.f32 v8, v6;
	v10 =	vmin.f32 v13, v16  }
0x17f: {  	v15 =	vmin.f32 v12, v7;
	v63 =	vmax.f32 v9, v11;
	v1 =	vmax.f32 v13, v16  }
0x180: {  	v13 =	vmax.f32 v2, v14;
	v8 =	vmax.f32 v12, v7;
	v6 =	vmax.f32 v18, v4  }
0x181: {  	v12 =	vmin.f32 v3, v5;
	v9 =	vmin.f32 v9, v11;
	v5 =	vmax.f32 v3, v5  }
0x182: {  	v2 =	vmax.f32 v6, v10;
	v3 =	vmax.f32 v8, v9;
	v7 =	vmin.f32 v6, v10  }
0x183: {  	v6 =	vmax.f32 v5, v15;
	v8 =	vmin.f32 v8, v9;
	v9 =	vmin.f32 v18, v4  }
0x184: {  	v10 =	vmin.f32 v5, v15;
	v12 =	vmax.f32 v13, v12;
	v11 =	vmax.f32 v63, v9  }
0x185: {  	s13 =	simm.s32 $0x0;
	s14 =	simm.s32 $0x10C0;
	v4 =	vmax.f32 v6, v8;
	v9 =	vmin.f32 v63, v9;
	v5 =	vmin.f32 v11, v7  }
.LBB2_14:
0x186: {  	v13 =	vld [tilespmem:s14+$0xFFFFFFC0];
	s13 =	sadd.s32 $0x8, s13;
	v10 =	vmax.f32 v12, v10;
	v7 =	vmax.f32 v11, v7  }
0x187: {  	v6 =	vmin.f32 v6, v8;
	v8 =	vmax.f32 v3, v9;
	v3 =	vmin.f32 v3, v9;
	v11 =	vld [tilespmem:s14+$0xFFFFFFD0];
	p2 =	slt.u32 s13, $0xF8  }
0x188: {  	v6 =	vmax.f32 v10, v6;
	v9 =	vmax.f32 v4, v3;
	v3 =	vmin.f32 v4, v3  }
0x189: {  	v3 =	vmax.f32 v6, v3;
	v6 =	vmax.f32 v8, v5;
	v5 =	vmin.f32 v8, v5;
	v4 =	vld [tilespmem:s14+$0xFFFFFFE0]  }
0x18a: {  	v8 =	vmax.f32 v9, v5;
	v5 =	vmin.f32 v9, v5  }
0x18b: {  	v3 =	vmax.f32 v3, v5;
	v9 =	vmax.f32 v1, v13;
	v1 =	vmin.f32 v1, v13;
	v10 =	vld [tilespmem:s14+$0xFFFFFFF0]  }
0x18c: {  	v5 =	vmax.f32 v2, v1;
	v1 =	vmin.f32 v2, v1;
	v2 =	vmax.f32 v9, v11  }
0x18d: {  	v12 =	vmax.f32 v7, v1;
	v1 =	vmin.f32 v7, v1;
	v7 =	vmin.f32 v9, v11  }
0x18e: {  	v9 =	vmax.f32 v5, v7;
	v5 =	vmin.f32 v5, v7;
	v7 =	vmax.f32 v2, v4;
	v11 =	vld [tilespmem:s14+$0x0]  }
0x18f: {  	v13 =	vmax.f32 v6, v1;
	v1 =	vmin.f32 v6, v1;
	v2 =	vmin.f32 v2, v4  }
0x190: {  	v4 =	vmax.f32 v12, v5;
	v6 =	vmax.f32 v9, v2;
	v2 =	vmin.f32 v9, v2  }
0x191: {  	v9 =	vmax.f32 v4, v2;
	v2 =	vmin.f32 v4, v2;
	v4 =	vmin.f32 v7, v10;
	v14 =	vld [tilespmem:s14+$0x10]  }
0x192: {  	v5 =	vmin.f32 v12, v5;
	v7 =	vmax.f32 v7, v10;
	v10 =	vmax.f32 v6, v4;
	v12 =	vld [tilespmem:s14+$0x20]  }
0x193: {  	v15 =	vmin.f32 v8, v1;
	v4 =	vmin.f32 v6, v4;
	v6 =	vmin.f32 v7, v11  }
0x194: {  	v16 =	vmax.f32 v9, v4;
	v4 =	vmin.f32 v9, v4;
	v9 =	vmax.f32 v10, v6;
	v17 =	vld [tilespmem:s14+$0x30]  }
0x195: {  	v18 =	vmax.f32 v13, v5;
	v5 =	vmin.f32 v13, v5;
	v7 =	vmax.f32 v7, v11  }
0x196: {  	v1 =	vmax.f32 v8, v1;
	v8 =	vmax.f32 v18, v2;
	v11 =	vmax.f32 v7, v14  }
0x197: {  	v2 =	vmin.f32 v18, v2;
	v7 =	vmin.f32 v7, v14;
	v13 =	vmax.f32 v11, v12  }
0x198: {  	v3 =	vmax.f32 v3, v15;
	v6 =	vmin.f32 v10, v6;
	v14 =	vmin.f32 v1, v5  }
0x199: {  	v10 =	vmax.f32 v8, v4;
	v4 =	vmin.f32 v8, v4;
	v8 =	vmin.f32 v13, v17  }
0x19a: {  	v1 =	vmax.f32 v1, v5;
	v3 =	vmax.f32 v3, v14;
	v5 =	vmin.f32 v11, v12  }
0x19b: {  	v11 =	vmax.f32 v16, v6;
	v6 =	vmin.f32 v16, v6;
	v12 =	vmin.f32 v9, v7  }
0x19c: {  	v14 =	vmin.f32 v1, v2;
	v15 =	vmin.f32 v10, v6;
	v16 =	vmax.f32 v11, v12  }
0x19d: {  	v18 =	vmax.f32 v1, v2;
	v9 =	vmax.f32 v9, v7;
	v1 =	vmax.f32 v13, v17  }
0x19e: {  	v10 =	vmax.f32 v10, v6;
	v6 =	vmax.f32 v9, v5;
	v13 =	vmax.f32 v3, v14  }
.Ltmp8:
0x19f: {  	v11 =	vmin.f32 v11, v12;
	v14 =	vmin.f32 v18, v4;
	v2 =	vmax.f32 v6, v8;
	(pc) =	sbr.rel @p2 .LBB2_14-.Ltmp8, $4  }
0x1a0: {  	v4 =	vmax.f32 v18, v4;
	v3 =	vmax.f32 v10, v11;
	v7 =	vmin.f32 v6, v8  }
0x1a1: {  	v5 =	vmin.f32 v9, v5;
	v6 =	vmax.f32 v4, v15;
	v8 =	vmin.f32 v10, v11  }
0x1a2: {  	v10 =	vmin.f32 v4, v15;
	v11 =	vmax.f32 v16, v5;
	v4 =	vmax.f32 v6, v8  }
0x1a3: {  	s14 =	sadd.s32 $0x80, s14;
	v9 =	vmin.f32 v16, v5;
	v12 =	vmax.f32 v13, v14;
	v5 =	vmin.f32 v11, v7  }
0x1a4: {  	(xrf1) =	vsort.dscd.msk.f32 $0xffff, v1, v1  }
0x1a5: {  	(xrf1) =	vsort.dscd.msk.f32 $0xffff, v2, v2;
	_ =	sdelay $0x9  }
0x1a6: {  	v1 =	vmax.f32 v12, v10  }
0x1a7: {  	v6 =	vmin.f32 v6, v8;
	v55 =	vmin.f32 v3, v9;
	v3 =	vmax.f32 v3, v9  }
0x1a8: {  	v2 =	vmax.f32 v11, v7;
	v1 =	vmax.f32 v1, v6;
	v56 =	vmin.f32 v4, v55  }
0x1a9: {  	v57 =	vmax.f32 v4, v55;
	v58 =	vmin.f32 v3, v5;
	v3 =	vmax.f32 v3, v5;
	v59, _, _ =	vpop (xrf1)  }
0x1aa: {  	v1 =	vmax.f32 v1, v56;
	v60 =	vmax.f32 v57, v58;
	(xrf1) =	vsort.dscd.msk.f32 $0xffff, v2, v2;
	v61, _, _ =	vpop (xrf1)  }
0x1ab: {  	v2 =	vmin.f32 v57, v58;
	(xrf1) =	vsort.dscd.msk.f32 $0xffff, v3, v3;
	v3 =	vperm.xlane v61, v0  }
0x1ac: {  	v1 =	vmax.f32 v1, v2;
	(xrf1) =	vsort.dscd.msk.f32 $0xffff, v60, v60  }
0x1ad: {  	(xrf1) =	vsort.dscd.msk.f32 $0xffff, v1, v1;
	v1 =	vmax.f32 v59, v3  }
0x1ae: {  	(xrf1) =	vsort.dscd.msk.f32 $0xffff, v1, v1;
	_ =	sdelay $0x9  }
0x1af: {  	v1, _, _ =	vpop (xrf1)  }
0x1b0: {  	v2, _, _ =	vpop (xrf1)  }
0x1b1: {  	v3, _, _ =	vpop (xrf1)  }
0x1b2: {  	v1 =	vperm.xlane v1, v0;
	v62, _, _ =	vpop (xrf1)  }
0x1b3: {  	v63, _, _ =	vpop (xrf1)  }
0x1b4: {  	v1 =	vmax.f32 v63, v1  }
0x1b5: {  	(xrf1) =	vsort.dscd.msk.f32 $0xffff, v1, v1;
	_ =	sdelay $0xc  }
0x1b6: {  	v1 =	vperm.xlane v2, v0  }
0x1b7: {  	v2, _, _ =	vpop (xrf1)  }
0x1b8: {  	v1 =	vmax.f32 v2, v1  }
0x1b9: {  	(xrf1) =	vsort.dscd.msk.f32 $0xffff, v1, v1;
	_ =	sdelay $0xc  }
0x1ba: {  	v1 =	vperm.xlane v3, v0  }
0x1bb: {  	v2, _, _ =	vpop (xrf1)  }
0x1bc: {  	v1 =	vmax.f32 v2, v1  }
0x1bd: {  	(xrf1) =	vsort.dscd.msk.f32 $0xffff, v1, v1;
	_ =	sdelay $0xc  }
0x1be: {  	v1 =	vperm.xlane v62, v0  }
0x1bf: {  	v2, _, _ =	vpop (xrf1)  }
0x1c0: {  	v1 =	vmax.f32 v2, v1  }
0x1c1: {  	(xrf1) =	vsort.dscd.msk.f32 $0xffff, v1, v1;
	_ =	sdelay $0xd  }
0x1c2: {  	v1, _, _ =	vpop (xrf1)  }
0x1c3: {  	v2 =	vbroadcast v1, $0x5;
	_ =	sdelay $0x1  }
0x1c4: {  	v2 =	vsub.f32 v1, v2;
	_ =	sdelay $0x1  }
0x1c5: {  	v2 =	vmax.f32 v2, $0.0e+00  }
0x1c6: {  	(xrf2) =	vadd.scan.msk.f32 $0xffff, v2;
	_ =	sdelay $0x9  }
0x1c7: {  	(v2sf) =	vpush v1, $0x5;
	v1, _, _ =	vpop (xrf2)  }
0x1c8: {  	(v2sf) =	vpush v1, $0xF;
	_ =	sdelay $0xd  }
0x1c9: {  	s5 =	spop (v2sf)  }
0x1ca: {  	s7 =	spop (v2sf)  }
.LBB2_16:
0x1cb: {  	s7 =	sadd.f32 $1.000000010e-07, s7;
	_ =	sdelay $0x1  }
0x1cc: {  	v1 =	vmov s7  }
0x1cd: {  	(erf) = vrcp.f32 v1;
	_ =	sdelay $0x8  }
0x1ce: {  	s7 =	simm.s32 @!p0 $0x6;
	v1 =	vpop (erf)  }
0x1cf: {  	_ =	swait.ge @!p0 [sflag:s7], $0x1000  }
0x1d0: {  	[sflag:s7] =	ssyncset.done @!p0 $0x0  }
0x1d1: {  	s14 =	simm.s32 $0x1040;
	[sflag:s7] =	ssyncadd.s32 @!p0 $0xFFFFF000  }
0x1d2: {  	v3 =	vld [tilespmem:s14+$0x30]  }
0x1d3: {  	v4 =	vld [tilespmem:s14+$0xFFFFFFD0]  }
0x1d4: {  	v5 =	vld [tilespmem:s14+$0xFFFFFFE0]  }
0x1d5: {  	v6 =	vld [tilespmem:s14+$0xFFFFFFF0]  }
0x1d6: {  	v2 =	vmov s5;
	v7 =	vld [tilespmem:s14+$0x0]  }
0x1d7: {  	v8 =	vld [tilespmem:s14+$0x10];
	v3 =	vsub.f32 v3, v2  }
0x1d8: {  	v9 =	vld [tilespmem:s14+$0x20];
	v4 =	vsub.f32 v4, v2  }
0x1d9: {  	s7 =	simm.s32 $0x10C0;
	v10 =	vld [tilespmem:s14+$0xFFFFFFC0];
	v5 =	vsub.f32 v5, v2;
	v3 =	vmax.f32 v3, $0.0e+00  }
0x1da: {  	v11 =	vld [tilespmem:s7+$0x30];
	v6 =	vsub.f32 v6, v2;
	v4 =	vmax.f32 v4, $0.0e+00;
	v3 =	vmul.f32 v3, v1  }
0x1db: {  	s13 =	simm.s32 $0x5040;
	v12 =	vld [tilespmem:s7+$0xFFFFFFD0];
	v7 =	vsub.f32 v7, v2;
	v5 =	vmax.f32 v5, $0.0e+00;
	v4 =	vmul.f32 v4, v1  }
0x1dc: {  	v13 =	vld [tilespmem:s7+$0xFFFFFFE0];
	v8 =	vsub.f32 v8, v2;
	v14 =	vmax.f32 v6, $0.0e+00;
	v5 =	vmul.f32 v5, v1;
	[tilespmem:s13+$0x30] =	vst v3  }
0x1dd: {  	v6 =	vld [tilespmem:s7+$0xFFFFFFF0];
	v14 =	vmul.f32 v14, v1;
	[tilespmem:s13+$0xFFFFFFD0] =	vst v4;
	v3 =	vmax.f32 v7, $0.0e+00;
	v7 =	vsub.f32 v9, v2  }
0x1de: {  	v4 =	vld [tilespmem:s7+$0x0];
	v9 =	vsub.f32 v10, v2;
	[tilespmem:s13+$0xFFFFFFE0] =	vst v5;
	v5 =	vmax.f32 v8, $0.0e+00;
	v10 =	vmul.f32 v3, v1  }
0x1df: {  	v11 =	vsub.f32 v11, v2;
	[tilespmem:s13+$0xFFFFFFF0] =	vst v14;
	v3 =	vld [tilespmem:s7+$0x10];
	v14 =	vmul.f32 v5, v1;
	v7 =	vmax.f32 v7, $0.0e+00  }
0x1e0: {  	v8 =	vsub.f32 v12, v2;
	v5 =	vld [tilespmem:s7+$0x20];
	v15 =	vmax.f32 v9, $0.0e+00;
	[tilespmem:s13+$0x0] =	vst v10;
	v9 =	vmul.f32 v7, v1  }
0x1e1: {  	s5 =	simm.s32 $0x8;
	s14 =	sor.u32 $0x10, s0;
	v12 =	vmax.f32 v11, $0.0e+00;
	v7 =	vld [tilespmem:s7+$0xFFFFFFC0];
	v10 =	vsub.f32 v13, v2;
	s7 =	simm.s32 $0x1140;
	v11 =	vmul.f32 v15, v1;
	[tilespmem:s13+$0x10] =	vst v14  }
.LBB2_17:
0x1e2: {  	v13 =	vld [tilespmem:s7+$0x30];
	s5 =	sadd.s32 $0x8, s5;
	v8 =	vmax.f32 v8, $0.0e+00;
	v6 =	vsub.f32 v6, v2;
	v12 =	vmul.f32 v12, v1;
	[tilespmem:s13+$0x20] =	vst v9  }
0x1e3: {  	v9 =	vld [tilespmem:s7+$0xFFFFFFD0];
	p2 =	slt.u32 s5, $0xF8;
	v8 =	vmul.f32 v8, v1;
	v10 =	vmax.f32 v10, $0.0e+00;
	v4 =	vsub.f32 v4, v2;
	[tilespmem:s13+$0xFFFFFFC0] =	vst v11;
	s13 =	sadd.s32 $0x80, s13  }
0x1e4: {  	v11 =	vld [tilespmem:s7+$0xFFFFFFE0];
	v10 =	vmul.f32 v10, v1;
	v14 =	vmax.f32 v6, $0.0e+00;
	v3 =	vsub.f32 v3, v2;
	[tilespmem:s13+$0x30] =	vst v12  }
.Ltmp9:
0x1e5: {  	v6 =	vld [tilespmem:s7+$0xFFFFFFF0];
	[tilespmem:s13+$0xFFFFFFD0] =	vst v8;
	v8 =	vmul.f32 v14, v1;
	v12 =	vmax.f32 v4, $0.0e+00;
	v5 =	vsub.f32 v5, v2;
	(pc) =	sbr.rel @p2 .LBB2_17-.Ltmp9, $4  }
0x1e6: {  	v4 =	vld [tilespmem:s7+$0x0];
	v7 =	vsub.f32 v7, v2;
	[tilespmem:s13+$0xFFFFFFE0] =	vst v10;
	v10 =	vmul.f32 v12, v1;
	v12 =	vmax.f32 v3, $0.0e+00  }
0x1e7: {  	v3 =	vld [tilespmem:s7+$0x10];
	v13 =	vsub.f32 v13, v2;
	[tilespmem:s13+$0xFFFFFFF0] =	vst v8;
	v14 =	vmul.f32 v12, v1;
	v12 =	vmax.f32 v5, $0.0e+00  }
0x1e8: {  	v8 =	vsub.f32 v9, v2;
	v5 =	vld [tilespmem:s7+$0x20];
	v15 =	vmax.f32 v7, $0.0e+00;
	[tilespmem:s13+$0x0] =	vst v10;
	v9 =	vmul.f32 v12, v1  }
0x1e9: {  	v7 =	vld [tilespmem:s7+$0xFFFFFFC0];
	v10 =	vsub.f32 v11, v2;
	v12 =	vmax.f32 v13, $0.0e+00;
	s7 =	sadd.s32 $0x80, s7;
	v11 =	vmul.f32 v15, v1;
	[tilespmem:s13+$0x10] =	vst v14  }
0x1ea: {  	v8 =	vmax.f32 v8, $0.0e+00;
	v6 =	vsub.f32 v6, v2;
	v12 =	vmul.f32 v12, v1;
	[tilespmem:s13+$0x20] =	vst v9  }
0x1eb: {  	s5 =	sadd.s32 $0x80, s13;
	v8 =	vmul.f32 v8, v1;
	v9 =	vmax.f32 v10, $0.0e+00;
	v4 =	vsub.f32 v4, v2;
	[tilespmem:s13+$0xFFFFFFC0] =	vst v11  }
0x1ec: {  	v9 =	vmul.f32 v9, v1;
	v6 =	vmax.f32 v6, $0.0e+00;
	v3 =	vsub.f32 v3, v2;
	[tilespmem:s5+$0x30] =	vst v12  }
0x1ed: {  	[tilespmem:s5+$0xFFFFFFD0] =	vst v8;
	v6 =	vmul.f32 v6, v1;
	v4 =	vmax.f32 v4, $0.0e+00;
	v5 =	vsub.f32 v5, v2  }
0x1ee: {  	v2 =	vsub.f32 v7, v2;
	[tilespmem:s5+$0xFFFFFFE0] =	vst v9;
	v4 =	vmul.f32 v4, v1;
	v3 =	vmax.f32 v3, $0.0e+00  }
0x1ef: {  	[tilespmem:s5+$0xFFFFFFF0] =	vst v6;
	v3 =	vmul.f32 v3, v1;
	v5 =	vmax.f32 v5, $0.0e+00  }
0x1f0: {  	v2 =	vmax.f32 v2, $0.0e+00;
	[tilespmem:s5+$0x0] =	vst v4;
	v4 =	vmul.f32 v5, v1  }
0x1f1: {  	v1 =	vmul.f32 v2, v1;
	[tilespmem:s5+$0x10] =	vst v3  }
0x1f2: {  	s7 =	sadd.s32 s3, s14;
	[tilespmem:s5+$0x20] =	vst v4  }
0x1f3: {  	s14 =	sadd.s32 s1, s7;
	[tilespmem:s5+$0xFFFFFFC0] =	vst v1;
	s5 =	sadd.s32 @!p1 $0x5, s31  }
0x1f4: {  	[hbm4b:s14+s11] =	stream.strided.scatter [tilespmem:s19], [sflag:$0x6], $0x1000, s12, s11, $0x38;
	[tilespmem:$0x8000] =	vst v63  }
0x1f5: {  	s7 =	sshll.u32 @!p1 s5, $0x4  }
0x1f6: {  	s5 =	sshll.u32 @!p1 s5, $0x9;
	s7 =	sand.u32 @!p1 $0x50, s7  }
0x1f7: {  	s13 =	simm.s32 @!p1 $0x400;
	s5 =	sand.u32 @!p1 $0xFFFF000, s5;
	s7 =	sadd.s32 @!p1 s2, s7  }
0x1f8: {  	s14 =	simm.s32 @!p1 $0x1000;
	s5 =	sadd.s32 @!p1 s5, s7;
	s7 =	simm.s32 @!p1 $0x80  }
0x1f9: {  	[tilespmem:s14], [sflag:$0x2] =	stream.strided.gather @!p1 [hbm4b:s5+s7], $0x1000, s13, s7, $0x38;
	[tilespmem:$0x8000] =	vst v63  }
0x1fa: {  	_ =	swait.ge [sflag:s20], $0x1000  }
0x1fb: {  	[sflag:s20] =	ssyncset.done $0x0  }
0x1fc: {  	s7 =	simm.s32 $0x2080;
	[sflag:s20] =	ssyncadd.s32 $0xFFFFF000  }
0x1fd: {  	v1 =	vld [tilespmem:s7+$0xFFFFFF80]  }
0x1fe: {  	v2 =	vld [tilespmem:s7+$0xFFFFFF90]  }
0x1ff: {  	v3 =	vld [tilespmem:s7+$0xFFFFFFA0];
	_ =	sdelay $0x1  }
0x200: {  	v4 =	vimm.f32 $-Inf  }
0x201: {  	v6 =	vld [tilespmem:s7+$0xFFFFFFB0];
	v5 =	vmax.f32 v4, v1;
	v1 =	vmin.f32 v4, v1  }
0x202: {  	v7 =	vmax.f32 v4, v1;
	v1 =	vmin.f32 v4, v1;
	v8 =	vmax.f32 v5, v2  }
0x203: {  	v9 =	vld [tilespmem:s7+$0xFFFFFFC0];
	v2 =	vmin.f32 v5, v2;
	v1 =	vmax.f32 v4, v1;
	v4 =	vmax.f32 v8, v3  }
0x204: {  	v5 =	vld [tilespmem:s7+$0xFFFFFFD0];
	v10 =	vmax.f32 v7, v2;
	v2 =	vmin.f32 v7, v2;
	v3 =	vmin.f32 v8, v3  }
0x205: {  	v1 =	vmax.f32 v1, v2;
	v2 =	vmax.f32 v10, v3;
	v3 =	vmin.f32 v10, v3  }
0x206: {  	v7 =	vld [tilespmem:s7+$0xFFFFFFE0];
	v1 =	vmax.f32 v1, v3;
	v3 =	vmax.f32 v4, v6;
	v4 =	vmin.f32 v4, v6  }
0x207: {  	v8 =	vmax.f32 v2, v4  }
0x208: {  	v6 =	vld [tilespmem:s7+$0xFFFFFFF0];
	v10 =	vmax.f32 v3, v9;
	v3 =	vmin.f32 v3, v9;
	v2 =	vmin.f32 v2, v4  }
0x209: {  	v9 =	vld [tilespmem:s7+$0x0];
	v11 =	vmax.f32 v8, v3;
	v3 =	vmin.f32 v8, v3;
	v8 =	vmin.f32 v10, v5  }
0x20a: {  	v4 =	vmax.f32 v10, v5;
	v10 =	vld [tilespmem:s7+$0x10];
	v1 =	vmax.f32 v1, v2;
	v5 =	vmax.f32 v11, v8  }
0x20b: {  	v2 =	vmin.f32 v11, v8;
	v1 =	vmax.f32 v1, v3;
	v3 =	vmin.f32 v4, v7  }
0x20c: {  	v8 =	vmax.f32 v4, v7;
	v11 =	vld [tilespmem:s7+$0x20];
	v1 =	vmax.f32 v1, v2;
	v2 =	vmax.f32 v5, v3  }
0x20d: {  	v3 =	vmin.f32 v5, v3;
	v4 =	vmax.f32 v8, v6;
	v5 =	vmin.f32 v8, v6  }
0x20e: {  	v63 =	vld [tilespmem:s7+$0x30];
	v3 =	vmax.f32 v1, v3;
	v7 =	vmin.f32 v4, v9;
	v4 =	vmax.f32 v4, v9  }
0x20f: {  	v6 =	vmax.f32 v2, v5;
	v5 =	vmin.f32 v2, v5;
	v2 =	vmax.f32 v4, v10  }
0x210: {  	v13 =	vld [tilespmem:s7+$0x40];
	v8 =	vmax.f32 v6, v7;
	v6 =	vmin.f32 v6, v7;
	v4 =	vmin.f32 v4, v10  }
0x211: {  	v1 =	vld [tilespmem:s7+$0x50];
	v3 =	vmax.f32 v3, v5;
	v9 =	vmax.f32 v2, v11;
	v7 =	vmin.f32 v2, v11  }
0x212: {  	v10 =	vmax.f32 v8, v4;
	v2 =	vld [tilespmem:s7+$0x60];
	v4 =	vmin.f32 v8, v4;
	v6 =	vmax.f32 v3, v6  }
0x213: {  	v11 =	vmax.f32 v9, v63;
	v9 =	vmin.f32 v9, v63;
	v5 =	vmax.f32 v10, v7  }
0x214: {  	v8 =	vmin.f32 v10, v7;
	v3 =	vmax.f32 v5, v9;
	v10 =	vmin.f32 v5, v9;
	v5 =	vld [tilespmem:s7+$0x70]  }
0x215: {  	v4 =	vmax.f32 v6, v4;
	v7 =	vmax.f32 v11, v13  }
0x216: {  	v4 =	vmax.f32 v4, v8;
	v6 =	vmin.f32 v11, v13;
	v9 =	vmax.f32 v7, v1  }
0x217: {  	s13 =	simm.s32 $0x0;
	s14 =	simm.s32 $0x2180;
	v8 =	vmax.f32 v4, v10;
	v10 =	vmin.f32 v3, v6;
	v4 =	vmin.f32 v9, v2  }
.LBB2_19:
0x218: {  	v11 =	vld [tilespmem:s14+$0xFFFFFF80];
	s13 =	sadd.s32 $0x10, s13;
	v8 =	vmax.f32 v8, v10;
	v1 =	vmin.f32 v7, v1;
	v2 =	vmax.f32 v9, v2  }
0x219: {  	v3 =	vmax.f32 v3, v6;
	v7 =	vld [tilespmem:s14+$0xFFFFFF90];
	p2 =	slt.u32 s13, $0xF0;
	v6 =	vmax.f32 v2, v5;
	v2 =	vmin.f32 v2, v5  }
0x21a: {  	v9 =	vmax.f32 v3, v1;
	v1 =	vmin.f32 v3, v1;
	v5 =	vld [tilespmem:s14+$0xFFFFFFA0]  }
0x21b: {  	v1 =	vmax.f32 v8, v1;
	v3 =	vmax.f32 v9, v4;
	v4 =	vmin.f32 v9, v4  }
0x21c: {  	v1 =	vmax.f32 v1, v4;
	v4 =	vmax.f32 v3, v2;
	v2 =	vmin.f32 v3, v2  }
0x21d: {  	v1 =	vmax.f32 v1, v2;
	v3 =	vmax.f32 v6, v11;
	v6 =	vmin.f32 v6, v11;
	v8 =	vld [tilespmem:s14+$0xFFFFFFB0]  }
0x21e: {  	v2 =	vmax.f32 v4, v6;
	v4 =	vmin.f32 v4, v6;
	v6 =	vmax.f32 v3, v7;
	v9 =	vld [tilespmem:s14+$0xFFFFFFC0]  }
0x21f: {  	v3 =	vmin.f32 v3, v7;
	v1 =	vmax.f32 v1, v4;
	v4 =	vmax.f32 v6, v5;
	v7 =	vld [tilespmem:s14+$0xFFFFFFD0]  }
0x220: {  	v10 =	vmax.f32 v2, v3;
	v2 =	vmin.f32 v2, v3;
	v3 =	vmin.f32 v6, v5  }
0x221: {  	v1 =	vmax.f32 v1, v2;
	v2 =	vmax.f32 v10, v3;
	v3 =	vmin.f32 v10, v3;
	v5 =	vld [tilespmem:s14+$0xFFFFFFE0]  }
0x222: {  	v1 =	vmax.f32 v1, v3;
	v3 =	vmax.f32 v4, v8;
	v4 =	vmin.f32 v4, v8;
	v6 =	vld [tilespmem:s14+$0xFFFFFFF0]  }
0x223: {  	v8 =	vmax.f32 v2, v4;
	v10 =	vmax.f32 v3, v9;
	v3 =	vmin.f32 v3, v9;
	v9 =	vld [tilespmem:s14+$0x0]  }
0x224: {  	v11 =	vmax.f32 v8, v3;
	v3 =	vmin.f32 v8, v3;
	v8 =	vmin.f32 v10, v7  }
0x225: {  	v2 =	vmin.f32 v2, v4;
	v4 =	vmax.f32 v10, v7;
	v7 =	vmax.f32 v11, v8;
	v10 =	vld [tilespmem:s14+$0x10]  }
0x226: {  	v1 =	vmax.f32 v1, v2;
	v2 =	vmin.f32 v11, v8;
	v8 =	vmax.f32 v4, v5;
	v11 =	vld [tilespmem:s14+$0x20]  }
0x227: {  	v1 =	vmax.f32 v1, v3;
	v3 =	vmin.f32 v4, v5;
	v4 =	vmax.f32 v8, v6  }
0x228: {  	v1 =	vmax.f32 v1, v2;
	v2 =	vmax.f32 v7, v3;
	v5 =	vmin.f32 v4, v9;
	v12 =	vld [tilespmem:s14+$0x30]  }
0x229: {  	v3 =	vmin.f32 v7, v3;
	v6 =	vmin.f32 v8, v6;
	v4 =	vmax.f32 v4, v9  }
0x22a: {  	v7 =	vmax.f32 v2, v6;
	v6 =	vmin.f32 v2, v6;
	v2 =	vmax.f32 v4, v10  }
0x22b: {  	v3 =	vmax.f32 v1, v3;
	v8 =	vmax.f32 v7, v5;
	v9 =	vmax.f32 v2, v11;
	v13 =	vld [tilespmem:s14+$0x40]  }
0x22c: {  	v5 =	vmin.f32 v7, v5;
	v4 =	vmin.f32 v4, v10;
	v7 =	vmin.f32 v2, v11;
	v1 =	vld [tilespmem:s14+$0x50]  }
0x22d: {  	v10 =	vmax.f32 v8, v4;
	v11 =	vmax.f32 v9, v12;
	v9 =	vmin.f32 v9, v12;
	v2 =	vld [tilespmem:s14+$0x60]  }
.Ltmp10:
0x22e: {  	v3 =	vmax.f32 v3, v6;
	v4 =	vmin.f32 v8, v4;
	v6 =	vmax.f32 v10, v7;
	(pc) =	sbr.rel @p2 .LBB2_19-.Ltmp10, $4  }
0x22f: {  	v8 =	vmax.f32 v3, v5;
	v10 =	vmin.f32 v10, v7;
	v3 =	vmax.f32 v6, v9;
	v5 =	vld [tilespmem:s14+$0x70]  }
0x230: {  	v4 =	vmax.f32 v8, v4;
	v8 =	vmin.f32 v6, v9;
	v7 =	vmax.f32 v11, v13  }
0x231: {  	v4 =	vmax.f32 v4, v10;
	v6 =	vmin.f32 v11, v13;
	v9 =	vmax.f32 v7, v1  }
0x232: {  	v8 =	vmax.f32 v4, v8;
	s14 =	sadd.s32 $0x100, s14;
	v10 =	vmin.f32 v3, v6;
	v4 =	vmin.f32 v9, v2  }
0x233: {  	v1 =	vmin.f32 v7, v1;
	v3 =	vmax.f32 v3, v6  }
0x234: {  	v2 =	vmax.f32 v9, v2;
	v6 =	vmax.f32 v3, v1  }
0x235: {  	v59 =	vmax.f32 v2, v5;
	v2 =	vmin.f32 v2, v5;
	v60 =	vmax.f32 v6, v4  }
0x236: {  	(xrf1) =	vsort.dscd.msk.f32 $0xffff, v59, v59;
	v61 =	vmax.f32 v60, v2  }
0x237: {  	(xrf1) =	vsort.dscd.msk.f32 $0xffff, v61, v61;
	_ =	sdelay $0xa  }
0x238: {  	v1 =	vmin.f32 v3, v1;
	v3 =	vmin.f32 v6, v4  }
0x239: {  	v62 =	vmax.f32 v8, v10  }
0x23a: {  	v1 =	vmax.f32 v62, v1;
	v63, _, _ =	vpop (xrf1)  }
0x23b: {  	v1 =	vmax.f32 v1, v3;
	v2 =	vmin.f32 v60, v2;
	v3, _, _ =	vpop (xrf1)  }
0x23c: {  	v1 =	vmax.f32 v1, v2;
	v2 =	vperm.xlane v3, v0  }
0x23d: {  	(xrf1) =	vsort.dscd.msk.f32 $0xffff, v1, v1  }
0x23e: {  	v1 =	vmax.f32 v63, v2  }
0x23f: {  	(xrf1) =	vsort.dscd.msk.f32 $0xffff, v1, v1;
	_ =	sdelay $0xb  }
0x240: {  	v1, _, _ =	vpop (xrf1)  }
0x241: {  	v2 =	vperm.xlane v1, v0  }
0x242: {  	v3, _, _ =	vpop (xrf1)  }
0x243: {  	v2 =	vmax.f32 v3, v2  }
0x244: {  	(xrf1) =	vsort.dscd.msk.f32 $0xffff, v2, v2;
	_ =	sdelay $0xd  }
0x245: {  	v2, _, _ =	vpop (xrf1)  }
0x246: {  	v3 =	vbroadcast v2, $0x5;
	_ =	sdelay $0x1  }
0x247: {  	v3 =	vsub.f32 v2, v3;
	_ =	sdelay $0x1  }
0x248: {  	v3 =	vmax.f32 v3, $0.0e+00  }
0x249: {  	(xrf2) =	vadd.scan.msk.f32 $0xffff, v3;
	_ =	sdelay $0x9  }
0x24a: {  	(v2sf) =	vpush v2, $0x5;
	v2, _, _ =	vpop (xrf2)  }
0x24b: {  	(v2sf) =	vpush v2, $0xF  }
0x24c: {  	(v2sf) =	vpush v1, $0x0;
	_ =	sdelay $0xc  }
0x24d: {  	s5 =	spop (v2sf)  }
0x24e: {  	s7 =	spop (v2sf)  }
0x24f: {  	s13 =	spop (v2sf)  }
0x250: {  	p2 =	sle.f32 s13, s5  }
.Ltmp11:
0x251: {  	_ = 	snop;
	(pc) =	sbr.rel @p2 .LBB2_24-.Ltmp11, $1  }
0x252: {  	_ =	sdelay $0x3  }
0x253: {  	s5 =	simm.s32 $0x2040  }
0x254: {  	v1 =	vld [tilespmem:s5+$0xFFFFFFC0]  }
0x255: {  	v2 =	vld [tilespmem:s5+$0xFFFFFFD0];
	_ =	sdelay $0x1  }
0x256: {  	v3 =	vld [tilespmem:s5+$0xFFFFFFE0]  }
0x257: {  	v4 =	vimm.f32 $-Inf  }
0x258: {  	v5 =	vmax.f32 v4, v1;
	v1 =	vmin.f32 v4, v1  }
0x259: {  	v7 =	vmax.f32 v4, v1;
	v1 =	vmin.f32 v4, v1;
	v8 =	vmax.f32 v5, v2  }
0x25a: {  	v6 =	vld [tilespmem:s5+$0xFFFFFFF0];
	v2 =	vmin.f32 v5, v2;
	v9 =	vmax.f32 v4, v1;
	v1 =	vmin.f32 v4, v1  }
0x25b: {  	v5 =	vmax.f32 v7, v2;
	v2 =	vmin.f32 v7, v2;
	v7 =	vmax.f32 v8, v3  }
0x25c: {  	v10 =	vld [tilespmem:s5+$0x0];
	v3 =	vmin.f32 v8, v3;
	v11 =	vmax.f32 v4, v1;
	v1 =	vmin.f32 v4, v1  }
0x25d: {  	v8 =	vmax.f32 v9, v2;
	v12 =	vmax.f32 v5, v3;
	v3 =	vmin.f32 v5, v3  }
0x25e: {  	v2 =	vmin.f32 v9, v2;
	v5 =	vmax.f32 v8, v3;
	v3 =	vmin.f32 v8, v3  }
0x25f: {  	v8 =	vmin.f32 v7, v6;
	v6 =	vmax.f32 v7, v6;
	v14 =	vmin.f32 v4, v1  }
0x260: {  	v13 =	vld [tilespmem:s5+$0x10];
	v17 =	vmax.f32 v11, v2;
	v2 =	vmin.f32 v11, v2;
	v1 =	vmax.f32 v4, v1  }
0x261: {  	v7 =	vmax.f32 v12, v8;
	v8 =	vmin.f32 v12, v8;
	v12 =	vmin.f32 v6, v10  }
0x262: {  	v6 =	vmax.f32 v6, v10;
	v10 =	vmax.f32 v17, v3;
	v3 =	vmin.f32 v17, v3  }
0x263: {  	v9 =	vld [tilespmem:s5+$0x20];
	v4 =	vmax.f32 v4, v14;
	v14 =	vmin.f32 v1, v2;
	v1 =	vmax.f32 v1, v2  }
0x264: {  	v16 =	vld [tilespmem:s5+$0x30];
	v15 =	vmax.f32 v5, v8;
	v5 =	vmin.f32 v5, v8;
	v8 =	vmax.f32 v7, v12  }
0x265: {  	v11 =	vmax.f32 v6, v13;
	v6 =	vmin.f32 v6, v13;
	v7 =	vmin.f32 v7, v12  }
0x266: {  	v2 =	vmax.f32 v4, v14;
	v14 =	vmin.f32 v1, v3;
	v3 =	vmax.f32 v1, v3  }
0x267: {  	v12 =	vmax.f32 v10, v5;
	v5 =	vmin.f32 v10, v5;
	v18 =	vmax.f32 v8, v6  }
0x268: {  	v13 =	vmax.f32 v11, v9;
	v4 =	vmin.f32 v11, v9;
	v9 =	vmax.f32 v15, v7  }
0x269: {  	v7 =	vmin.f32 v15, v7;
	v11 =	vmin.f32 v8, v6;
	v10 =	vmin.f32 v13, v16  }
0x26a: {  	v15 =	vmin.f32 v12, v7;
	v63 =	vmax.f32 v9, v11;
	v1 =	vmax.f32 v13, v16  }
0x26b: {  	v13 =	vmax.f32 v2, v14;
	v8 =	vmax.f32 v12, v7;
	v6 =	vmax.f32 v18, v4  }
0x26c: {  	v12 =	vmin.f32 v3, v5;
	v9 =	vmin.f32 v9, v11;
	v5 =	vmax.f32 v3, v5  }
0x26d: {  	v2 =	vmax.f32 v6, v10;
	v3 =	vmax.f32 v8, v9;
	v7 =	vmin.f32 v6, v10  }
0x26e: {  	v6 =	vmax.f32 v5, v15;
	v8 =	vmin.f32 v8, v9;
	v9 =	vmin.f32 v18, v4  }
0x26f: {  	v10 =	vmin.f32 v5, v15;
	v12 =	vmax.f32 v13, v12;
	v11 =	vmax.f32 v63, v9  }
0x270: {  	s13 =	simm.s32 $0x0;
	s14 =	simm.s32 $0x20C0;
	v4 =	vmax.f32 v6, v8;
	v9 =	vmin.f32 v63, v9;
	v5 =	vmin.f32 v11, v7  }
.LBB2_22:
0x271: {  	v13 =	vld [tilespmem:s14+$0xFFFFFFC0];
	s13 =	sadd.s32 $0x8, s13;
	v10 =	vmax.f32 v12, v10;
	v7 =	vmax.f32 v11, v7  }
0x272: {  	v6 =	vmin.f32 v6, v8;
	v8 =	vmax.f32 v3, v9;
	v3 =	vmin.f32 v3, v9;
	v11 =	vld [tilespmem:s14+$0xFFFFFFD0];
	p2 =	slt.u32 s13, $0xF8  }
0x273: {  	v6 =	vmax.f32 v10, v6;
	v9 =	vmax.f32 v4, v3;
	v3 =	vmin.f32 v4, v3  }
0x274: {  	v3 =	vmax.f32 v6, v3;
	v6 =	vmax.f32 v8, v5;
	v5 =	vmin.f32 v8, v5;
	v4 =	vld [tilespmem:s14+$0xFFFFFFE0]  }
0x275: {  	v8 =	vmax.f32 v9, v5;
	v5 =	vmin.f32 v9, v5  }
0x276: {  	v3 =	vmax.f32 v3, v5;
	v9 =	vmax.f32 v1, v13;
	v1 =	vmin.f32 v1, v13;
	v10 =	vld [tilespmem:s14+$0xFFFFFFF0]  }
0x277: {  	v5 =	vmax.f32 v2, v1;
	v1 =	vmin.f32 v2, v1;
	v2 =	vmax.f32 v9, v11  }
0x278: {  	v12 =	vmax.f32 v7, v1;
	v1 =	vmin.f32 v7, v1;
	v7 =	vmin.f32 v9, v11  }
0x279: {  	v9 =	vmax.f32 v5, v7;
	v5 =	vmin.f32 v5, v7;
	v7 =	vmax.f32 v2, v4;
	v11 =	vld [tilespmem:s14+$0x0]  }
0x27a: {  	v13 =	vmax.f32 v6, v1;
	v1 =	vmin.f32 v6, v1;
	v2 =	vmin.f32 v2, v4  }
0x27b: {  	v4 =	vmax.f32 v12, v5;
	v6 =	vmax.f32 v9, v2;
	v2 =	vmin.f32 v9, v2  }
0x27c: {  	v9 =	vmax.f32 v4, v2;
	v2 =	vmin.f32 v4, v2;
	v4 =	vmin.f32 v7, v10;
	v14 =	vld [tilespmem:s14+$0x10]  }
0x27d: {  	v5 =	vmin.f32 v12, v5;
	v7 =	vmax.f32 v7, v10;
	v10 =	vmax.f32 v6, v4;
	v12 =	vld [tilespmem:s14+$0x20]  }
0x27e: {  	v15 =	vmin.f32 v8, v1;
	v4 =	vmin.f32 v6, v4;
	v6 =	vmin.f32 v7, v11  }
0x27f: {  	v16 =	vmax.f32 v9, v4;
	v4 =	vmin.f32 v9, v4;
	v9 =	vmax.f32 v10, v6;
	v17 =	vld [tilespmem:s14+$0x30]  }
0x280: {  	v18 =	vmax.f32 v13, v5;
	v5 =	vmin.f32 v13, v5;
	v7 =	vmax.f32 v7, v11  }
0x281: {  	v1 =	vmax.f32 v8, v1;
	v8 =	vmax.f32 v18, v2;
	v11 =	vmax.f32 v7, v14  }
0x282: {  	v2 =	vmin.f32 v18, v2;
	v7 =	vmin.f32 v7, v14;
	v13 =	vmax.f32 v11, v12  }
0x283: {  	v3 =	vmax.f32 v3, v15;
	v6 =	vmin.f32 v10, v6;
	v14 =	vmin.f32 v1, v5  }
0x284: {  	v10 =	vmax.f32 v8, v4;
	v4 =	vmin.f32 v8, v4;
	v8 =	vmin.f32 v13, v17  }
0x285: {  	v1 =	vmax.f32 v1, v5;
	v3 =	vmax.f32 v3, v14;
	v5 =	vmin.f32 v11, v12  }
0x286: {  	v11 =	vmax.f32 v16, v6;
	v6 =	vmin.f32 v16, v6;
	v12 =	vmin.f32 v9, v7  }
0x287: {  	v14 =	vmin.f32 v1, v2;
	v15 =	vmin.f32 v10, v6;
	v16 =	vmax.f32 v11, v12  }
0x288: {  	v18 =	vmax.f32 v1, v2;
	v9 =	vmax.f32 v9, v7;
	v1 =	vmax.f32 v13, v17  }
0x289: {  	v10 =	vmax.f32 v10, v6;
	v6 =	vmax.f32 v9, v5;
	v13 =	vmax.f32 v3, v14  }
.Ltmp12:
0x28a: {  	v11 =	vmin.f32 v11, v12;
	v14 =	vmin.f32 v18, v4;
	v2 =	vmax.f32 v6, v8;
	(pc) =	sbr.rel @p2 .LBB2_22-.Ltmp12, $4  }
0x28b: {  	v4 =	vmax.f32 v18, v4;
	v3 =	vmax.f32 v10, v11;
	v7 =	vmin.f32 v6, v8  }
0x28c: {  	v5 =	vmin.f32 v9, v5;
	v6 =	vmax.f32 v4, v15;
	v8 =	vmin.f32 v10, v11  }
0x28d: {  	v10 =	vmin.f32 v4, v15;
	v11 =	vmax.f32 v16, v5;
	v4 =	vmax.f32 v6, v8  }
0x28e: {  	s14 =	sadd.s32 $0x80, s14;
	v9 =	vmin.f32 v16, v5;
	v12 =	vmax.f32 v13, v14;
	v5 =	vmin.f32 v11, v7  }
0x28f: {  	(xrf1) =	vsort.dscd.msk.f32 $0xffff, v1, v1  }
0x290: {  	(xrf1) =	vsort.dscd.msk.f32 $0xffff, v2, v2;
	_ =	sdelay $0x9  }
0x291: {  	v1 =	vmax.f32 v12, v10  }
0x292: {  	v6 =	vmin.f32 v6, v8;
	v55 =	vmin.f32 v3, v9;
	v3 =	vmax.f32 v3, v9  }
0x293: {  	v2 =	vmax.f32 v11, v7;
	v1 =	vmax.f32 v1, v6;
	v56 =	vmin.f32 v4, v55  }
0x294: {  	v57 =	vmax.f32 v4, v55;
	v58 =	vmin.f32 v3, v5;
	v3 =	vmax.f32 v3, v5;
	v59, _, _ =	vpop (xrf1)  }
0x295: {  	v1 =	vmax.f32 v1, v56;
	v60 =	vmax.f32 v57, v58;
	(xrf1) =	vsort.dscd.msk.f32 $0xffff, v2, v2;
	v61, _, _ =	vpop (xrf1)  }
0x296: {  	v2 =	vmin.f32 v57, v58;
	(xrf1) =	vsort.dscd.msk.f32 $0xffff, v3, v3;
	v3 =	vperm.xlane v61, v0  }
0x297: {  	v1 =	vmax.f32 v1, v2;
	(xrf1) =	vsort.dscd.msk.f32 $0xffff, v60, v60  }
0x298: {  	(xrf1) =	vsort.dscd.msk.f32 $0xffff, v1, v1;
	v1 =	vmax.f32 v59, v3  }
0x299: {  	(xrf1) =	vsort.dscd.msk.f32 $0xffff, v1, v1;
	_ =	sdelay $0x9  }
0x29a: {  	v1, _, _ =	vpop (xrf1)  }
0x29b: {  	v2, _, _ =	vpop (xrf1)  }
0x29c: {  	v3, _, _ =	vpop (xrf1)  }
0x29d: {  	v1 =	vperm.xlane v1, v0;
	v62, _, _ =	vpop (xrf1)  }
0x29e: {  	v63, _, _ =	vpop (xrf1)  }
0x29f: {  	v1 =	vmax.f32 v63, v1  }
0x2a0: {  	(xrf1) =	vsort.dscd.msk.f32 $0xffff, v1, v1;
	_ =	sdelay $0xc  }
0x2a1: {  	v1 =	vperm.xlane v2, v0  }
0x2a2: {  	v2, _, _ =	vpop (xrf1)  }
0x2a3: {  	v1 =	vmax.f32 v2, v1  }
0x2a4: {  	(xrf1) =	vsort.dscd.msk.f32 $0xffff, v1, v1;
	_ =	sdelay $0xc  }
0x2a5: {  	v1 =	vperm.xlane v3, v0  }
0x2a6: {  	v2, _, _ =	vpop (xrf1)  }
0x2a7: {  	v1 =	vmax.f32 v2, v1  }
0x2a8: {  	(xrf1) =	vsort.dscd.msk.f32 $0xffff, v1, v1;
	_ =	sdelay $0xc  }
0x2a9: {  	v1 =	vperm.xlane v62, v0  }
0x2aa: {  	v2, _, _ =	vpop (xrf1)  }
0x2ab: {  	v1 =	vmax.f32 v2, v1  }
0x2ac: {  	(xrf1) =	vsort.dscd.msk.f32 $0xffff, v1, v1;
	_ =	sdelay $0xd  }
0x2ad: {  	v1, _, _ =	vpop (xrf1)  }
0x2ae: {  	v2 =	vbroadcast v1, $0x5;
	_ =	sdelay $0x1  }
0x2af: {  	v2 =	vsub.f32 v1, v2;
	_ =	sdelay $0x1  }
0x2b0: {  	v2 =	vmax.f32 v2, $0.0e+00  }
0x2b1: {  	(xrf2) =	vadd.scan.msk.f32 $0xffff, v2;
	_ =	sdelay $0x9  }
0x2b2: {  	(v2sf) =	vpush v1, $0x5;
	v1, _, _ =	vpop (xrf2)  }
0x2b3: {  	(v2sf) =	vpush v1, $0xF;
	_ =	sdelay $0xd  }
0x2b4: {  	s5 =	spop (v2sf)  }
0x2b5: {  	s7 =	spop (v2sf)  }
.LBB2_24:
0x2b6: {  	s7 =	sadd.f32 $1.000000010e-07, s7;
	_ =	sdelay $0x1  }
0x2b7: {  	v1 =	vmov s7  }
0x2b8: {  	(erf) = vrcp.f32 v1;
	_ =	sdelay $0x8  }
0x2b9: {  	s7 =	simm.s32 @!p0 $0x7;
	v1 =	vpop (erf)  }
0x2ba: {  	_ =	swait.ge @!p0 [sflag:s7], $0x1000  }
0x2bb: {  	[sflag:s7] =	ssyncset.done @!p0 $0x0  }
0x2bc: {  	s14 =	simm.s32 $0x2040;
	[sflag:s7] =	ssyncadd.s32 @!p0 $0xFFFFF000  }
0x2bd: {  	v3 =	vld [tilespmem:s14+$0x30]  }
0x2be: {  	v4 =	vld [tilespmem:s14+$0xFFFFFFD0]  }
0x2bf: {  	v5 =	vld [tilespmem:s14+$0xFFFFFFE0]  }
0x2c0: {  	v6 =	vld [tilespmem:s14+$0xFFFFFFF0]  }
0x2c1: {  	v2 =	vmov s5;
	v7 =	vld [tilespmem:s14+$0x0]  }
0x2c2: {  	v8 =	vld [tilespmem:s14+$0x10];
	v3 =	vsub.f32 v3, v2  }
0x2c3: {  	v9 =	vld [tilespmem:s14+$0x20];
	v4 =	vsub.f32 v4, v2  }
0x2c4: {  	s7 =	simm.s32 $0x20C0;
	v10 =	vld [tilespmem:s14+$0xFFFFFFC0];
	v5 =	vsub.f32 v5, v2;
	v3 =	vmax.f32 v3, $0.0e+00  }
0x2c5: {  	v11 =	vld [tilespmem:s7+$0x30];
	v6 =	vsub.f32 v6, v2;
	v4 =	vmax.f32 v4, $0.0e+00;
	v3 =	vmul.f32 v3, v1  }
0x2c6: {  	s13 =	simm.s32 $0x6040;
	v12 =	vld [tilespmem:s7+$0xFFFFFFD0];
	v7 =	vsub.f32 v7, v2;
	v5 =	vmax.f32 v5, $0.0e+00;
	v4 =	vmul.f32 v4, v1  }
0x2c7: {  	v13 =	vld [tilespmem:s7+$0xFFFFFFE0];
	v8 =	vsub.f32 v8, v2;
	v14 =	vmax.f32 v6, $0.0e+00;
	v5 =	vmul.f32 v5, v1;
	[tilespmem:s13+$0x30] =	vst v3  }
0x2c8: {  	v6 =	vld [tilespmem:s7+$0xFFFFFFF0];
	v14 =	vmul.f32 v14, v1;
	[tilespmem:s13+$0xFFFFFFD0] =	vst v4;
	v3 =	vmax.f32 v7, $0.0e+00;
	v7 =	vsub.f32 v9, v2  }
0x2c9: {  	v4 =	vld [tilespmem:s7+$0x0];
	v9 =	vsub.f32 v10, v2;
	[tilespmem:s13+$0xFFFFFFE0] =	vst v5;
	v5 =	vmax.f32 v8, $0.0e+00;
	v10 =	vmul.f32 v3, v1  }
0x2ca: {  	v11 =	vsub.f32 v11, v2;
	[tilespmem:s13+$0xFFFFFFF0] =	vst v14;
	v3 =	vld [tilespmem:s7+$0x10];
	v14 =	vmul.f32 v5, v1;
	v7 =	vmax.f32 v7, $0.0e+00  }
0x2cb: {  	v8 =	vsub.f32 v12, v2;
	v5 =	vld [tilespmem:s7+$0x20];
	v15 =	vmax.f32 v9, $0.0e+00;
	[tilespmem:s13+$0x0] =	vst v10;
	v9 =	vmul.f32 v7, v1  }
0x2cc: {  	s5 =	simm.s32 $0x8;
	s14 =	sor.u32 $0x20, s0;
	v12 =	vmax.f32 v11, $0.0e+00;
	v7 =	vld [tilespmem:s7+$0xFFFFFFC0];
	v10 =	vsub.f32 v13, v2;
	s7 =	simm.s32 $0x2140;
	v11 =	vmul.f32 v15, v1;
	[tilespmem:s13+$0x10] =	vst v14  }
.LBB2_25:
0x2cd: {  	v13 =	vld [tilespmem:s7+$0x30];
	s5 =	sadd.s32 $0x8, s5;
	v8 =	vmax.f32 v8, $0.0e+00;
	v6 =	vsub.f32 v6, v2;
	v12 =	vmul.f32 v12, v1;
	[tilespmem:s13+$0x20] =	vst v9  }
0x2ce: {  	v9 =	vld [tilespmem:s7+$0xFFFFFFD0];
	p2 =	slt.u32 s5, $0xF8;
	v8 =	vmul.f32 v8, v1;
	v10 =	vmax.f32 v10, $0.0e+00;
	v4 =	vsub.f32 v4, v2;
	[tilespmem:s13+$0xFFFFFFC0] =	vst v11;
	s13 =	sadd.s32 $0x80, s13  }
0x2cf: {  	v11 =	vld [tilespmem:s7+$0xFFFFFFE0];
	v10 =	vmul.f32 v10, v1;
	v14 =	vmax.f32 v6, $0.0e+00;
	v3 =	vsub.f32 v3, v2;
	[tilespmem:s13+$0x30] =	vst v12  }
.Ltmp13:
0x2d0: {  	v6 =	vld [tilespmem:s7+$0xFFFFFFF0];
	[tilespmem:s13+$0xFFFFFFD0] =	vst v8;
	v8 =	vmul.f32 v14, v1;
	v12 =	vmax.f32 v4, $0.0e+00;
	v5 =	vsub.f32 v5, v2;
	(pc) =	sbr.rel @p2 .LBB2_25-.Ltmp13, $4  }
0x2d1: {  	v4 =	vld [tilespmem:s7+$0x0];
	v7 =	vsub.f32 v7, v2;
	[tilespmem:s13+$0xFFFFFFE0] =	vst v10;
	v10 =	vmul.f32 v12, v1;
	v12 =	vmax.f32 v3, $0.0e+00  }
0x2d2: {  	v3 =	vld [tilespmem:s7+$0x10];
	v13 =	vsub.f32 v13, v2;
	[tilespmem:s13+$0xFFFFFFF0] =	vst v8;
	v14 =	vmul.f32 v12, v1;
	v12 =	vmax.f32 v5, $0.0e+00  }
0x2d3: {  	v8 =	vsub.f32 v9, v2;
	v5 =	vld [tilespmem:s7+$0x20];
	v15 =	vmax.f32 v7, $0.0e+00;
	[tilespmem:s13+$0x0] =	vst v10;
	v9 =	vmul.f32 v12, v1  }
0x2d4: {  	v7 =	vld [tilespmem:s7+$0xFFFFFFC0];
	v10 =	vsub.f32 v11, v2;
	v12 =	vmax.f32 v13, $0.0e+00;
	s7 =	sadd.s32 $0x80, s7;
	v11 =	vmul.f32 v15, v1;
	[tilespmem:s13+$0x10] =	vst v14  }
0x2d5: {  	v8 =	vmax.f32 v8, $0.0e+00;
	v6 =	vsub.f32 v6, v2;
	v12 =	vmul.f32 v12, v1;
	[tilespmem:s13+$0x20] =	vst v9  }
0x2d6: {  	s5 =	sadd.s32 $0x80, s13;
	v8 =	vmul.f32 v8, v1;
	v9 =	vmax.f32 v10, $0.0e+00;
	v4 =	vsub.f32 v4, v2;
	[tilespmem:s13+$0xFFFFFFC0] =	vst v11  }
0x2d7: {  	v9 =	vmul.f32 v9, v1;
	v6 =	vmax.f32 v6, $0.0e+00;
	v3 =	vsub.f32 v3, v2;
	[tilespmem:s5+$0x30] =	vst v12  }
0x2d8: {  	[tilespmem:s5+$0xFFFFFFD0] =	vst v8;
	v6 =	vmul.f32 v6, v1;
	v4 =	vmax.f32 v4, $0.0e+00;
	v5 =	vsub.f32 v5, v2  }
0x2d9: {  	v2 =	vsub.f32 v7, v2;
	[tilespmem:s5+$0xFFFFFFE0] =	vst v9;
	v4 =	vmul.f32 v4, v1;
	v3 =	vmax.f32 v3, $0.0e+00  }
0x2da: {  	[tilespmem:s5+$0xFFFFFFF0] =	vst v6;
	v3 =	vmul.f32 v3, v1;
	v5 =	vmax.f32 v5, $0.0e+00  }
0x2db: {  	v2 =	vmax.f32 v2, $0.0e+00;
	[tilespmem:s5+$0x0] =	vst v4;
	v4 =	vmul.f32 v5, v1  }
0x2dc: {  	v1 =	vmul.f32 v2, v1;
	[tilespmem:s5+$0x10] =	vst v3  }
0x2dd: {  	s7 =	sadd.s32 s3, s14;
	[tilespmem:s5+$0x20] =	vst v4  }
0x2de: {  	s14 =	sadd.s32 s1, s7;
	[tilespmem:s5+$0xFFFFFFC0] =	vst v1;
	s5 =	sadd.s32 @!p1 $0x6, s31  }
0x2df: {  	[hbm4b:s14+s11] =	stream.strided.scatter [tilespmem:s21], [sflag:$0x7], $0x1000, s12, s11, $0x38;
	[tilespmem:$0x8000] =	vst v63  }
0x2e0: {  	s7 =	sshll.u32 @!p1 s5, $0x4  }
0x2e1: {  	s5 =	sshll.u32 @!p1 s5, $0x9;
	s7 =	sand.u32 @!p1 $0x60, s7  }
0x2e2: {  	s13 =	simm.s32 @!p1 $0x400;
	s5 =	sand.u32 @!p1 $0xFFFF000, s5;
	s7 =	sadd.s32 @!p1 s2, s7  }
0x2e3: {  	s14 =	simm.s32 @!p1 $0x2000;
	s5 =	sadd.s32 @!p1 s5, s7;
	s7 =	simm.s32 @!p1 $0x80  }
0x2e4: {  	[tilespmem:s14], [sflag:$0x3] =	stream.strided.gather @!p1 [hbm4b:s5+s7], $0x1000, s13, s7, $0x38;
	[tilespmem:$0x8000] =	vst v63  }
0x2e5: {  	_ =	swait.ge [sflag:s22], $0x1000  }
0x2e6: {  	[sflag:s22] =	ssyncset.done $0x0  }
0x2e7: {  	s7 =	simm.s32 $0x3080;
	[sflag:s22] =	ssyncadd.s32 $0xFFFFF000  }
0x2e8: {  	v1 =	vld [tilespmem:s7+$0xFFFFFF80]  }
0x2e9: {  	v2 =	vld [tilespmem:s7+$0xFFFFFF90]  }
0x2ea: {  	v3 =	vld [tilespmem:s7+$0xFFFFFFA0];
	_ =	sdelay $0x1  }
0x2eb: {  	v4 =	vimm.f32 $-Inf  }
0x2ec: {  	v6 =	vld [tilespmem:s7+$0xFFFFFFB0];
	v5 =	vmax.f32 v4, v1;
	v1 =	vmin.f32 v4, v1  }
0x2ed: {  	v7 =	vmax.f32 v4, v1;
	v1 =	vmin.f32 v4, v1;
	v8 =	vmax.f32 v5, v2  }
0x2ee: {  	v9 =	vld [tilespmem:s7+$0xFFFFFFC0];
	v2 =	vmin.f32 v5, v2;
	v1 =	vmax.f32 v4, v1;
	v4 =	vmax.f32 v8, v3  }
0x2ef: {  	v5 =	vld [tilespmem:s7+$0xFFFFFFD0];
	v10 =	vmax.f32 v7, v2;
	v2 =	vmin.f32 v7, v2;
	v3 =	vmin.f32 v8, v3  }
0x2f0: {  	v1 =	vmax.f32 v1, v2;
	v2 =	vmax.f32 v10, v3;
	v3 =	vmin.f32 v10, v3  }
0x2f1: {  	v7 =	vld [tilespmem:s7+$0xFFFFFFE0];
	v1 =	vmax.f32 v1, v3;
	v3 =	vmax.f32 v4, v6;
	v4 =	vmin.f32 v4, v6  }
0x2f2: {  	v8 =	vmax.f32 v2, v4  }
0x2f3: {  	v6 =	vld [tilespmem:s7+$0xFFFFFFF0];
	v10 =	vmax.f32 v3, v9;
	v3 =	vmin.f32 v3, v9;
	v2 =	vmin.f32 v2, v4  }
0x2f4: {  	v9 =	vld [tilespmem:s7+$0x0];
	v11 =	vmax.f32 v8, v3;
	v3 =	vmin.f32 v8, v3;
	v8 =	vmin.f32 v10, v5  }
0x2f5: {  	v4 =	vmax.f32 v10, v5;
	v10 =	vld [tilespmem:s7+$0x10];
	v1 =	vmax.f32 v1, v2;
	v5 =	vmax.f32 v11, v8  }
0x2f6: {  	v2 =	vmin.f32 v11, v8;
	v1 =	vmax.f32 v1, v3;
	v3 =	vmin.f32 v4, v7  }
0x2f7: {  	v8 =	vmax.f32 v4, v7;
	v11 =	vld [tilespmem:s7+$0x20];
	v1 =	vmax.f32 v1, v2;
	v2 =	vmax.f32 v5, v3  }
0x2f8: {  	v3 =	vmin.f32 v5, v3;
	v4 =	vmax.f32 v8, v6;
	v5 =	vmin.f32 v8, v6  }
0x2f9: {  	v63 =	vld [tilespmem:s7+$0x30];
	v3 =	vmax.f32 v1, v3;
	v7 =	vmin.f32 v4, v9;
	v4 =	vmax.f32 v4, v9  }
0x2fa: {  	v6 =	vmax.f32 v2, v5;
	v5 =	vmin.f32 v2, v5;
	v2 =	vmax.f32 v4, v10  }
0x2fb: {  	v13 =	vld [tilespmem:s7+$0x40];
	v8 =	vmax.f32 v6, v7;
	v6 =	vmin.f32 v6, v7;
	v4 =	vmin.f32 v4, v10  }
0x2fc: {  	v1 =	vld [tilespmem:s7+$0x50];
	v3 =	vmax.f32 v3, v5;
	v9 =	vmax.f32 v2, v11;
	v7 =	vmin.f32 v2, v11  }
0x2fd: {  	v10 =	vmax.f32 v8, v4;
	v2 =	vld [tilespmem:s7+$0x60];
	v4 =	vmin.f32 v8, v4;
	v6 =	vmax.f32 v3, v6  }
0x2fe: {  	v11 =	vmax.f32 v9, v63;
	v9 =	vmin.f32 v9, v63;
	v5 =	vmax.f32 v10, v7  }
0x2ff: {  	v8 =	vmin.f32 v10, v7;
	v3 =	vmax.f32 v5, v9;
	v10 =	vmin.f32 v5, v9;
	v5 =	vld [tilespmem:s7+$0x70]  }
0x300: {  	v4 =	vmax.f32 v6, v4;
	v7 =	vmax.f32 v11, v13  }
0x301: {  	v4 =	vmax.f32 v4, v8;
	v6 =	vmin.f32 v11, v13;
	v9 =	vmax.f32 v7, v1  }
0x302: {  	s13 =	simm.s32 $0x0;
	s14 =	simm.s32 $0x3180;
	v8 =	vmax.f32 v4, v10;
	v10 =	vmin.f32 v3, v6;
	v4 =	vmin.f32 v9, v2  }
.LBB2_27:
0x303: {  	v11 =	vld [tilespmem:s14+$0xFFFFFF80];
	s13 =	sadd.s32 $0x10, s13;
	v8 =	vmax.f32 v8, v10;
	v1 =	vmin.f32 v7, v1;
	v2 =	vmax.f32 v9, v2  }
0x304: {  	v3 =	vmax.f32 v3, v6;
	v7 =	vld [tilespmem:s14+$0xFFFFFF90];
	p2 =	slt.u32 s13, $0xF0;
	v6 =	vmax.f32 v2, v5;
	v2 =	vmin.f32 v2, v5  }
0x305: {  	v9 =	vmax.f32 v3, v1;
	v1 =	vmin.f32 v3, v1;
	v5 =	vld [tilespmem:s14+$0xFFFFFFA0]  }
0x306: {  	v1 =	vmax.f32 v8, v1;
	v3 =	vmax.f32 v9, v4;
	v4 =	vmin.f32 v9, v4  }
0x307: {  	v1 =	vmax.f32 v1, v4;
	v4 =	vmax.f32 v3, v2;
	v2 =	vmin.f32 v3, v2  }
0x308: {  	v1 =	vmax.f32 v1, v2;
	v3 =	vmax.f32 v6, v11;
	v6 =	vmin.f32 v6, v11;
	v8 =	vld [tilespmem:s14+$0xFFFFFFB0]  }
0x309: {  	v2 =	vmax.f32 v4, v6;
	v4 =	vmin.f32 v4, v6;
	v6 =	vmax.f32 v3, v7;
	v9 =	vld [tilespmem:s14+$0xFFFFFFC0]  }
0x30a: {  	v3 =	vmin.f32 v3, v7;
	v1 =	vmax.f32 v1, v4;
	v4 =	vmax.f32 v6, v5;
	v7 =	vld [tilespmem:s14+$0xFFFFFFD0]  }
0x30b: {  	v10 =	vmax.f32 v2, v3;
	v2 =	vmin.f32 v2, v3;
	v3 =	vmin.f32 v6, v5  }
0x30c: {  	v1 =	vmax.f32 v1, v2;
	v2 =	vmax.f32 v10, v3;
	v3 =	vmin.f32 v10, v3;
	v5 =	vld [tilespmem:s14+$0xFFFFFFE0]  }
0x30d: {  	v1 =	vmax.f32 v1, v3;
	v3 =	vmax.f32 v4, v8;
	v4 =	vmin.f32 v4, v8;
	v6 =	vld [tilespmem:s14+$0xFFFFFFF0]  }
0x30e: {  	v8 =	vmax.f32 v2, v4;
	v10 =	vmax.f32 v3, v9;
	v3 =	vmin.f32 v3, v9;
	v9 =	vld [tilespmem:s14+$0x0]  }
0x30f: {  	v11 =	vmax.f32 v8, v3;
	v3 =	vmin.f32 v8, v3;
	v8 =	vmin.f32 v10, v7  }
0x310: {  	v2 =	vmin.f32 v2, v4;
	v4 =	vmax.f32 v10, v7;
	v7 =	vmax.f32 v11, v8;
	v10 =	vld [tilespmem:s14+$0x10]  }
0x311: {  	v1 =	vmax.f32 v1, v2;
	v2 =	vmin.f32 v11, v8;
	v8 =	vmax.f32 v4, v5;
	v11 =	vld [tilespmem:s14+$0x20]  }
0x312: {  	v1 =	vmax.f32 v1, v3;
	v3 =	vmin.f32 v4, v5;
	v4 =	vmax.f32 v8, v6  }
0x313: {  	v1 =	vmax.f32 v1, v2;
	v2 =	vmax.f32 v7, v3;
	v5 =	vmin.f32 v4, v9;
	v12 =	vld [tilespmem:s14+$0x30]  }
0x314: {  	v3 =	vmin.f32 v7, v3;
	v6 =	vmin.f32 v8, v6;
	v4 =	vmax.f32 v4, v9  }
0x315: {  	v7 =	vmax.f32 v2, v6;
	v6 =	vmin.f32 v2, v6;
	v2 =	vmax.f32 v4, v10  }
0x316: {  	v3 =	vmax.f32 v1, v3;
	v8 =	vmax.f32 v7, v5;
	v9 =	vmax.f32 v2, v11;
	v13 =	vld [tilespmem:s14+$0x40]  }
0x317: {  	v5 =	vmin.f32 v7, v5;
	v4 =	vmin.f32 v4, v10;
	v7 =	vmin.f32 v2, v11;
	v1 =	vld [tilespmem:s14+$0x50]  }
0x318: {  	v10 =	vmax.f32 v8, v4;
	v11 =	vmax.f32 v9, v12;
	v9 =	vmin.f32 v9, v12;
	v2 =	vld [tilespmem:s14+$0x60]  }
.Ltmp14:
0x319: {  	v3 =	vmax.f32 v3, v6;
	v4 =	vmin.f32 v8, v4;
	v6 =	vmax.f32 v10, v7;
	(pc) =	sbr.rel @p2 .LBB2_27-.Ltmp14, $4  }
0x31a: {  	v8 =	vmax.f32 v3, v5;
	v10 =	vmin.f32 v10, v7;
	v3 =	vmax.f32 v6, v9;
	v5 =	vld [tilespmem:s14+$0x70]  }
0x31b: {  	v4 =	vmax.f32 v8, v4;
	v8 =	vmin.f32 v6, v9;
	v7 =	vmax.f32 v11, v13  }
0x31c: {  	v4 =	vmax.f32 v4, v10;
	v6 =	vmin.f32 v11, v13;
	v9 =	vmax.f32 v7, v1  }
0x31d: {  	v8 =	vmax.f32 v4, v8;
	s14 =	sadd.s32 $0x100, s14;
	v10 =	vmin.f32 v3, v6;
	v4 =	vmin.f32 v9, v2  }
0x31e: {  	v1 =	vmin.f32 v7, v1;
	v3 =	vmax.f32 v3, v6  }
0x31f: {  	v2 =	vmax.f32 v9, v2;
	v6 =	vmax.f32 v3, v1  }
0x320: {  	v59 =	vmax.f32 v2, v5;
	v2 =	vmin.f32 v2, v5;
	v60 =	vmax.f32 v6, v4  }
0x321: {  	(xrf1) =	vsort.dscd.msk.f32 $0xffff, v59, v59;
	v61 =	vmax.f32 v60, v2  }
0x322: {  	(xrf1) =	vsort.dscd.msk.f32 $0xffff, v61, v61;
	_ =	sdelay $0xa  }
0x323: {  	v1 =	vmin.f32 v3, v1;
	v3 =	vmin.f32 v6, v4  }
0x324: {  	v62 =	vmax.f32 v8, v10  }
0x325: {  	v1 =	vmax.f32 v62, v1;
	v63, _, _ =	vpop (xrf1)  }
0x326: {  	v1 =	vmax.f32 v1, v3;
	v2 =	vmin.f32 v60, v2;
	v3, _, _ =	vpop (xrf1)  }
0x327: {  	v1 =	vmax.f32 v1, v2;
	v2 =	vperm.xlane v3, v0  }
0x328: {  	(xrf1) =	vsort.dscd.msk.f32 $0xffff, v1, v1  }
0x329: {  	v1 =	vmax.f32 v63, v2  }
0x32a: {  	(xrf1) =	vsort.dscd.msk.f32 $0xffff, v1, v1;
	_ =	sdelay $0xb  }
0x32b: {  	v1, _, _ =	vpop (xrf1)  }
0x32c: {  	v2 =	vperm.xlane v1, v0  }
0x32d: {  	v3, _, _ =	vpop (xrf1)  }
0x32e: {  	v2 =	vmax.f32 v3, v2  }
0x32f: {  	(xrf1) =	vsort.dscd.msk.f32 $0xffff, v2, v2;
	_ =	sdelay $0xd  }
0x330: {  	v2, _, _ =	vpop (xrf1)  }
0x331: {  	v3 =	vbroadcast v2, $0x5;
	_ =	sdelay $0x1  }
0x332: {  	v3 =	vsub.f32 v2, v3;
	_ =	sdelay $0x1  }
0x333: {  	v3 =	vmax.f32 v3, $0.0e+00  }
0x334: {  	(xrf2) =	vadd.scan.msk.f32 $0xffff, v3;
	_ =	sdelay $0x9  }
0x335: {  	(v2sf) =	vpush v2, $0x5;
	v2, _, _ =	vpop (xrf2)  }
0x336: {  	(v2sf) =	vpush v2, $0xF  }
0x337: {  	(v2sf) =	vpush v1, $0x0;
	_ =	sdelay $0xc  }
0x338: {  	s5 =	spop (v2sf)  }
0x339: {  	s7 =	spop (v2sf)  }
0x33a: {  	s13 =	spop (v2sf)  }
0x33b: {  	p2 =	sle.f32 s13, s5  }
.Ltmp15:
0x33c: {  	_ = 	snop;
	(pc) =	sbr.rel @p2 .LBB2_32-.Ltmp15, $1  }
0x33d: {  	_ =	sdelay $0x3  }
0x33e: {  	s5 =	simm.s32 $0x3040  }
0x33f: {  	v1 =	vld [tilespmem:s5+$0xFFFFFFC0]  }
0x340: {  	v2 =	vld [tilespmem:s5+$0xFFFFFFD0];
	_ =	sdelay $0x1  }
0x341: {  	v3 =	vld [tilespmem:s5+$0xFFFFFFE0]  }
0x342: {  	v4 =	vimm.f32 $-Inf  }
0x343: {  	v5 =	vmax.f32 v4, v1;
	v1 =	vmin.f32 v4, v1  }
0x344: {  	v7 =	vmax.f32 v4, v1;
	v1 =	vmin.f32 v4, v1;
	v8 =	vmax.f32 v5, v2  }
0x345: {  	v6 =	vld [tilespmem:s5+$0xFFFFFFF0];
	v2 =	vmin.f32 v5, v2;
	v9 =	vmax.f32 v4, v1;
	v1 =	vmin.f32 v4, v1  }
0x346: {  	v5 =	vmax.f32 v7, v2;
	v2 =	vmin.f32 v7, v2;
	v7 =	vmax.f32 v8, v3  }
0x347: {  	v10 =	vld [tilespmem:s5+$0x0];
	v3 =	vmin.f32 v8, v3;
	v11 =	vmax.f32 v4, v1;
	v1 =	vmin.f32 v4, v1  }
0x348: {  	v8 =	vmax.f32 v9, v2;
	v12 =	vmax.f32 v5, v3;
	v3 =	vmin.f32 v5, v3  }
0x349: {  	v2 =	vmin.f32 v9, v2;
	v5 =	vmax.f32 v8, v3;
	v3 =	vmin.f32 v8, v3  }
0x34a: {  	v8 =	vmin.f32 v7, v6;
	v6 =	vmax.f32 v7, v6;
	v14 =	vmin.f32 v4, v1  }
0x34b: {  	v13 =	vld [tilespmem:s5+$0x10];
	v17 =	vmax.f32 v11, v2;
	v2 =	vmin.f32 v11, v2;
	v1 =	vmax.f32 v4, v1  }
0x34c: {  	v7 =	vmax.f32 v12, v8;
	v8 =	vmin.f32 v12, v8;
	v12 =	vmin.f32 v6, v10  }
0x34d: {  	v6 =	vmax.f32 v6, v10;
	v10 =	vmax.f32 v17, v3;
	v3 =	vmin.f32 v17, v3  }
0x34e: {  	v9 =	vld [tilespmem:s5+$0x20];
	v4 =	vmax.f32 v4, v14;
	v14 =	vmin.f32 v1, v2;
	v1 =	vmax.f32 v1, v2  }
0x34f: {  	v16 =	vld [tilespmem:s5+$0x30];
	v15 =	vmax.f32 v5, v8;
	v5 =	vmin.f32 v5, v8;
	v8 =	vmax.f32 v7, v12  }
0x350: {  	v11 =	vmax.f32 v6, v13;
	v6 =	vmin.f32 v6, v13;
	v7 =	vmin.f32 v7, v12  }
0x351: {  	v2 =	vmax.f32 v4, v14;
	v14 =	vmin.f32 v1, v3;
	v3 =	vmax.f32 v1, v3  }
0x352: {  	v12 =	vmax.f32 v10, v5;
	v5 =	vmin.f32 v10, v5;
	v18 =	vmax.f32 v8, v6  }
0x353: {  	v13 =	vmax.f32 v11, v9;
	v4 =	vmin.f32 v11, v9;
	v9 =	vmax.f32 v15, v7  }
0x354: {  	v7 =	vmin.f32 v15, v7;
	v11 =	vmin.f32 v8, v6;
	v10 =	vmin.f32 v13, v16  }
0x355: {  	v15 =	vmin.f32 v12, v7;
	v63 =	vmax.f32 v9, v11;
	v1 =	vmax.f32 v13, v16  }
0x356: {  	v13 =	vmax.f32 v2, v14;
	v8 =	vmax.f32 v12, v7;
	v6 =	vmax.f32 v18, v4  }
0x357: {  	v12 =	vmin.f32 v3, v5;
	v9 =	vmin.f32 v9, v11;
	v5 =	vmax.f32 v3, v5  }
0x358: {  	v2 =	vmax.f32 v6, v10;
	v3 =	vmax.f32 v8, v9;
	v7 =	vmin.f32 v6, v10  }
0x359: {  	v6 =	vmax.f32 v5, v15;
	v8 =	vmin.f32 v8, v9;
	v9 =	vmin.f32 v18, v4  }
0x35a: {  	v10 =	vmin.f32 v5, v15;
	v12 =	vmax.f32 v13, v12;
	v11 =	vmax.f32 v63, v9  }
0x35b: {  	s13 =	simm.s32 $0x0;
	s14 =	simm.s32 $0x30C0;
	v4 =	vmax.f32 v6, v8;
	v9 =	vmin.f32 v63, v9;
	v5 =	vmin.f32 v11, v7  }
.LBB2_30:
0x35c: {  	v13 =	vld [tilespmem:s14+$0xFFFFFFC0];
	s13 =	sadd.s32 $0x8, s13;
	v10 =	vmax.f32 v12, v10;
	v7 =	vmax.f32 v11, v7  }
0x35d: {  	v6 =	vmin.f32 v6, v8;
	v8 =	vmax.f32 v3, v9;
	v3 =	vmin.f32 v3, v9;
	v11 =	vld [tilespmem:s14+$0xFFFFFFD0];
	p2 =	slt.u32 s13, $0xF8  }
0x35e: {  	v6 =	vmax.f32 v10, v6;
	v9 =	vmax.f32 v4, v3;
	v3 =	vmin.f32 v4, v3  }
0x35f: {  	v3 =	vmax.f32 v6, v3;
	v6 =	vmax.f32 v8, v5;
	v5 =	vmin.f32 v8, v5;
	v4 =	vld [tilespmem:s14+$0xFFFFFFE0]  }
0x360: {  	v8 =	vmax.f32 v9, v5;
	v5 =	vmin.f32 v9, v5  }
0x361: {  	v3 =	vmax.f32 v3, v5;
	v9 =	vmax.f32 v1, v13;
	v1 =	vmin.f32 v1, v13;
	v10 =	vld [tilespmem:s14+$0xFFFFFFF0]  }
0x362: {  	v5 =	vmax.f32 v2, v1;
	v1 =	vmin.f32 v2, v1;
	v2 =	vmax.f32 v9, v11  }
0x363: {  	v12 =	vmax.f32 v7, v1;
	v1 =	vmin.f32 v7, v1;
	v7 =	vmin.f32 v9, v11  }
0x364: {  	v9 =	vmax.f32 v5, v7;
	v5 =	vmin.f32 v5, v7;
	v7 =	vmax.f32 v2, v4;
	v11 =	vld [tilespmem:s14+$0x0]  }
0x365: {  	v13 =	vmax.f32 v6, v1;
	v1 =	vmin.f32 v6, v1;
	v2 =	vmin.f32 v2, v4  }
0x366: {  	v4 =	vmax.f32 v12, v5;
	v6 =	vmax.f32 v9, v2;
	v2 =	vmin.f32 v9, v2  }
0x367: {  	v9 =	vmax.f32 v4, v2;
	v2 =	vmin.f32 v4, v2;
	v4 =	vmin.f32 v7, v10;
	v14 =	vld [tilespmem:s14+$0x10]  }
0x368: {  	v5 =	vmin.f32 v12, v5;
	v7 =	vmax.f32 v7, v10;
	v10 =	vmax.f32 v6, v4;
	v12 =	vld [tilespmem:s14+$0x20]  }
0x369: {  	v15 =	vmin.f32 v8, v1;
	v4 =	vmin.f32 v6, v4;
	v6 =	vmin.f32 v7, v11  }
0x36a: {  	v16 =	vmax.f32 v9, v4;
	v4 =	vmin.f32 v9, v4;
	v9 =	vmax.f32 v10, v6;
	v17 =	vld [tilespmem:s14+$0x30]  }
0x36b: {  	v18 =	vmax.f32 v13, v5;
	v5 =	vmin.f32 v13, v5;
	v7 =	vmax.f32 v7, v11  }
0x36c: {  	v1 =	vmax.f32 v8, v1;
	v8 =	vmax.f32 v18, v2;
	v11 =	vmax.f32 v7, v14  }
0x36d: {  	v2 =	vmin.f32 v18, v2;
	v7 =	vmin.f32 v7, v14;
	v13 =	vmax.f32 v11, v12  }
0x36e: {  	v3 =	vmax.f32 v3, v15;
	v6 =	vmin.f32 v10, v6;
	v14 =	vmin.f32 v1, v5  }
0x36f: {  	v10 =	vmax.f32 v8, v4;
	v4 =	vmin.f32 v8, v4;
	v8 =	vmin.f32 v13, v17  }
0x370: {  	v1 =	vmax.f32 v1, v5;
	v3 =	vmax.f32 v3, v14;
	v5 =	vmin.f32 v11, v12  }
0x371: {  	v11 =	vmax.f32 v16, v6;
	v6 =	vmin.f32 v16, v6;
	v12 =	vmin.f32 v9, v7  }
0x372: {  	v14 =	vmin.f32 v1, v2;
	v15 =	vmin.f32 v10, v6;
	v16 =	vmax.f32 v11, v12  }
0x373: {  	v18 =	vmax.f32 v1, v2;
	v9 =	vmax.f32 v9, v7;
	v1 =	vmax.f32 v13, v17  }
0x374: {  	v10 =	vmax.f32 v10, v6;
	v6 =	vmax.f32 v9, v5;
	v13 =	vmax.f32 v3, v14  }
.Ltmp16:
0x375: {  	v11 =	vmin.f32 v11, v12;
	v14 =	vmin.f32 v18, v4;
	v2 =	vmax.f32 v6, v8;
	(pc) =	sbr.rel @p2 .LBB2_30-.Ltmp16, $4  }
0x376: {  	v4 =	vmax.f32 v18, v4;
	v3 =	vmax.f32 v10, v11;
	v7 =	vmin.f32 v6, v8  }
0x377: {  	v5 =	vmin.f32 v9, v5;
	v6 =	vmax.f32 v4, v15;
	v8 =	vmin.f32 v10, v11  }
0x378: {  	v10 =	vmin.f32 v4, v15;
	v11 =	vmax.f32 v16, v5;
	v4 =	vmax.f32 v6, v8  }
0x379: {  	s14 =	sadd.s32 $0x80, s14;
	v9 =	vmin.f32 v16, v5;
	v12 =	vmax.f32 v13, v14;
	v5 =	vmin.f32 v11, v7  }
0x37a: {  	(xrf1) =	vsort.dscd.msk.f32 $0xffff, v1, v1  }
0x37b: {  	(xrf1) =	vsort.dscd.msk.f32 $0xffff, v2, v2;
	_ =	sdelay $0x9  }
0x37c: {  	v1 =	vmax.f32 v12, v10  }
0x37d: {  	v6 =	vmin.f32 v6, v8;
	v55 =	vmin.f32 v3, v9;
	v3 =	vmax.f32 v3, v9  }
0x37e: {  	v2 =	vmax.f32 v11, v7;
	v1 =	vmax.f32 v1, v6;
	v56 =	vmin.f32 v4, v55  }
0x37f: {  	v57 =	vmax.f32 v4, v55;
	v58 =	vmin.f32 v3, v5;
	v3 =	vmax.f32 v3, v5;
	v59, _, _ =	vpop (xrf1)  }
0x380: {  	v1 =	vmax.f32 v1, v56;
	v60 =	vmax.f32 v57, v58;
	(xrf1) =	vsort.dscd.msk.f32 $0xffff, v2, v2;
	v61, _, _ =	vpop (xrf1)  }
0x381: {  	v2 =	vmin.f32 v57, v58;
	(xrf1) =	vsort.dscd.msk.f32 $0xffff, v3, v3;
	v3 =	vperm.xlane v61, v0  }
0x382: {  	v1 =	vmax.f32 v1, v2;
	(xrf1) =	vsort.dscd.msk.f32 $0xffff, v60, v60  }
0x383: {  	(xrf1) =	vsort.dscd.msk.f32 $0xffff, v1, v1;
	v1 =	vmax.f32 v59, v3  }
0x384: {  	(xrf1) =	vsort.dscd.msk.f32 $0xffff, v1, v1;
	_ =	sdelay $0x9  }
0x385: {  	v1, _, _ =	vpop (xrf1)  }
0x386: {  	v2, _, _ =	vpop (xrf1)  }
0x387: {  	v3, _, _ =	vpop (xrf1)  }
0x388: {  	v1 =	vperm.xlane v1, v0;
	v62, _, _ =	vpop (xrf1)  }
0x389: {  	v63, _, _ =	vpop (xrf1)  }
0x38a: {  	v1 =	vmax.f32 v63, v1  }
0x38b: {  	(xrf1) =	vsort.dscd.msk.f32 $0xffff, v1, v1;
	_ =	sdelay $0xc  }
0x38c: {  	v1 =	vperm.xlane v2, v0  }
0x38d: {  	v2, _, _ =	vpop (xrf1)  }
0x38e: {  	v1 =	vmax.f32 v2, v1  }
0x38f: {  	(xrf1) =	vsort.dscd.msk.f32 $0xffff, v1, v1;
	_ =	sdelay $0xc  }
0x390: {  	v1 =	vperm.xlane v3, v0  }
0x391: {  	v2, _, _ =	vpop (xrf1)  }
0x392: {  	v1 =	vmax.f32 v2, v1  }
0x393: {  	(xrf1) =	vsort.dscd.msk.f32 $0xffff, v1, v1;
	_ =	sdelay $0xc  }
0x394: {  	v1 =	vperm.xlane v62, v0  }
0x395: {  	v2, _, _ =	vpop (xrf1)  }
0x396: {  	v1 =	vmax.f32 v2, v1  }
0x397: {  	(xrf1) =	vsort.dscd.msk.f32 $0xffff, v1, v1;
	_ =	sdelay $0xd  }
0x398: {  	v1, _, _ =	vpop (xrf1)  }
0x399: {  	v2 =	vbroadcast v1, $0x5;
	_ =	sdelay $0x1  }
0x39a: {  	v2 =	vsub.f32 v1, v2;
	_ =	sdelay $0x1  }
0x39b: {  	v2 =	vmax.f32 v2, $0.0e+00  }
0x39c: {  	(xrf2) =	vadd.scan.msk.f32 $0xffff, v2;
	_ =	sdelay $0x9  }
0x39d: {  	(v2sf) =	vpush v1, $0x5;
	v1, _, _ =	vpop (xrf2)  }
0x39e: {  	(v2sf) =	vpush v1, $0xF;
	_ =	sdelay $0xd  }
0x39f: {  	s5 =	spop (v2sf)  }
0x3a0: {  	s7 =	spop (v2sf)  }
.LBB2_32:
0x3a1: {  	s7 =	sadd.f32 $1.000000010e-07, s7;
	_ =	sdelay $0x1  }
0x3a2: {  	v1 =	vmov s7  }
0x3a3: {  	(erf) = vrcp.f32 v1;
	_ =	sdelay $0x8  }
0x3a4: {  	s7 =	simm.s32 @!p0 $0x8;
	v1 =	vpop (erf)  }
0x3a5: {  	_ =	swait.ge @!p0 [sflag:s7], $0x1000  }
0x3a6: {  	[sflag:s7] =	ssyncset.done @!p0 $0x0  }
0x3a7: {  	s13 =	simm.s32 $0x3040;
	[sflag:s7] =	ssyncadd.s32 @!p0 $0xFFFFF000  }
0x3a8: {  	v3 =	vld [tilespmem:s13+$0x30]  }
0x3a9: {  	v4 =	vld [tilespmem:s13+$0xFFFFFFD0]  }
0x3aa: {  	v5 =	vld [tilespmem:s13+$0xFFFFFFE0]  }
0x3ab: {  	v6 =	vld [tilespmem:s13+$0xFFFFFFF0]  }
0x3ac: {  	v2 =	vmov s5;
	v7 =	vld [tilespmem:s13+$0x0]  }
0x3ad: {  	v8 =	vld [tilespmem:s13+$0x10];
	v3 =	vsub.f32 v3, v2  }
0x3ae: {  	v9 =	vld [tilespmem:s13+$0x20];
	v4 =	vsub.f32 v4, v2  }
0x3af: {  	s14 =	simm.s32 $0x30C0;
	v10 =	vld [tilespmem:s13+$0xFFFFFFC0];
	v5 =	vsub.f32 v5, v2;
	v3 =	vmax.f32 v3, $0.0e+00  }
0x3b0: {  	v11 =	vld [tilespmem:s14+$0x30];
	v6 =	vsub.f32 v6, v2;
	v4 =	vmax.f32 v4, $0.0e+00;
	v3 =	vmul.f32 v3, v1  }
0x3b1: {  	s13 =	simm.s32 $0x7040;
	v12 =	vld [tilespmem:s14+$0xFFFFFFD0];
	v7 =	vsub.f32 v7, v2;
	v5 =	vmax.f32 v5, $0.0e+00;
	v4 =	vmul.f32 v4, v1  }
0x3b2: {  	v13 =	vld [tilespmem:s14+$0xFFFFFFE0];
	v8 =	vsub.f32 v8, v2;
	v14 =	vmax.f32 v6, $0.0e+00;
	v5 =	vmul.f32 v5, v1;
	[tilespmem:s13+$0x30] =	vst v3  }
0x3b3: {  	v6 =	vld [tilespmem:s14+$0xFFFFFFF0];
	v14 =	vmul.f32 v14, v1;
	[tilespmem:s13+$0xFFFFFFD0] =	vst v4;
	v3 =	vmax.f32 v7, $0.0e+00;
	v7 =	vsub.f32 v9, v2  }
0x3b4: {  	v4 =	vld [tilespmem:s14+$0x0];
	v9 =	vsub.f32 v10, v2;
	[tilespmem:s13+$0xFFFFFFE0] =	vst v5;
	v5 =	vmax.f32 v8, $0.0e+00;
	v10 =	vmul.f32 v3, v1  }
0x3b5: {  	v11 =	vsub.f32 v11, v2;
	[tilespmem:s13+$0xFFFFFFF0] =	vst v14;
	v3 =	vld [tilespmem:s14+$0x10];
	v14 =	vmul.f32 v5, v1;
	v7 =	vmax.f32 v7, $0.0e+00  }
0x3b6: {  	v8 =	vsub.f32 v12, v2;
	v5 =	vld [tilespmem:s14+$0x20];
	v15 =	vmax.f32 v9, $0.0e+00;
	[tilespmem:s13+$0x0] =	vst v10;
	v9 =	vmul.f32 v7, v1  }
0x3b7: {  	s0 =	sor.u32 $0x30, s0;
	s5 =	simm.s32 $0x8;
	s7 =	simm.s32 $0x3140;
	v12 =	vmax.f32 v11, $0.0e+00;
	v7 =	vld [tilespmem:s14+$0xFFFFFFC0];
	v10 =	vsub.f32 v13, v2;
	v11 =	vmul.f32 v15, v1;
	[tilespmem:s13+$0x10] =	vst v14  }
.LBB2_33:
0x3b8: {  	v13 =	vld [tilespmem:s7+$0x30];
	s5 =	sadd.s32 $0x8, s5;
	v8 =	vmax.f32 v8, $0.0e+00;
	v6 =	vsub.f32 v6, v2;
	v12 =	vmul.f32 v12, v1;
	[tilespmem:s13+$0x20] =	vst v9  }
0x3b9: {  	v9 =	vld [tilespmem:s7+$0xFFFFFFD0];
	p0 =	slt.u32 s5, $0xF8;
	v8 =	vmul.f32 v8, v1;
	v10 =	vmax.f32 v10, $0.0e+00;
	v4 =	vsub.f32 v4, v2;
	[tilespmem:s13+$0xFFFFFFC0] =	vst v11;
	s13 =	sadd.s32 $0x80, s13  }
0x3ba: {  	v11 =	vld [tilespmem:s7+$0xFFFFFFE0];
	v10 =	vmul.f32 v10, v1;
	v14 =	vmax.f32 v6, $0.0e+00;
	v3 =	vsub.f32 v3, v2;
	[tilespmem:s13+$0x30] =	vst v12  }
.Ltmp17:
0x3bb: {  	v6 =	vld [tilespmem:s7+$0xFFFFFFF0];
	[tilespmem:s13+$0xFFFFFFD0] =	vst v8;
	v8 =	vmul.f32 v14, v1;
	v12 =	vmax.f32 v4, $0.0e+00;
	v5 =	vsub.f32 v5, v2;
	(pc) =	sbr.rel @p0 .LBB2_33-.Ltmp17, $4  }
0x3bc: {  	v4 =	vld [tilespmem:s7+$0x0];
	v7 =	vsub.f32 v7, v2;
	[tilespmem:s13+$0xFFFFFFE0] =	vst v10;
	v10 =	vmul.f32 v12, v1;
	v12 =	vmax.f32 v3, $0.0e+00  }
0x3bd: {  	v3 =	vld [tilespmem:s7+$0x10];
	v13 =	vsub.f32 v13, v2;
	[tilespmem:s13+$0xFFFFFFF0] =	vst v8;
	v14 =	vmul.f32 v12, v1;
	v12 =	vmax.f32 v5, $0.0e+00  }
0x3be: {  	v8 =	vsub.f32 v9, v2;
	v5 =	vld [tilespmem:s7+$0x20];
	v15 =	vmax.f32 v7, $0.0e+00;
	[tilespmem:s13+$0x0] =	vst v10;
	v9 =	vmul.f32 v12, v1  }
0x3bf: {  	v7 =	vld [tilespmem:s7+$0xFFFFFFC0];
	v10 =	vsub.f32 v11, v2;
	v12 =	vmax.f32 v13, $0.0e+00;
	s7 =	sadd.s32 $0x80, s7;
	v11 =	vmul.f32 v15, v1;
	[tilespmem:s13+$0x10] =	vst v14  }
0x3c0: {  	v8 =	vmax.f32 v8, $0.0e+00;
	v6 =	vsub.f32 v6, v2;
	v12 =	vmul.f32 v12, v1;
	[tilespmem:s13+$0x20] =	vst v9  }
0x3c1: {  	s5 =	sadd.s32 $0x80, s13;
	v8 =	vmul.f32 v8, v1;
	v62 =	vmax.f32 v10, $0.0e+00;
	v4 =	vsub.f32 v4, v2;
	[tilespmem:s13+$0xFFFFFFC0] =	vst v11  }
0x3c2: {  	v9 =	vmul.f32 v62, v1;
	v6 =	vmax.f32 v6, $0.0e+00;
	v3 =	vsub.f32 v3, v2;
	[tilespmem:s5+$0x30] =	vst v12  }
0x3c3: {  	[tilespmem:s5+$0xFFFFFFD0] =	vst v8;
	v6 =	vmul.f32 v6, v1;
	v4 =	vmax.f32 v4, $0.0e+00;
	v5 =	vsub.f32 v5, v2  }
0x3c4: {  	v2 =	vsub.f32 v7, v2;
	[tilespmem:s5+$0xFFFFFFE0] =	vst v9;
	v4 =	vmul.f32 v4, v1;
	v3 =	vmax.f32 v3, $0.0e+00  }
0x3c5: {  	[tilespmem:s5+$0xFFFFFFF0] =	vst v6;
	v3 =	vmul.f32 v3, v1;
	v5 =	vmax.f32 v5, $0.0e+00  }
.Ltmp18:
0x3c6: {  	v2 =	vmax.f32 v2, $0.0e+00;
	[tilespmem:s5+$0x0] =	vst v4;
	v63 =	vmul.f32 v5, v1;
	(pc) =	sbr.rel @p1 .LBB2_36-.Ltmp18, $4  }
0x3c7: {  	v1 =	vmul.f32 v2, v1;
	[tilespmem:s5+$0x10] =	vst v3  }
0x3c8: {  	s0 =	sadd.s32 s3, s0;
	[tilespmem:s5+$0x20] =	vst v63  }
0x3c9: {  	s0 =	sadd.s32 s1, s0;
	[tilespmem:s5+$0xFFFFFFC0] =	vst v1  }
0x3ca: {  	[hbm4b:s0+s11] =	stream.strided.scatter [tilespmem:s23], [sflag:$0x8], $0x1000, s12, s11, $0x38;
	[tilespmem:$0x8000] =	vst v63  }
0x3cb: {  	s0 =	sadd.s32 $0x7, s31  }
.Ltmp19:
0x3cc: {  	s1 =	sshll.u32 s0, $0x4;
	(pc) =	sbr.rel .LBB2_2-.Ltmp19, $4  }
0x3cd: {  	s0 =	sshll.u32 s0, $0x9;
	s1 =	sand.u32 $0x70, s1  }
0x3ce: {  	s0 =	sand.u32 $0xFFFF000, s0;
	s1 =	sadd.s32 s2, s1  }
0x3cf: {  	s30 =	sadd.s32 $0x1, s30;
	s0 =	sadd.s32 s0, s1  }
0x3d0: {  	[tilespmem:s15], [sflag:$0x4] =	stream.strided.gather [hbm4b:s0+s11], $0x1000, s12, s11, $0x38;
	[tilespmem:$0x8000] =	vst v63  }
.LBB2_37:
0x3d1: {  	_ =	sfence.sel $0x180000  }
0x3d2: {  	[bflag:$0x0] =	sbarrier.arrive $0xFFFF  }
0x3d3: {  	_ =	strace $0x90000047  }
0x3d4: {  	s0 =	stileid.u32;
	[bflag:$0x2] =	sbarrier.arrive $0xFFFF  }
0x3d5: {  	p0 =	sne.s32 s0, $0x0;
	s0 =	rddreg [dreg:$0x2]  }
0x3d6: {  	s0 =	sadd.s32 @!p0 $0x100000, s0  }
0x3d7: {  	[sflag:s0] =	ssyncadd.tile.s32 @!p0 $0x1;
	_ =	shalt  }
.Lfunc_end2:
_tile_overlayer_lowered:
.L_overlay_start_2:
0x3d8: {  	(tag) =	ssettag $0x2  }
0x3d9: {  	s0 =	rddreg [dreg:$0x0];
	s2 =	stileid.u32  }
0x3da: {  	s1 =	rddreg [dreg:$0x1];
	p0 =	sne.s32 s2, $0x0  }
0x3db: {  	s3 =	rddreg [dreg:$0x2];
	[bflag:$0x3] =	sbarrier.arrive $0xFFFF;
	s2 =	simm.s32 @!p0 $0x1C09  }
0x3dc: {  	[timem:s3], [sflag:s2] =	dma.local @!p0 [hbm:s0], s1  }
0x3dd: {  	s0 =	simm.s32 @!p0 $0x9  }
0x3de: {  	_ =	swait.ge @!p0 [sflag:s0], s1  }
0x3df: {  	s1 =	ssub.s32 @!p0 $0x0, s1;
	[sflag:s0] =	ssyncset.done @!p0 $0x0  }
0x3e0: {  	[sflag:s0] =	ssyncadd.s32 @!p0 s1  }
0x3e1: {  	[bflag:$0x3] =	sbarrier.arrive $0xFFFF  }
0x3e2: {  	_ =	shalt  }

</sc_bundles>
